<compile_context>
chip_gen: v7x
topology: tpu7x:2x2x1
jax: 0.10.2.dev20260603
libtpu: 0.0.44.dev20260713+nightly
codegen_flags: <defaults>
</compile_context>

<pallas_src>
import functools

import jax
import jax.numpy as jnp
from jax import lax
from jax.experimental import pallas as pl
from jax.experimental.pallas import tpu as pltpu
from jax.experimental.pallas import tpu_sc as plsc

VOCAB = 100000
DIM = 200
DPAD = 256
WPAD = DPAD // 2
B = 4096
N_POS = 20
N_NEG = 200
K = 224
KH = K // 2
NBUF = 2
NC = 2
NS = 16
NW = NC * NS
BPW = B // NW
BBLK = 64
LANES = 16
NCHUNK = WPAD // LANES


_mesh = plsc.VectorSubcoreMesh(core_axis_name="c", subcore_axis_name="s")


@functools.partial(
    pl.kernel,
    mesh=_mesh,
    out_type=jax.ShapeDtypeStruct((B * K,), jnp.float32),
    compiler_params=pltpu.CompilerParams(
        needs_layout_passes=False, use_tc_tiling_on_sc=True),
    scratch_types=[
        pltpu.VMEM((BPW,), jnp.int32),
        pltpu.VMEM((BPW, WPAD), jnp.int32),
        pltpu.VMEM((BBLK, K), jnp.int32),
        [pltpu.VMEM((KH,), jnp.int32) for _ in range(NBUF)],
        pltpu.VMEM((NBUF, KH, WPAD), jnp.int32),
        pltpu.VMEM((BBLK * K,), jnp.float32),
        pltpu.SemaphoreType.DMA((NBUF,)),
        pltpu.SemaphoreType.DMA,
    ],
)
def _sc_scores(idx_hbm, cw_hbm, in_t_hbm, out_t_hbm, out_hbm,
               cidx_v, crows_v, kidx_v, gidx_list, rows_v, sc_v, gsem, ssem):
    gidx_v = list(gidx_list)
    wid = lax.axis_index("s") * NC + lax.axis_index("c")
    lane = lax.iota(jnp.int32, 16)
    lane0 = lane == 0

    pltpu.sync_copy(cw_hbm.at[pl.ds(wid * BPW, BPW)], cidx_v)
    pltpu.async_copy(in_t_hbm.at[cidx_v], crows_v, ssem).wait()

    def fire(b1, q):
        h1 = q & 1
        gb = gidx_v[q]
        for g in range(KH // 16):
            gb[pl.ds(g * 16, 16)] = kidx_v[b1, pl.ds(h1 * KH + g * 16, 16)]
        pltpu.async_copy(out_t_hbm.at[gb], rows_v.at[q], gsem.at[q])

    def drain(q):
        pltpu.make_async_copy(out_t_hbm.at[gidx_v[q]], rows_v.at[q],
                              gsem.at[q]).wait()

    def compute(c, b, q):
        bc = c * BBLK + b
        h = q & 1
        cvec = [plsc.bitcast(crows_v[bc, pl.ds(u * LANES, LANES)],
                             jnp.bfloat16)
                for u in range(NCHUNK)]
        obase = jnp.full((16,), b * K + h * KH, jnp.int32)

        def row(j, _):
            r0 = plsc.bitcast(rows_v[q, j, pl.ds(0, LANES)], jnp.bfloat16)
            acc = r0 * cvec[0]
            for u in range(1, NCHUNK):
                ru = plsc.bitcast(rows_v[q, j, pl.ds(u * LANES, LANES)],
                                  jnp.bfloat16)
                acc += ru * cvec[u]
            ev, od = plsc.unpack(acc, format=plsc.PackFormat.INTERLEAVED)
            s = jnp.sum(ev + od)
            plsc.store_scatter(sc_v, [obase + j],
                               jnp.full((16,), s), mask=lane0)
            return 0

        lax.fori_loop(0, KH, row, 0, unroll=4)

    for c in range(BPW // BBLK):
        base = wid * BPW + c * BBLK

        pltpu.sync_copy(idx_hbm.at[pl.ds(base, BBLK)], kidx_v)
        fire(0, 0)

        def body(b, _):
            fire(b, 1)
            drain(0)
            compute(c, b, 0)

            @pl.when(b < BBLK - 1)
            def _next():
                fire(b + 1, 0)

            drain(1)
            compute(c, b, 1)
            return 0

        lax.fori_loop(0, BBLK, body, 0)
        pltpu.sync_copy(sc_v, out_hbm.at[pl.ds(base * K, BBLK * K)])


NROW_TC = B * K // 128
BLK_TC = NROW_TC // 8


def _loss_body(scores_ref, out_ref):
    i = pl.program_id(0)

    @pl.when(i == 0)
    def _init():
        out_ref[...] = jnp.zeros((1, 1), jnp.float32)

    x = scores_ref[...]
    flat = (i * BLK_TC * 128
            + lax.broadcasted_iota(jnp.int32, x.shape, 0) * 128
            + lax.broadcasted_iota(jnp.int32, x.shape, 1))
    col = flat % K
    x = jnp.where(col < N_POS, x, -x)
    ls = jnp.where(col < N_POS + N_NEG, jax.nn.log_sigmoid(x), 0.0)
    out_ref[...] += jnp.sum(ls).reshape(1, 1)

    @pl.when(i == pl.num_programs(0) - 1)
    def _fini():
        out_ref[...] = -out_ref[...] / B


def _pack_rows(t):
    n = t.shape[0]
    lo = t[:, :WPAD].astype(jnp.bfloat16)
    hi = jnp.concatenate(
        [t[:, WPAD:].astype(jnp.bfloat16),
         jnp.zeros((n, DPAD - DIM), jnp.bfloat16)], axis=1)
    lo16 = lax.bitcast_convert_type(lo, jnp.uint16).astype(jnp.uint32)
    hi16 = lax.bitcast_convert_type(hi, jnp.uint16).astype(jnp.uint32)
    return lax.bitcast_convert_type(lo16 | (hi16 << 16), jnp.int32)


def kernel(center_word, pos_words, neg_words, in_table, out_table):
    idx_all = jnp.concatenate(
        [pos_words, neg_words,
         jnp.zeros((B, K - N_POS - N_NEG), jnp.int32)], axis=1)
    in_pk = _pack_rows(in_table)
    out_pk = _pack_rows(out_table)

    scores = _sc_scores(idx_all, center_word, in_pk, out_pk)
    scores = scores.reshape(NROW_TC, 128)

    loss = pl.pallas_call(
        _loss_body,
        grid=(NROW_TC // BLK_TC,),
        in_specs=[pl.BlockSpec((BLK_TC, 128), lambda i: (i, 0))],
        out_specs=pl.BlockSpec((1, 1), lambda i: (0, 0)),
        out_shape=jax.ShapeDtypeStruct((1, 1), jnp.float32),
    )(scores)
    return loss[0, 0]

# --- scband reference (transcript-rebuilt; emitter-appended) ---
"""Pipeline reference for scband-skip-gram-model-37469294690836 (READ-ONLY COPY).

The authoritative reference and input builder live on the scoring server;
editing this copy changes nothing except your own understanding.
"""

import jax, jax.numpy as jnp
import numpy as np

VOCAB = 100000
DIM = 200
B = 4096
N_POS = 20
N_NEG = 200


def setup_inputs(seed: int = 0) -> dict:
    key = jax.random.key(seed)
    k1, k2, k3, k4, k5 = jax.random.split(key, 5)
    init_value = 0.5 / DIM
    center_word = jax.random.randint(k1, (B,), 0, VOCAB, dtype=jnp.int32)
    pos_words = jax.random.randint(k2, (B, N_POS), 0, VOCAB, dtype=jnp.int32)
    neg_words = jax.random.randint(k3, (B, N_NEG), 0, VOCAB, dtype=jnp.int32)
    in_table = jax.random.normal(k4, (VOCAB, DIM), dtype=jnp.float32) * init_value - init_value
    out_table = jax.random.normal(k5, (VOCAB, DIM), dtype=jnp.float32) * init_value - init_value
    return {
        "center_word": center_word,
        "pos_words": pos_words,
        "neg_words": neg_words,
        "in_table": in_table,
        "out_table": out_table,
    }


def reference(center_word, pos_words, neg_words, in_table, out_table):
    # Embedding gathers (SparseCore-mappable)
    center = jnp.take(in_table, center_word, axis=0)          # [B, D]
    pos = jnp.take(out_table, pos_words, axis=0)              # [B, 2C, D]
    neg = jnp.take(out_table, neg_words, axis=0)              # [B, 2C*K, D]
    # Scores: dot product of each context/negative embedding with center
    pos_score = jnp.einsum('bcd,bd->bc', pos, center)          # [B, 2C]
    neg_score = jnp.einsum('bnd,bd->bn', neg, -center)         # [B, 2C*K]
    log_pos = jax.nn.log_sigmoid(pos_score).sum(axis=1)        # [B]
    log_neg = jax.nn.log_sigmoid(neg_score).sum(axis=1)        # [B]
    loss = -(log_pos + log_neg)                                # [B]
    return loss.mean()

if __name__ == "__main__":
    import jax
    _d = setup_inputs()
    print(jax.jit(kernel)(*tuple(_d.values())))

</pallas_src>

<mosaic_0001>
#map = affine_map<(d0, d1) -> (0, 0)>
#map1 = affine_map<(d0, d1) -> (0)>
module attributes {stable_mosaic.version = 14 : i64} {
  func.func @_sc_scores(%arg0: i32, %arg1: i32, %arg2: memref<4096x224xi32, #tpu.memory_space<hbm>>, %arg3: memref<4096xi32, #tpu.memory_space<hbm>>, %arg4: memref<100000x128xi32, #tpu.memory_space<hbm>>, %arg5: memref<100000x128xi32, #tpu.memory_space<hbm>>, %arg6: memref<917504xf32, #tpu.memory_space<hbm>>, %arg7: memref<128xi32, #tpu.memory_space<vmem>>, %arg8: memref<128x128xi32, #tpu.memory_space<vmem>>, %arg9: memref<64x224xi32, #tpu.memory_space<vmem>>, %arg10: memref<112xi32, #tpu.memory_space<vmem>>, %arg11: memref<112xi32, #tpu.memory_space<vmem>>, %arg12: memref<2x112x128xi32, #tpu.memory_space<vmem>>, %arg13: memref<14336xf32, #tpu.memory_space<vmem>>, %arg14: memref<2x!tpu.dma_semaphore, #tpu.memory_space<semaphore_mem>>, %arg15: memref<!tpu.dma_semaphore, #tpu.memory_space<semaphore_mem>>) attributes {dimension_semantics = [#tpu.dimension_semantics<core_parallel>, #tpu.dimension_semantics<subcore_parallel>], iteration_bounds = array<i64: 2, 16>, scalar_prefetch = 0 : i64, scratch_operands = 9 : i64, tpu.core_type = #tpu.core_type<sc_vector_subcore>, window_params = [{transform_indices = #map}, {transform_indices = #map1}, {transform_indices = #map}, {transform_indices = #map}, {transform_indices = #map1}]} {
    %mul3A = arith.constant 2 : i32
    %mul3A_0 = arith.muli %arg1, %mul3A : i32
    %add3A = arith.addi %mul3A_0, %arg0 : i32
    %iota3A = tpu.iota {dimensions = array<i32: 0>} : vector<16xi32>
    %eq3A = arith.constant 0 : i32
    %eq3A_1 = vector.broadcast %eq3A : i32 to vector<16xi32>
    %eq3A_2 = arith.cmpi eq, %iota3A, %eq3A_1 : vector<16xi32>
    %mul3A_3 = arith.constant 128 : i32
    %mul3A_4 = arith.muli %add3A, %mul3A_3 : i32
    "tpu.region"() ({
      %run_scoped3A = tpu.sem_alloc : memref<!tpu.dma_semaphore, #tpu.memory_space<semaphore_mem>>
      %dma_start3A_138 = tpu.memref_slice %arg3[%mul3A_4] : memref<4096xi32, #tpu.memory_space<hbm>> -> memref<128xi32, #tpu.memory_space<hbm>>
      %dma_start3A_139 = tpu.memref_slice %arg3[%mul3A_4] : memref<4096xi32, #tpu.memory_space<hbm>> -> memref<128xi32, #tpu.memory_space<hbm>>
      tpu.enqueue_dma source(%dma_start3A_139 : memref<128xi32, #tpu.memory_space<hbm>>) target(%arg7 : memref<128xi32, #tpu.memory_space<vmem>>) target_semaphore(%run_scoped3A : memref<!tpu.dma_semaphore, #tpu.memory_space<semaphore_mem>>)
      %dma_wait3A_140 = tpu.memref_slice %arg3[%mul3A_4] : memref<4096xi32, #tpu.memory_space<hbm>> -> memref<128xi32, #tpu.memory_space<hbm>>
      %dma_wait3A_141 = tpu.memref_slice %arg3[%mul3A_4] : memref<4096xi32, #tpu.memory_space<hbm>> -> memref<128xi32, #tpu.memory_space<hbm>>
      tpu.wait_dma2 semaphore(%run_scoped3A : memref<!tpu.dma_semaphore, #tpu.memory_space<semaphore_mem>>) src(%dma_wait3A_141 : memref<128xi32, #tpu.memory_space<hbm>>) dst(%arg7 : memref<128xi32, #tpu.memory_space<vmem>>)
      tpu.yield
    }) : () -> ()
    %dma_start3A = arith.constant 0 : i32
    %dma_start3A_5 = arith.constant 0 : i32
    %dma_start3A_6 = tpu.memref_slice %arg4[%dma_start3A, %dma_start3A_5] : memref<100000x128xi32, #tpu.memory_space<hbm>> -> memref<100000x128xi32, #tpu.memory_space<hbm>>
    tpu.enqueue_indirect_dma source(%dma_start3A_6 : memref<100000x128xi32, #tpu.memory_space<hbm>>) target(%arg8 : memref<128x128xi32, #tpu.memory_space<vmem>>) offsets(%arg7 : memref<128xi32, #tpu.memory_space<vmem>>) semaphore(%arg15 : memref<!tpu.dma_semaphore, #tpu.memory_space<semaphore_mem>>)
    %dma_wait3A = arith.constant 0 : i32
    %dma_wait3A_7 = arith.constant 0 : i32
    %dma_wait3A_8 = tpu.memref_slice %arg4[%dma_wait3A, %dma_wait3A_7] : memref<100000x128xi32, #tpu.memory_space<hbm>> -> memref<100000x128xi32, #tpu.memory_space<hbm>>
    tpu.wait_indirect_dma semaphore(%arg15 : memref<!tpu.dma_semaphore, #tpu.memory_space<semaphore_mem>>) src(%dma_wait3A_8 : memref<100000x128xi32, #tpu.memory_space<hbm>>) dst(%arg8 : memref<128x128xi32, #tpu.memory_space<vmem>>)
    %mul3A_9 = arith.constant 128 : i32
    %mul3A_10 = arith.muli %add3A, %mul3A_9 : i32
    %add3A_11 = arith.constant 0 : i32
    %add3A_12 = arith.addi %mul3A_10, %add3A_11 : i32
    "tpu.region"() ({
      %run_scoped3A = tpu.sem_alloc : memref<!tpu.dma_semaphore, #tpu.memory_space<semaphore_mem>>
      %dma_start3A_138 = arith.constant 0 : i32
      %dma_start3A_139 = tpu.memref_slice %arg2[%add3A_12, %dma_start3A_138] : memref<4096x224xi32, #tpu.memory_space<hbm>> -> memref<64x224xi32, #tpu.memory_space<hbm>>
      %dma_start3A_140 = arith.constant 0 : i32
      %dma_start3A_141 = tpu.memref_slice %arg2[%add3A_12, %dma_start3A_140] : memref<4096x224xi32, #tpu.memory_space<hbm>> -> memref<64x224xi32, #tpu.memory_space<hbm>>
      tpu.enqueue_dma source(%dma_start3A_141 : memref<64x224xi32, #tpu.memory_space<hbm>>) target(%arg9 : memref<64x224xi32, #tpu.memory_space<vmem>>) target_semaphore(%run_scoped3A : memref<!tpu.dma_semaphore, #tpu.memory_space<semaphore_mem>>)
      %dma_wait3A_142 = arith.constant 0 : i32
      %dma_wait3A_143 = tpu.memref_slice %arg2[%add3A_12, %dma_wait3A_142] : memref<4096x224xi32, #tpu.memory_space<hbm>> -> memref<64x224xi32, #tpu.memory_space<hbm>>
      %dma_wait3A_144 = arith.constant 0 : i32
      %dma_wait3A_145 = tpu.memref_slice %arg2[%add3A_12, %dma_wait3A_144] : memref<4096x224xi32, #tpu.memory_space<hbm>> -> memref<64x224xi32, #tpu.memory_space<hbm>>
      tpu.wait_dma2 semaphore(%run_scoped3A : memref<!tpu.dma_semaphore, #tpu.memory_space<semaphore_mem>>) src(%dma_wait3A_145 : memref<64x224xi32, #tpu.memory_space<hbm>>) dst(%arg9 : memref<64x224xi32, #tpu.memory_space<vmem>>)
      tpu.yield
    }) : () -> ()
    %get3A = arith.constant 0 : i32
    %get3A_13 = arith.index_cast %get3A : i32 to index
    %get3A_14 = arith.constant 0 : index
    %get3A_15 = tpu.vector_load %arg9[%get3A_13, %get3A_14] {strides = array<i32>} : memref<64x224xi32, #tpu.memory_space<vmem>>, vector<16xi32>,
    %swap3A = arith.constant 0 : index
    %swap3A_16 = tpu.vector_load %arg10[%swap3A] {strides = array<i32>} : memref<112xi32, #tpu.memory_space<vmem>>, vector<16xi32>,
    tpu.vector_store %arg10[%swap3A], %get3A_15 {strides = array<i32>} : memref<112xi32, #tpu.memory_space<vmem>>, vector<16xi32>,
    %get3A_17 = arith.constant 0 : i32
    %get3A_18 = arith.index_cast %get3A_17 : i32 to index
    %get3A_19 = arith.constant 16 : index
    %get3A_20 = tpu.vector_load %arg9[%get3A_18, %get3A_19] {strides = array<i32>} : memref<64x224xi32, #tpu.memory_space<vmem>>, vector<16xi32>,
    %swap3A_21 = arith.constant 16 : index
    %swap3A_22 = tpu.vector_load %arg10[%swap3A_21] {strides = array<i32>} : memref<112xi32, #tpu.memory_space<vmem>>, vector<16xi32>,
    tpu.vector_store %arg10[%swap3A_21], %get3A_20 {strides = array<i32>} : memref<112xi32, #tpu.memory_space<vmem>>, vector<16xi32>,
    %get3A_23 = arith.constant 0 : i32
    %get3A_24 = arith.index_cast %get3A_23 : i32 to index
    %get3A_25 = arith.constant 32 : index
    %get3A_26 = tpu.vector_load %arg9[%get3A_24, %get3A_25] {strides = array<i32>} : memref<64x224xi32, #tpu.memory_space<vmem>>, vector<16xi32>,
    %swap3A_27 = arith.constant 32 : index
    %swap3A_28 = tpu.vector_load %arg10[%swap3A_27] {strides = array<i32>} : memref<112xi32, #tpu.memory_space<vmem>>, vector<16xi32>,
    tpu.vector_store %arg10[%swap3A_27], %get3A_26 {strides = array<i32>} : memref<112xi32, #tpu.memory_space<vmem>>, vector<16xi32>,
    %get3A_29 = arith.constant 0 : i32
    %get3A_30 = arith.index_cast %get3A_29 : i32 to index
    %get3A_31 = arith.constant 48 : index
    %get3A_32 = tpu.vector_load %arg9[%get3A_30, %get3A_31] {strides = array<i32>} : memref<64x224xi32, #tpu.memory_space<vmem>>, vector<16xi32>,
    %swap3A_33 = arith.constant 48 : index
    %swap3A_34 = tpu.vector_load %arg10[%swap3A_33] {strides = array<i32>} : memref<112xi32, #tpu.memory_space<vmem>>, vector<16xi32>,
    tpu.vector_store %arg10[%swap3A_33], %get3A_32 {strides = array<i32>} : memref<112xi32, #tpu.memory_space<vmem>>, vector<16xi32>,
    %get3A_35 = arith.constant 0 : i32
    %get3A_36 = arith.index_cast %get3A_35 : i32 to index
    %get3A_37 = arith.constant 64 : index
    %get3A_38 = tpu.vector_load %arg9[%get3A_36, %get3A_37] {strides = array<i32>} : memref<64x224xi32, #tpu.memory_space<vmem>>, vector<16xi32>,
    %swap3A_39 = arith.constant 64 : index
    %swap3A_40 = tpu.vector_load %arg10[%swap3A_39] {strides = array<i32>} : memref<112xi32, #tpu.memory_space<vmem>>, vector<16xi32>,
    tpu.vector_store %arg10[%swap3A_39], %get3A_38 {strides = array<i32>} : memref<112xi32, #tpu.memory_space<vmem>>, vector<16xi32>,
    %get3A_41 = arith.constant 0 : i32
    %get3A_42 = arith.index_cast %get3A_41 : i32 to index
    %get3A_43 = arith.constant 80 : index
    %get3A_44 = tpu.vector_load %arg9[%get3A_42, %get3A_43] {strides = array<i32>} : memref<64x224xi32, #tpu.memory_space<vmem>>, vector<16xi32>,
    %swap3A_45 = arith.constant 80 : index
    %swap3A_46 = tpu.vector_load %arg10[%swap3A_45] {strides = array<i32>} : memref<112xi32, #tpu.memory_space<vmem>>, vector<16xi32>,
    tpu.vector_store %arg10[%swap3A_45], %get3A_44 {strides = array<i32>} : memref<112xi32, #tpu.memory_space<vmem>>, vector<16xi32>,
    %get3A_47 = arith.constant 0 : i32
    %get3A_48 = arith.index_cast %get3A_47 : i32 to index
    %get3A_49 = arith.constant 96 : index
    %get3A_50 = tpu.vector_load %arg9[%get3A_48, %get3A_49] {strides = array<i32>} : memref<64x224xi32, #tpu.memory_space<vmem>>, vector<16xi32>,
    %swap3A_51 = arith.constant 96 : index
    %swap3A_52 = tpu.vector_load %arg10[%swap3A_51] {strides = array<i32>} : memref<112xi32, #tpu.memory_space<vmem>>, vector<16xi32>,
    tpu.vector_store %arg10[%swap3A_51], %get3A_50 {strides = array<i32>} : memref<112xi32, #tpu.memory_space<vmem>>, vector<16xi32>,
    %dma_start3A_53 = arith.constant 0 : i32
    %dma_start3A_54 = arith.constant 0 : i32
    %dma_start3A_55 = arith.constant 0 : i32
    %dma_start3A_56 = arith.constant 0 : i32
    %dma_start3A_57 = tpu.memref_slice %arg12[%dma_start3A_53, %dma_start3A_55, %dma_start3A_56] : memref<2x112x128xi32, #tpu.memory_space<vmem>> -> memref<1x112x128xi32, #tpu.memory_space<vmem>>
    %dma_start3A_58 = tpu.memref_squeeze %dma_start3A_57 : memref<1x112x128xi32, #tpu.memory_space<vmem>> -> memref<112x128xi32, #tpu.memory_space<vmem>>
    %dma_start3A_59 = arith.constant 0 : i32
    %dma_start3A_60 = arith.constant 0 : i32
    %dma_start3A_61 = tpu.memref_slice %arg5[%dma_start3A_59, %dma_start3A_60] : memref<100000x128xi32, #tpu.memory_space<hbm>> -> memref<100000x128xi32, #tpu.memory_space<hbm>>
    %dma_start3A_62 = tpu.memref_slice %arg14[%dma_start3A_54] : memref<2x!tpu.dma_semaphore, #tpu.memory_space<semaphore_mem>> -> memref<1x!tpu.dma_semaphore, #tpu.memory_space<semaphore_mem>>
    %dma_start3A_63 = tpu.memref_squeeze %dma_start3A_62 : memref<1x!tpu.dma_semaphore, #tpu.memory_space<semaphore_mem>> -> memref<!tpu.dma_semaphore, #tpu.memory_space<semaphore_mem>>
    tpu.enqueue_indirect_dma source(%dma_start3A_61 : memref<100000x128xi32, #tpu.memory_space<hbm>>) target(%dma_start3A_58 : memref<112x128xi32, #tpu.memory_space<vmem>>) offsets(%arg10 : memref<112xi32, #tpu.memory_space<vmem>>) semaphore(%dma_start3A_63 : memref<!tpu.dma_semaphore, #tpu.memory_space<semaphore_mem>>)
    %scan3A = arith.constant 0 : i32
    %scan3A_64 = arith.constant 0 : i32
    %scan3A_65 = arith.constant 64 : i32
    %scan3A_66 = arith.addi %scan3A_64, %scan3A_65 : i32
    %scan3A_67 = arith.constant 1 : i32
    %scan3A_68 = scf.for %scan3A_138 = %scan3A_64 to %scan3A_66 step %scan3A_67 iter_args(%scan3A_139 = %scan3A) -> (i32)  : i32 {
      %get3A_140 = arith.index_cast %scan3A_138 : i32 to index
      %get3A_141 = arith.constant 112 : index
      %get3A_142 = tpu.vector_load %arg9[%get3A_140, %get3A_141] {strides = array<i32>} : memref<64x224xi32, #tpu.memory_space<vmem>>, vector<16xi32>,
      %swap3A_143 = arith.constant 0 : index
      %swap3A_144 = tpu.vector_load %arg11[%swap3A_143] {strides = array<i32>} : memref<112xi32, #tpu.memory_space<vmem>>, vector<16xi32>,
      tpu.vector_store %arg11[%swap3A_143], %get3A_142 {strides = array<i32>} : memref<112xi32, #tpu.memory_space<vmem>>, vector<16xi32>,
      %get3A_145 = arith.index_cast %scan3A_138 : i32 to index
      %get3A_146 = arith.constant 128 : index
      %get3A_147 = tpu.vector_load %arg9[%get3A_145, %get3A_146] {strides = array<i32>} : memref<64x224xi32, #tpu.memory_space<vmem>>, vector<16xi32>,
      %swap3A_148 = arith.constant 16 : index
      %swap3A_149 = tpu.vector_load %arg11[%swap3A_148] {strides = array<i32>} : memref<112xi32, #tpu.memory_space<vmem>>, vector<16xi32>,
      tpu.vector_store %arg11[%swap3A_148], %get3A_147 {strides = array<i32>} : memref<112xi32, #tpu.memory_space<vmem>>, vector<16xi32>,
      %get3A_150 = arith.index_cast %scan3A_138 : i32 to index
      %get3A_151 = arith.constant 144 : index
      %get3A_152 = tpu.vector_load %arg9[%get3A_150, %get3A_151] {strides = array<i32>} : memref<64x224xi32, #tpu.memory_space<vmem>>, vector<16xi32>,
      %swap3A_153 = arith.constant 32 : index
      %swap3A_154 = tpu.vector_load %arg11[%swap3A_153] {strides = array<i32>} : memref<112xi32, #tpu.memory_space<vmem>>, vector<16xi32>,
      tpu.vector_store %arg11[%swap3A_153], %get3A_152 {strides = array<i32>} : memref<112xi32, #tpu.memory_space<vmem>>, vector<16xi32>,
      %get3A_155 = arith.index_cast %scan3A_138 : i32 to index
      %get3A_156 = arith.constant 160 : index
      %get3A_157 = tpu.vector_load %arg9[%get3A_155, %get3A_156] {strides = array<i32>} : memref<64x224xi32, #tpu.memory_space<vmem>>, vector<16xi32>,
      %swap3A_158 = arith.constant 48 : index
      %swap3A_159 = tpu.vector_load %arg11[%swap3A_158] {strides = array<i32>} : memref<112xi32, #tpu.memory_space<vmem>>, vector<16xi32>,
      tpu.vector_store %arg11[%swap3A_158], %get3A_157 {strides = array<i32>} : memref<112xi32, #tpu.memory_space<vmem>>, vector<16xi32>,
      %get3A_160 = arith.index_cast %scan3A_138 : i32 to index
      %get3A_161 = arith.constant 176 : index
      %get3A_162 = tpu.vector_load %arg9[%get3A_160, %get3A_161] {strides = array<i32>} : memref<64x224xi32, #tpu.memory_space<vmem>>, vector<16xi32>,
      %swap3A_163 = arith.constant 64 : index
      %swap3A_164 = tpu.vector_load %arg11[%swap3A_163] {strides = array<i32>} : memref<112xi32, #tpu.memory_space<vmem>>, vector<16xi32>,
      tpu.vector_store %arg11[%swap3A_163], %get3A_162 {strides = array<i32>} : memref<112xi32, #tpu.memory_space<vmem>>, vector<16xi32>,
      %get3A_165 = arith.index_cast %scan3A_138 : i32 to index
      %get3A_166 = arith.constant 192 : index
      %get3A_167 = tpu.vector_load %arg9[%get3A_165, %get3A_166] {strides = array<i32>} : memref<64x224xi32, #tpu.memory_space<vmem>>, vector<16xi32>,
      %swap3A_168 = arith.constant 80 : index
      %swap3A_169 = tpu.vector_load %arg11[%swap3A_168] {strides = array<i32>} : memref<112xi32, #tpu.memory_space<vmem>>, vector<16xi32>,
      tpu.vector_store %arg11[%swap3A_168], %get3A_167 {strides = array<i32>} : memref<112xi32, #tpu.memory_space<vmem>>, vector<16xi32>,
      %get3A_170 = arith.index_cast %scan3A_138 : i32 to index
      %get3A_171 = arith.constant 208 : index
      %get3A_172 = tpu.vector_load %arg9[%get3A_170, %get3A_171] {strides = array<i32>} : memref<64x224xi32, #tpu.memory_space<vmem>>, vector<16xi32>,
      %swap3A_173 = arith.constant 96 : index
      %swap3A_174 = tpu.vector_load %arg11[%swap3A_173] {strides = array<i32>} : memref<112xi32, #tpu.memory_space<vmem>>, vector<16xi32>,
      tpu.vector_store %arg11[%swap3A_173], %get3A_172 {strides = array<i32>} : memref<112xi32, #tpu.memory_space<vmem>>, vector<16xi32>,
      %dma_start3A_175 = arith.constant 1 : i32
      %dma_start3A_176 = arith.constant 1 : i32
      %dma_start3A_177 = arith.constant 0 : i32
      %dma_start3A_178 = arith.constant 0 : i32
      %dma_start3A_179 = tpu.memref_slice %arg12[%dma_start3A_175, %dma_start3A_177, %dma_start3A_178] : memref<2x112x128xi32, #tpu.memory_space<vmem>> -> memref<1x112x128xi32, #tpu.memory_space<vmem>>
      %dma_start3A_180 = tpu.memref_squeeze %dma_start3A_179 : memref<1x112x128xi32, #tpu.memory_space<vmem>> -> memref<112x128xi32, #tpu.memory_space<vmem>>
      %dma_start3A_181 = arith.constant 0 : i32
      %dma_start3A_182 = arith.constant 0 : i32
      %dma_start3A_183 = tpu.memref_slice %arg5[%dma_start3A_181, %dma_start3A_182] : memref<100000x128xi32, #tpu.memory_space<hbm>> -> memref<100000x128xi32, #tpu.memory_space<hbm>>
      %dma_start3A_184 = tpu.memref_slice %arg14[%dma_start3A_176] : memref<2x!tpu.dma_semaphore, #tpu.memory_space<semaphore_mem>> -> memref<1x!tpu.dma_semaphore, #tpu.memory_space<semaphore_mem>>
      %dma_start3A_185 = tpu.memref_squeeze %dma_start3A_184 : memref<1x!tpu.dma_semaphore, #tpu.memory_space<semaphore_mem>> -> memref<!tpu.dma_semaphore, #tpu.memory_space<semaphore_mem>>
      tpu.enqueue_indirect_dma source(%dma_start3A_183 : memref<100000x128xi32, #tpu.memory_space<hbm>>) target(%dma_start3A_180 : memref<112x128xi32, #tpu.memory_space<vmem>>) offsets(%arg11 : memref<112xi32, #tpu.memory_space<vmem>>) semaphore(%dma_start3A_185 : memref<!tpu.dma_semaphore, #tpu.memory_space<semaphore_mem>>)
      %dma_wait3A_186 = arith.constant 0 : i32
      %dma_wait3A_187 = arith.constant 0 : i32
      %dma_wait3A_188 = arith.constant 0 : i32
      %dma_wait3A_189 = arith.constant 0 : i32
      %dma_wait3A_190 = tpu.memref_slice %arg12[%dma_wait3A_186, %dma_wait3A_188, %dma_wait3A_189] : memref<2x112x128xi32, #tpu.memory_space<vmem>> -> memref<1x112x128xi32, #tpu.memory_space<vmem>>
      %dma_wait3A_191 = tpu.memref_squeeze %dma_wait3A_190 : memref<1x112x128xi32, #tpu.memory_space<vmem>> -> memref<112x128xi32, #tpu.memory_space<vmem>>
      %dma_wait3A_192 = arith.constant 0 : i32
      %dma_wait3A_193 = arith.constant 0 : i32
      %dma_wait3A_194 = tpu.memref_slice %arg5[%dma_wait3A_192, %dma_wait3A_193] : memref<100000x128xi32, #tpu.memory_space<hbm>> -> memref<100000x128xi32, #tpu.memory_space<hbm>>
      %dma_wait3A_195 = tpu.memref_slice %arg14[%dma_wait3A_187] : memref<2x!tpu.dma_semaphore, #tpu.memory_space<semaphore_mem>> -> memref<1x!tpu.dma_semaphore, #tpu.memory_space<semaphore_mem>>
      %dma_wait3A_196 = tpu.memref_squeeze %dma_wait3A_195 : memref<1x!tpu.dma_semaphore, #tpu.memory_space<semaphore_mem>> -> memref<!tpu.dma_semaphore, #tpu.memory_space<semaphore_mem>>
      tpu.wait_indirect_dma semaphore(%dma_wait3A_196 : memref<!tpu.dma_semaphore, #tpu.memory_space<semaphore_mem>>) src(%dma_wait3A_194 : memref<100000x128xi32, #tpu.memory_space<hbm>>) dst(%dma_wait3A_191 : memref<112x128xi32, #tpu.memory_space<vmem>>)
      %add3A_197 = arith.constant 0 : i32
      %add3A_198 = arith.addi %add3A_197, %scan3A_138 : i32
      %get3A_199 = arith.index_cast %add3A_198 : i32 to index
      %get3A_200 = arith.constant 0 : index
      %get3A_201 = tpu.vector_load %arg8[%get3A_199, %get3A_200] {strides = array<i32>} : memref<128x128xi32, #tpu.memory_space<vmem>>, vector<16xi32>,
      %bitcast3A = vector.bitcast %get3A_201 : vector<16xi32> to vector<32xbf16>
      %get3A_202 = arith.index_cast %add3A_198 : i32 to index
      %get3A_203 = arith.constant 16 : index
      %get3A_204 = tpu.vector_load %arg8[%get3A_202, %get3A_203] {strides = array<i32>} : memref<128x128xi32, #tpu.memory_space<vmem>>, vector<16xi32>,
      %bitcast3A_205 = vector.bitcast %get3A_204 : vector<16xi32> to vector<32xbf16>
      %get3A_206 = arith.index_cast %add3A_198 : i32 to index
      %get3A_207 = arith.constant 32 : index
      %get3A_208 = tpu.vector_load %arg8[%get3A_206, %get3A_207] {strides = array<i32>} : memref<128x128xi32, #tpu.memory_space<vmem>>, vector<16xi32>,
      %bitcast3A_209 = vector.bitcast %get3A_208 : vector<16xi32> to vector<32xbf16>
      %get3A_210 = arith.index_cast %add3A_198 : i32 to index
      %get3A_211 = arith.constant 48 : index
      %get3A_212 = tpu.vector_load %arg8[%get3A_210, %get3A_211] {strides = array<i32>} : memref<128x128xi32, #tpu.memory_space<vmem>>, vector<16xi32>,
      %bitcast3A_213 = vector.bitcast %get3A_212 : vector<16xi32> to vector<32xbf16>
      %get3A_214 = arith.index_cast %add3A_198 : i32 to index
      %get3A_215 = arith.constant 64 : index
      %get3A_216 = tpu.vector_load %arg8[%get3A_214, %get3A_215] {strides = array<i32>} : memref<128x128xi32, #tpu.memory_space<vmem>>, vector<16xi32>,
      %bitcast3A_217 = vector.bitcast %get3A_216 : vector<16xi32> to vector<32xbf16>
      %get3A_218 = arith.index_cast %add3A_198 : i32 to index
      %get3A_219 = arith.constant 80 : index
      %get3A_220 = tpu.vector_load %arg8[%get3A_218, %get3A_219] {strides = array<i32>} : memref<128x128xi32, #tpu.memory_space<vmem>>, vector<16xi32>,
      %bitcast3A_221 = vector.bitcast %get3A_220 : vector<16xi32> to vector<32xbf16>
      %get3A_222 = arith.index_cast %add3A_198 : i32 to index
      %get3A_223 = arith.constant 96 : index
      %get3A_224 = tpu.vector_load %arg8[%get3A_222, %get3A_223] {strides = array<i32>} : memref<128x128xi32, #tpu.memory_space<vmem>>, vector<16xi32>,
      %bitcast3A_225 = vector.bitcast %get3A_224 : vector<16xi32> to vector<32xbf16>
      %get3A_226 = arith.index_cast %add3A_198 : i32 to index
      %get3A_227 = arith.constant 112 : index
      %get3A_228 = tpu.vector_load %arg8[%get3A_226, %get3A_227] {strides = array<i32>} : memref<128x128xi32, #tpu.memory_space<vmem>>, vector<16xi32>,
      %bitcast3A_229 = vector.bitcast %get3A_228 : vector<16xi32> to vector<32xbf16>
      %mul3A_230 = arith.constant 224 : i32
      %mul3A_231 = arith.muli %scan3A_138, %mul3A_230 : i32
      %add3A_232 = arith.constant 0 : i32
      %add3A_233 = arith.addi %mul3A_231, %add3A_232 : i32
      %broadcast_in_dim3A = vector.broadcast %add3A_233 : i32 to vector<16xi32>
      %scan3A_234 = arith.constant 0 : i32
      %scan3A_235 = arith.constant 0 : i32
      %scan3A_236 = arith.constant 112 : i32
      %scan3A_237 = arith.addi %scan3A_235, %scan3A_236 : i32
      %scan3A_238 = arith.constant 4 : i32
      %scan3A_239 = scf.for %scan3A_301 = %scan3A_235 to %scan3A_237 step %scan3A_238 iter_args(%scan3A_302 = %scan3A_234) -> (i32)  : i32 {
        %get3A_303 = arith.constant 0 : i32
        %get3A_304 = arith.index_cast %get3A_303 : i32 to index
        %get3A_305 = arith.index_cast %scan3A_301 : i32 to index
        %get3A_306 = arith.constant 0 : index
        %get3A_307 = tpu.vector_load %arg12[%get3A_304, %get3A_305, %get3A_306] {strides = array<i32>} : memref<2x112x128xi32, #tpu.memory_space<vmem>>, vector<16xi32>,
        %bitcast3A_308 = vector.bitcast %get3A_307 : vector<16xi32> to vector<32xbf16>
        %mul3A_309 = arith.mulf %bitcast3A_308, %bitcast3A : vector<32xbf16>
        %get3A_310 = arith.constant 0 : i32
        %get3A_311 = arith.index_cast %get3A_310 : i32 to index
        %get3A_312 = arith.index_cast %scan3A_301 : i32 to index
        %get3A_313 = arith.constant 16 : index
        %get3A_314 = tpu.vector_load %arg12[%get3A_311, %get3A_312, %get3A_313] {strides = array<i32>} : memref<2x112x128xi32, #tpu.memory_space<vmem>>, vector<16xi32>,
        %bitcast3A_315 = vector.bitcast %get3A_314 : vector<16xi32> to vector<32xbf16>
        %mul3A_316 = arith.mulf %bitcast3A_315, %bitcast3A_205 : vector<32xbf16>
        %add3A_317 = arith.addf %mul3A_309, %mul3A_316 : vector<32xbf16>
        %get3A_318 = arith.constant 0 : i32
        %get3A_319 = arith.index_cast %get3A_318 : i32 to index
        %get3A_320 = arith.index_cast %scan3A_301 : i32 to index
        %get3A_321 = arith.constant 32 : index
        %get3A_322 = tpu.vector_load %arg12[%get3A_319, %get3A_320, %get3A_321] {strides = array<i32>} : memref<2x112x128xi32, #tpu.memory_space<vmem>>, vector<16xi32>,
        %bitcast3A_323 = vector.bitcast %get3A_322 : vector<16xi32> to vector<32xbf16>
        %mul3A_324 = arith.mulf %bitcast3A_323, %bitcast3A_209 : vector<32xbf16>
        %add3A_325 = arith.addf %add3A_317, %mul3A_324 : vector<32xbf16>
        %get3A_326 = arith.constant 0 : i32
        %get3A_327 = arith.index_cast %get3A_326 : i32 to index
        %get3A_328 = arith.index_cast %scan3A_301 : i32 to index
        %get3A_329 = arith.constant 48 : index
        %get3A_330 = tpu.vector_load %arg12[%get3A_327, %get3A_328, %get3A_329] {strides = array<i32>} : memref<2x112x128xi32, #tpu.memory_space<vmem>>, vector<16xi32>,
        %bitcast3A_331 = vector.bitcast %get3A_330 : vector<16xi32> to vector<32xbf16>
        %mul3A_332 = arith.mulf %bitcast3A_331, %bitcast3A_213 : vector<32xbf16>
        %add3A_333 = arith.addf %add3A_325, %mul3A_332 : vector<32xbf16>
        %get3A_334 = arith.constant 0 : i32
        %get3A_335 = arith.index_cast %get3A_334 : i32 to index
        %get3A_336 = arith.index_cast %scan3A_301 : i32 to index
        %get3A_337 = arith.constant 64 : index
        %get3A_338 = tpu.vector_load %arg12[%get3A_335, %get3A_336, %get3A_337] {strides = array<i32>} : memref<2x112x128xi32, #tpu.memory_space<vmem>>, vector<16xi32>,
        %bitcast3A_339 = vector.bitcast %get3A_338 : vector<16xi32> to vector<32xbf16>
        %mul3A_340 = arith.mulf %bitcast3A_339, %bitcast3A_217 : vector<32xbf16>
        %add3A_341 = arith.addf %add3A_333, %mul3A_340 : vector<32xbf16>
        %get3A_342 = arith.constant 0 : i32
        %get3A_343 = arith.index_cast %get3A_342 : i32 to index
        %get3A_344 = arith.index_cast %scan3A_301 : i32 to index
        %get3A_345 = arith.constant 80 : index
        %get3A_346 = tpu.vector_load %arg12[%get3A_343, %get3A_344, %get3A_345] {strides = array<i32>} : memref<2x112x128xi32, #tpu.memory_space<vmem>>, vector<16xi32>,
        %bitcast3A_347 = vector.bitcast %get3A_346 : vector<16xi32> to vector<32xbf16>
        %mul3A_348 = arith.mulf %bitcast3A_347, %bitcast3A_221 : vector<32xbf16>
        %add3A_349 = arith.addf %add3A_341, %mul3A_348 : vector<32xbf16>
        %get3A_350 = arith.constant 0 : i32
        %get3A_351 = arith.index_cast %get3A_350 : i32 to index
        %get3A_352 = arith.index_cast %scan3A_301 : i32 to index
        %get3A_353 = arith.constant 96 : index
        %get3A_354 = tpu.vector_load %arg12[%get3A_351, %get3A_352, %get3A_353] {strides = array<i32>} : memref<2x112x128xi32, #tpu.memory_space<vmem>>, vector<16xi32>,
        %bitcast3A_355 = vector.bitcast %get3A_354 : vector<16xi32> to vector<32xbf16>
        %mul3A_356 = arith.mulf %bitcast3A_355, %bitcast3A_225 : vector<32xbf16>
        %add3A_357 = arith.addf %add3A_349, %mul3A_356 : vector<32xbf16>
        %get3A_358 = arith.constant 0 : i32
        %get3A_359 = arith.index_cast %get3A_358 : i32 to index
        %get3A_360 = arith.index_cast %scan3A_301 : i32 to index
        %get3A_361 = arith.constant 112 : index
        %get3A_362 = tpu.vector_load %arg12[%get3A_359, %get3A_360, %get3A_361] {strides = array<i32>} : memref<2x112x128xi32, #tpu.memory_space<vmem>>, vector<16xi32>,
        %bitcast3A_363 = vector.bitcast %get3A_362 : vector<16xi32> to vector<32xbf16>
        %mul3A_364 = arith.mulf %bitcast3A_363, %bitcast3A_229 : vector<32xbf16>
        %add3A_365 = arith.addf %add3A_357, %mul3A_364 : vector<32xbf16>
        %unpack3A = tpu.unpack_subelements %add3A_365, 0 {pack_format = #tpu.pack_format<interleaved>} : vector<32xbf16> -> vector<16xf32>
        %unpack3A_366 = tpu.unpack_subelements %add3A_365, 1 {pack_format = #tpu.pack_format<interleaved>} : vector<32xbf16> -> vector<16xf32>
        %add3A_367 = arith.addf %unpack3A, %unpack3A_366 : vector<16xf32>
        %reduce_sum3A = arith.constant true
        %reduce_sum3A_368 = vector.broadcast %reduce_sum3A : i1 to vector<16xi1>
        %reduce_sum3A_369 = tpu.scan <sum>, %add3A_367 masked %reduce_sum3A_368 : vector<16xf32>, vector<16xi1> -> vector<16xf32>
        %reduce_sum3A_370 = vector.extract %reduce_sum3A_369[15] : f32 from vector<16xf32>
        %add3A_371 = vector.broadcast %scan3A_301 : i32 to vector<16xi32>
        %add3A_372 = arith.addi %broadcast_in_dim3A, %add3A_371 : vector<16xi32>
        %broadcast_in_dim3A_373 = vector.broadcast %reduce_sum3A_370 : f32 to vector<16xf32>
        tpu.vector_store_idx %arg13[%add3A_372], %broadcast_in_dim3A_373 masked %eq3A_2 : memref<14336xf32, #tpu.memory_space<vmem>>[vector<16xi32>], vector<16xf32>, vector<16xi1>
        %scan3A_374 = arith.constant 0 : i32
        %scan3A_375 = arith.constant 1 : i32
        %scan3A_376 = arith.addi %scan3A_301, %scan3A_375 : i32
        %get3A_377 = arith.constant 0 : i32
        %get3A_378 = arith.index_cast %get3A_377 : i32 to index
        %get3A_379 = arith.index_cast %scan3A_376 : i32 to index
        %get3A_380 = arith.constant 0 : index
        %get3A_381 = tpu.vector_load %arg12[%get3A_378, %get3A_379, %get3A_380] {strides = array<i32>} : memref<2x112x128xi32, #tpu.memory_space<vmem>>, vector<16xi32>,
        %bitcast3A_382 = vector.bitcast %get3A_381 : vector<16xi32> to vector<32xbf16>
        %mul3A_383 = arith.mulf %bitcast3A_382, %bitcast3A : vector<32xbf16>
        %get3A_384 = arith.constant 0 : i32
        %get3A_385 = arith.index_cast %get3A_384 : i32 to index
        %get3A_386 = arith.index_cast %scan3A_376 : i32 to index
        %get3A_387 = arith.constant 16 : index
        %get3A_388 = tpu.vector_load %arg12[%get3A_385, %get3A_386, %get3A_387] {strides = array<i32>} : memref<2x112x128xi32, #tpu.memory_space<vmem>>, vector<16xi32>,
        %bitcast3A_389 = vector.bitcast %get3A_388 : vector<16xi32> to vector<32xbf16>
        %mul3A_390 = arith.mulf %bitcast3A_389, %bitcast3A_205 : vector<32xbf16>
        %add3A_391 = arith.addf %mul3A_383, %mul3A_390 : vector<32xbf16>
        %get3A_392 = arith.constant 0 : i32
        %get3A_393 = arith.index_cast %get3A_392 : i32 to index
        %get3A_394 = arith.index_cast %scan3A_376 : i32 to index
        %get3A_395 = arith.constant 32 : index
        %get3A_396 = tpu.vector_load %arg12[%get3A_393, %get3A_394, %get3A_395] {strides = array<i32>} : memref<2x112x128xi32, #tpu.memory_space<vmem>>, vector<16xi32>,
        %bitcast3A_397 = vector.bitcast %get3A_396 : vector<16xi32> to vector<32xbf16>
        %mul3A_398 = arith.mulf %bitcast3A_397, %bitcast3A_209 : vector<32xbf16>
        %add3A_399 = arith.addf %add3A_391, %mul3A_398 : vector<32xbf16>
        %get3A_400 = arith.constant 0 : i32
        %get3A_401 = arith.index_cast %get3A_400 : i32 to index
        %get3A_402 = arith.index_cast %scan3A_376 : i32 to index
        %get3A_403 = arith.constant 48 : index
        %get3A_404 = tpu.vector_load %arg12[%get3A_401, %get3A_402, %get3A_403] {strides = array<i32>} : memref<2x112x128xi32, #tpu.memory_space<vmem>>, vector<16xi32>,
        %bitcast3A_405 = vector.bitcast %get3A_404 : vector<16xi32> to vector<32xbf16>
        %mul3A_406 = arith.mulf %bitcast3A_405, %bitcast3A_213 : vector<32xbf16>
        %add3A_407 = arith.addf %add3A_399, %mul3A_406 : vector<32xbf16>
        %get3A_408 = arith.constant 0 : i32
        %get3A_409 = arith.index_cast %get3A_408 : i32 to index
        %get3A_410 = arith.index_cast %scan3A_376 : i32 to index
        %get3A_411 = arith.constant 64 : index
        %get3A_412 = tpu.vector_load %arg12[%get3A_409, %get3A_410, %get3A_411] {strides = array<i32>} : memref<2x112x128xi32, #tpu.memory_space<vmem>>, vector<16xi32>,
        %bitcast3A_413 = vector.bitcast %get3A_412 : vector<16xi32> to vector<32xbf16>
        %mul3A_414 = arith.mulf %bitcast3A_413, %bitcast3A_217 : vector<32xbf16>
        %add3A_415 = arith.addf %add3A_407, %mul3A_414 : vector<32xbf16>
        %get3A_416 = arith.constant 0 : i32
        %get3A_417 = arith.index_cast %get3A_416 : i32 to index
        %get3A_418 = arith.index_cast %scan3A_376 : i32 to index
        %get3A_419 = arith.constant 80 : index
        %get3A_420 = tpu.vector_load %arg12[%get3A_417, %get3A_418, %get3A_419] {strides = array<i32>} : memref<2x112x128xi32, #tpu.memory_space<vmem>>, vector<16xi32>,
        %bitcast3A_421 = vector.bitcast %get3A_420 : vector<16xi32> to vector<32xbf16>
        %mul3A_422 = arith.mulf %bitcast3A_421, %bitcast3A_221 : vector<32xbf16>
        %add3A_423 = arith.addf %add3A_415, %mul3A_422 : vector<32xbf16>
        %get3A_424 = arith.constant 0 : i32
        %get3A_425 = arith.index_cast %get3A_424 : i32 to index
        %get3A_426 = arith.index_cast %scan3A_376 : i32 to index
        %get3A_427 = arith.constant 96 : index
        %get3A_428 = tpu.vector_load %arg12[%get3A_425, %get3A_426, %get3A_427] {strides = array<i32>} : memref<2x112x128xi32, #tpu.memory_space<vmem>>, vector<16xi32>,
        %bitcast3A_429 = vector.bitcast %get3A_428 : vector<16xi32> to vector<32xbf16>
        %mul3A_430 = arith.mulf %bitcast3A_429, %bitcast3A_225 : vector<32xbf16>
        %add3A_431 = arith.addf %add3A_423, %mul3A_430 : vector<32xbf16>
        %get3A_432 = arith.constant 0 : i32
        %get3A_433 = arith.index_cast %get3A_432 : i32 to index
        %get3A_434 = arith.index_cast %scan3A_376 : i32 to index
        %get3A_435 = arith.constant 112 : index
        %get3A_436 = tpu.vector_load %arg12[%get3A_433, %get3A_434, %get3A_435] {strides = array<i32>} : memref<2x112x128xi32, #tpu.memory_space<vmem>>, vector<16xi32>,
        %bitcast3A_437 = vector.bitcast %get3A_436 : vector<16xi32> to vector<32xbf16>
        %mul3A_438 = arith.mulf %bitcast3A_437, %bitcast3A_229 : vector<32xbf16>
        %add3A_439 = arith.addf %add3A_431, %mul3A_438 : vector<32xbf16>
        %unpack3A_440 = tpu.unpack_subelements %add3A_439, 0 {pack_format = #tpu.pack_format<interleaved>} : vector<32xbf16> -> vector<16xf32>
        %unpack3A_441 = tpu.unpack_subelements %add3A_439, 1 {pack_format = #tpu.pack_format<interleaved>} : vector<32xbf16> -> vector<16xf32>
        %add3A_442 = arith.addf %unpack3A_440, %unpack3A_441 : vector<16xf32>
        %reduce_sum3A_443 = arith.constant true
        %reduce_sum3A_444 = vector.broadcast %reduce_sum3A_443 : i1 to vector<16xi1>
        %reduce_sum3A_445 = tpu.scan <sum>, %add3A_442 masked %reduce_sum3A_444 : vector<16xf32>, vector<16xi1> -> vector<16xf32>
        %reduce_sum3A_446 = vector.extract %reduce_sum3A_445[15] : f32 from vector<16xf32>
        %add3A_447 = vector.broadcast %scan3A_376 : i32 to vector<16xi32>
        %add3A_448 = arith.addi %broadcast_in_dim3A, %add3A_447 : vector<16xi32>
        %broadcast_in_dim3A_449 = vector.broadcast %reduce_sum3A_446 : f32 to vector<16xf32>
        tpu.vector_store_idx %arg13[%add3A_448], %broadcast_in_dim3A_449 masked %eq3A_2 : memref<14336xf32, #tpu.memory_space<vmem>>[vector<16xi32>], vector<16xf32>, vector<16xi1>
        %scan3A_450 = arith.constant 0 : i32
        %scan3A_451 = arith.constant 2 : i32
        %scan3A_452 = arith.addi %scan3A_301, %scan3A_451 : i32
        %get3A_453 = arith.constant 0 : i32
        %get3A_454 = arith.index_cast %get3A_453 : i32 to index
        %get3A_455 = arith.index_cast %scan3A_452 : i32 to index
        %get3A_456 = arith.constant 0 : index
        %get3A_457 = tpu.vector_load %arg12[%get3A_454, %get3A_455, %get3A_456] {strides = array<i32>} : memref<2x112x128xi32, #tpu.memory_space<vmem>>, vector<16xi32>,
        %bitcast3A_458 = vector.bitcast %get3A_457 : vector<16xi32> to vector<32xbf16>
        %mul3A_459 = arith.mulf %bitcast3A_458, %bitcast3A : vector<32xbf16>
        %get3A_460 = arith.constant 0 : i32
        %get3A_461 = arith.index_cast %get3A_460 : i32 to index
        %get3A_462 = arith.index_cast %scan3A_452 : i32 to index
        %get3A_463 = arith.constant 16 : index
        %get3A_464 = tpu.vector_load %arg12[%get3A_461, %get3A_462, %get3A_463] {strides = array<i32>} : memref<2x112x128xi32, #tpu.memory_space<vmem>>, vector<16xi32>,
        %bitcast3A_465 = vector.bitcast %get3A_464 : vector<16xi32> to vector<32xbf16>
        %mul3A_466 = arith.mulf %bitcast3A_465, %bitcast3A_205 : vector<32xbf16>
        %add3A_467 = arith.addf %mul3A_459, %mul3A_466 : vector<32xbf16>
        %get3A_468 = arith.constant 0 : i32
        %get3A_469 = arith.index_cast %get3A_468 : i32 to index
        %get3A_470 = arith.index_cast %scan3A_452 : i32 to index
        %get3A_471 = arith.constant 32 : index
        %get3A_472 = tpu.vector_load %arg12[%get3A_469, %get3A_470, %get3A_471] {strides = array<i32>} : memref<2x112x128xi32, #tpu.memory_space<vmem>>, vector<16xi32>,
        %bitcast3A_473 = vector.bitcast %get3A_472 : vector<16xi32> to vector<32xbf16>
        %mul3A_474 = arith.mulf %bitcast3A_473, %bitcast3A_209 : vector<32xbf16>
        %add3A_475 = arith.addf %add3A_467, %mul3A_474 : vector<32xbf16>
        %get3A_476 = arith.constant 0 : i32
        %get3A_477 = arith.index_cast %get3A_476 : i32 to index
        %get3A_478 = arith.index_cast %scan3A_452 : i32 to index
        %get3A_479 = arith.constant 48 : index
        %get3A_480 = tpu.vector_load %arg12[%get3A_477, %get3A_478, %get3A_479] {strides = array<i32>} : memref<2x112x128xi32, #tpu.memory_space<vmem>>, vector<16xi32>,
        %bitcast3A_481 = vector.bitcast %get3A_480 : vector<16xi32> to vector<32xbf16>
        %mul3A_482 = arith.mulf %bitcast3A_481, %bitcast3A_213 : vector<32xbf16>
        %add3A_483 = arith.addf %add3A_475, %mul3A_482 : vector<32xbf16>
        %get3A_484 = arith.constant 0 : i32
        %get3A_485 = arith.index_cast %get3A_484 : i32 to index
        %get3A_486 = arith.index_cast %scan3A_452 : i32 to index
        %get3A_487 = arith.constant 64 : index
        %get3A_488 = tpu.vector_load %arg12[%get3A_485, %get3A_486, %get3A_487] {strides = array<i32>} : memref<2x112x128xi32, #tpu.memory_space<vmem>>, vector<16xi32>,
        %bitcast3A_489 = vector.bitcast %get3A_488 : vector<16xi32> to vector<32xbf16>
        %mul3A_490 = arith.mulf %bitcast3A_489, %bitcast3A_217 : vector<32xbf16>
        %add3A_491 = arith.addf %add3A_483, %mul3A_490 : vector<32xbf16>
        %get3A_492 = arith.constant 0 : i32
        %get3A_493 = arith.index_cast %get3A_492 : i32 to index
        %get3A_494 = arith.index_cast %scan3A_452 : i32 to index
        %get3A_495 = arith.constant 80 : index
        %get3A_496 = tpu.vector_load %arg12[%get3A_493, %get3A_494, %get3A_495] {strides = array<i32>} : memref<2x112x128xi32, #tpu.memory_space<vmem>>, vector<16xi32>,
        %bitcast3A_497 = vector.bitcast %get3A_496 : vector<16xi32> to vector<32xbf16>
        %mul3A_498 = arith.mulf %bitcast3A_497, %bitcast3A_221 : vector<32xbf16>
        %add3A_499 = arith.addf %add3A_491, %mul3A_498 : vector<32xbf16>
        %get3A_500 = arith.constant 0 : i32
        %get3A_501 = arith.index_cast %get3A_500 : i32 to index
        %get3A_502 = arith.index_cast %scan3A_452 : i32 to index
        %get3A_503 = arith.constant 96 : index
        %get3A_504 = tpu.vector_load %arg12[%get3A_501, %get3A_502, %get3A_503] {strides = array<i32>} : memref<2x112x128xi32, #tpu.memory_space<vmem>>, vector<16xi32>,
        %bitcast3A_505 = vector.bitcast %get3A_504 : vector<16xi32> to vector<32xbf16>
        %mul3A_506 = arith.mulf %bitcast3A_505, %bitcast3A_225 : vector<32xbf16>
        %add3A_507 = arith.addf %add3A_499, %mul3A_506 : vector<32xbf16>
        %get3A_508 = arith.constant 0 : i32
        %get3A_509 = arith.index_cast %get3A_508 : i32 to index
        %get3A_510 = arith.index_cast %scan3A_452 : i32 to index
        %get3A_511 = arith.constant 112 : index
        %get3A_512 = tpu.vector_load %arg12[%get3A_509, %get3A_510, %get3A_511] {strides = array<i32>} : memref<2x112x128xi32, #tpu.memory_space<vmem>>, vector<16xi32>,
        %bitcast3A_513 = vector.bitcast %get3A_512 : vector<16xi32> to vector<32xbf16>
        %mul3A_514 = arith.mulf %bitcast3A_513, %bitcast3A_229 : vector<32xbf16>
        %add3A_515 = arith.addf %add3A_507, %mul3A_514 : vector<32xbf16>
        %unpack3A_516 = tpu.unpack_subelements %add3A_515, 0 {pack_format = #tpu.pack_format<interleaved>} : vector<32xbf16> -> vector<16xf32>
        %unpack3A_517 = tpu.unpack_subelements %add3A_515, 1 {pack_format = #tpu.pack_format<interleaved>} : vector<32xbf16> -> vector<16xf32>
        %add3A_518 = arith.addf %unpack3A_516, %unpack3A_517 : vector<16xf32>
        %reduce_sum3A_519 = arith.constant true
        %reduce_sum3A_520 = vector.broadcast %reduce_sum3A_519 : i1 to vector<16xi1>
        %reduce_sum3A_521 = tpu.scan <sum>, %add3A_518 masked %reduce_sum3A_520 : vector<16xf32>, vector<16xi1> -> vector<16xf32>
        %reduce_sum3A_522 = vector.extract %reduce_sum3A_521[15] : f32 from vector<16xf32>
        %add3A_523 = vector.broadcast %scan3A_452 : i32 to vector<16xi32>
        %add3A_524 = arith.addi %broadcast_in_dim3A, %add3A_523 : vector<16xi32>
        %broadcast_in_dim3A_525 = vector.broadcast %reduce_sum3A_522 : f32 to vector<16xf32>
        tpu.vector_store_idx %arg13[%add3A_524], %broadcast_in_dim3A_525 masked %eq3A_2 : memref<14336xf32, #tpu.memory_space<vmem>>[vector<16xi32>], vector<16xf32>, vector<16xi1>
        %scan3A_526 = arith.constant 0 : i32
        %scan3A_527 = arith.constant 3 : i32
        %scan3A_528 = arith.addi %scan3A_301, %scan3A_527 : i32
        %get3A_529 = arith.constant 0 : i32
        %get3A_530 = arith.index_cast %get3A_529 : i32 to index
        %get3A_531 = arith.index_cast %scan3A_528 : i32 to index
        %get3A_532 = arith.constant 0 : index
        %get3A_533 = tpu.vector_load %arg12[%get3A_530, %get3A_531, %get3A_532] {strides = array<i32>} : memref<2x112x128xi32, #tpu.memory_space<vmem>>, vector<16xi32>,
        %bitcast3A_534 = vector.bitcast %get3A_533 : vector<16xi32> to vector<32xbf16>
        %mul3A_535 = arith.mulf %bitcast3A_534, %bitcast3A : vector<32xbf16>
        %get3A_536 = arith.constant 0 : i32
        %get3A_537 = arith.index_cast %get3A_536 : i32 to index
        %get3A_538 = arith.index_cast %scan3A_528 : i32 to index
        %get3A_539 = arith.constant 16 : index
        %get3A_540 = tpu.vector_load %arg12[%get3A_537, %get3A_538, %get3A_539] {strides = array<i32>} : memref<2x112x128xi32, #tpu.memory_space<vmem>>, vector<16xi32>,
        %bitcast3A_541 = vector.bitcast %get3A_540 : vector<16xi32> to vector<32xbf16>
        %mul3A_542 = arith.mulf %bitcast3A_541, %bitcast3A_205 : vector<32xbf16>
        %add3A_543 = arith.addf %mul3A_535, %mul3A_542 : vector<32xbf16>
        %get3A_544 = arith.constant 0 : i32
        %get3A_545 = arith.index_cast %get3A_544 : i32 to index
        %get3A_546 = arith.index_cast %scan3A_528 : i32 to index
        %get3A_547 = arith.constant 32 : index
        %get3A_548 = tpu.vector_load %arg12[%get3A_545, %get3A_546, %get3A_547] {strides = array<i32>} : memref<2x112x128xi32, #tpu.memory_space<vmem>>, vector<16xi32>,
        %bitcast3A_549 = vector.bitcast %get3A_548 : vector<16xi32> to vector<32xbf16>
        %mul3A_550 = arith.mulf %bitcast3A_549, %bitcast3A_209 : vector<32xbf16>
        %add3A_551 = arith.addf %add3A_543, %mul3A_550 : vector<32xbf16>
        %get3A_552 = arith.constant 0 : i32
        %get3A_553 = arith.index_cast %get3A_552 : i32 to index
        %get3A_554 = arith.index_cast %scan3A_528 : i32 to index
        %get3A_555 = arith.constant 48 : index
        %get3A_556 = tpu.vector_load %arg12[%get3A_553, %get3A_554, %get3A_555] {strides = array<i32>} : memref<2x112x128xi32, #tpu.memory_space<vmem>>, vector<16xi32>,
        %bitcast3A_557 = vector.bitcast %get3A_556 : vector<16xi32> to vector<32xbf16>
        %mul3A_558 = arith.mulf %bitcast3A_557, %bitcast3A_213 : vector<32xbf16>
        %add3A_559 = arith.addf %add3A_551, %mul3A_558 : vector<32xbf16>
        %get3A_560 = arith.constant 0 : i32
        %get3A_561 = arith.index_cast %get3A_560 : i32 to index
        %get3A_562 = arith.index_cast %scan3A_528 : i32 to index
        %get3A_563 = arith.constant 64 : index
        %get3A_564 = tpu.vector_load %arg12[%get3A_561, %get3A_562, %get3A_563] {strides = array<i32>} : memref<2x112x128xi32, #tpu.memory_space<vmem>>, vector<16xi32>,
        %bitcast3A_565 = vector.bitcast %get3A_564 : vector<16xi32> to vector<32xbf16>
        %mul3A_566 = arith.mulf %bitcast3A_565, %bitcast3A_217 : vector<32xbf16>
        %add3A_567 = arith.addf %add3A_559, %mul3A_566 : vector<32xbf16>
        %get3A_568 = arith.constant 0 : i32
        %get3A_569 = arith.index_cast %get3A_568 : i32 to index
        %get3A_570 = arith.index_cast %scan3A_528 : i32 to index
        %get3A_571 = arith.constant 80 : index
        %get3A_572 = tpu.vector_load %arg12[%get3A_569, %get3A_570, %get3A_571] {strides = array<i32>} : memref<2x112x128xi32, #tpu.memory_space<vmem>>, vector<16xi32>,
        %bitcast3A_573 = vector.bitcast %get3A_572 : vector<16xi32> to vector<32xbf16>
        %mul3A_574 = arith.mulf %bitcast3A_573, %bitcast3A_221 : vector<32xbf16>
        %add3A_575 = arith.addf %add3A_567, %mul3A_574 : vector<32xbf16>
        %get3A_576 = arith.constant 0 : i32
        %get3A_577 = arith.index_cast %get3A_576 : i32 to index
        %get3A_578 = arith.index_cast %scan3A_528 : i32 to index
        %get3A_579 = arith.constant 96 : index
        %get3A_580 = tpu.vector_load %arg12[%get3A_577, %get3A_578, %get3A_579] {strides = array<i32>} : memref<2x112x128xi32, #tpu.memory_space<vmem>>, vector<16xi32>,
        %bitcast3A_581 = vector.bitcast %get3A_580 : vector<16xi32> to vector<32xbf16>
        %mul3A_582 = arith.mulf %bitcast3A_581, %bitcast3A_225 : vector<32xbf16>
        %add3A_583 = arith.addf %add3A_575, %mul3A_582 : vector<32xbf16>
        %get3A_584 = arith.constant 0 : i32
        %get3A_585 = arith.index_cast %get3A_584 : i32 to index
        %get3A_586 = arith.index_cast %scan3A_528 : i32 to index
        %get3A_587 = arith.constant 112 : index
        %get3A_588 = tpu.vector_load %arg12[%get3A_585, %get3A_586, %get3A_587] {strides = array<i32>} : memref<2x112x128xi32, #tpu.memory_space<vmem>>, vector<16xi32>,
        %bitcast3A_589 = vector.bitcast %get3A_588 : vector<16xi32> to vector<32xbf16>
        %mul3A_590 = arith.mulf %bitcast3A_589, %bitcast3A_229 : vector<32xbf16>
        %add3A_591 = arith.addf %add3A_583, %mul3A_590 : vector<32xbf16>
        %unpack3A_592 = tpu.unpack_subelements %add3A_591, 0 {pack_format = #tpu.pack_format<interleaved>} : vector<32xbf16> -> vector<16xf32>
        %unpack3A_593 = tpu.unpack_subelements %add3A_591, 1 {pack_format = #tpu.pack_format<interleaved>} : vector<32xbf16> -> vector<16xf32>
        %add3A_594 = arith.addf %unpack3A_592, %unpack3A_593 : vector<16xf32>
        %reduce_sum3A_595 = arith.constant true
        %reduce_sum3A_596 = vector.broadcast %reduce_sum3A_595 : i1 to vector<16xi1>
        %reduce_sum3A_597 = tpu.scan <sum>, %add3A_594 masked %reduce_sum3A_596 : vector<16xf32>, vector<16xi1> -> vector<16xf32>
        %reduce_sum3A_598 = vector.extract %reduce_sum3A_597[15] : f32 from vector<16xf32>
        %add3A_599 = vector.broadcast %scan3A_528 : i32 to vector<16xi32>
        %add3A_600 = arith.addi %broadcast_in_dim3A, %add3A_599 : vector<16xi32>
        %broadcast_in_dim3A_601 = vector.broadcast %reduce_sum3A_598 : f32 to vector<16xf32>
        tpu.vector_store_idx %arg13[%add3A_600], %broadcast_in_dim3A_601 masked %eq3A_2 : memref<14336xf32, #tpu.memory_space<vmem>>[vector<16xi32>], vector<16xf32>, vector<16xi1>
        %scan3A_602 = arith.constant 0 : i32
        scf.yield %scan3A_602 : i32
      }
      %scan3A_240 = arith.constant 112 : i32
      %lt3A = arith.constant 63 : i32
      %lt3A_241 = arith.cmpi slt, %scan3A_138, %lt3A : i32
      %convert_element_type3A = arith.extui %lt3A_241 : i1 to i32
      %cond3A = arith.constant 0 : i32
      %cond3A_242 = arith.cmpi ne, %convert_element_type3A, %cond3A : i32
      scf.if %cond3A_242 {
        %add3A_301 = arith.constant 1 : i32
        %add3A_302 = arith.addi %scan3A_138, %add3A_301 : i32
        %get3A_303 = arith.index_cast %add3A_302 : i32 to index
        %get3A_304 = arith.constant 0 : index
        %get3A_305 = tpu.vector_load %arg9[%get3A_303, %get3A_304] {strides = array<i32>} : memref<64x224xi32, #tpu.memory_space<vmem>>, vector<16xi32>,
        %swap3A_306 = arith.constant 0 : index
        %swap3A_307 = tpu.vector_load %arg10[%swap3A_306] {strides = array<i32>} : memref<112xi32, #tpu.memory_space<vmem>>, vector<16xi32>,
        tpu.vector_store %arg10[%swap3A_306], %get3A_305 {strides = array<i32>} : memref<112xi32, #tpu.memory_space<vmem>>, vector<16xi32>,
        %get3A_308 = arith.index_cast %add3A_302 : i32 to index
        %get3A_309 = arith.constant 16 : index
        %get3A_310 = tpu.vector_load %arg9[%get3A_308, %get3A_309] {strides = array<i32>} : memref<64x224xi32, #tpu.memory_space<vmem>>, vector<16xi32>,
        %swap3A_311 = arith.constant 16 : index
        %swap3A_312 = tpu.vector_load %arg10[%swap3A_311] {strides = array<i32>} : memref<112xi32, #tpu.memory_space<vmem>>, vector<16xi32>,
        tpu.vector_store %arg10[%swap3A_311], %get3A_310 {strides = array<i32>} : memref<112xi32, #tpu.memory_space<vmem>>, vector<16xi32>,
        %get3A_313 = arith.index_cast %add3A_302 : i32 to index
        %get3A_314 = arith.constant 32 : index
        %get3A_315 = tpu.vector_load %arg9[%get3A_313, %get3A_314] {strides = array<i32>} : memref<64x224xi32, #tpu.memory_space<vmem>>, vector<16xi32>,
        %swap3A_316 = arith.constant 32 : index
        %swap3A_317 = tpu.vector_load %arg10[%swap3A_316] {strides = array<i32>} : memref<112xi32, #tpu.memory_space<vmem>>, vector<16xi32>,
        tpu.vector_store %arg10[%swap3A_316], %get3A_315 {strides = array<i32>} : memref<112xi32, #tpu.memory_space<vmem>>, vector<16xi32>,
        %get3A_318 = arith.index_cast %add3A_302 : i32 to index
        %get3A_319 = arith.constant 48 : index
        %get3A_320 = tpu.vector_load %arg9[%get3A_318, %get3A_319] {strides = array<i32>} : memref<64x224xi32, #tpu.memory_space<vmem>>, vector<16xi32>,
        %swap3A_321 = arith.constant 48 : index
        %swap3A_322 = tpu.vector_load %arg10[%swap3A_321] {strides = array<i32>} : memref<112xi32, #tpu.memory_space<vmem>>, vector<16xi32>,
        tpu.vector_store %arg10[%swap3A_321], %get3A_320 {strides = array<i32>} : memref<112xi32, #tpu.memory_space<vmem>>, vector<16xi32>,
        %get3A_323 = arith.index_cast %add3A_302 : i32 to index
        %get3A_324 = arith.constant 64 : index
        %get3A_325 = tpu.vector_load %arg9[%get3A_323, %get3A_324] {strides = array<i32>} : memref<64x224xi32, #tpu.memory_space<vmem>>, vector<16xi32>,
        %swap3A_326 = arith.constant 64 : index
        %swap3A_327 = tpu.vector_load %arg10[%swap3A_326] {strides = array<i32>} : memref<112xi32, #tpu.memory_space<vmem>>, vector<16xi32>,
        tpu.vector_store %arg10[%swap3A_326], %get3A_325 {strides = array<i32>} : memref<112xi32, #tpu.memory_space<vmem>>, vector<16xi32>,
        %get3A_328 = arith.index_cast %add3A_302 : i32 to index
        %get3A_329 = arith.constant 80 : index
        %get3A_330 = tpu.vector_load %arg9[%get3A_328, %get3A_329] {strides = array<i32>} : memref<64x224xi32, #tpu.memory_space<vmem>>, vector<16xi32>,
        %swap3A_331 = arith.constant 80 : index
        %swap3A_332 = tpu.vector_load %arg10[%swap3A_331] {strides = array<i32>} : memref<112xi32, #tpu.memory_space<vmem>>, vector<16xi32>,
        tpu.vector_store %arg10[%swap3A_331], %get3A_330 {strides = array<i32>} : memref<112xi32, #tpu.memory_space<vmem>>, vector<16xi32>,
        %get3A_333 = arith.index_cast %add3A_302 : i32 to index
        %get3A_334 = arith.constant 96 : index
        %get3A_335 = tpu.vector_load %arg9[%get3A_333, %get3A_334] {strides = array<i32>} : memref<64x224xi32, #tpu.memory_space<vmem>>, vector<16xi32>,
        %swap3A_336 = arith.constant 96 : index
        %swap3A_337 = tpu.vector_load %arg10[%swap3A_336] {strides = array<i32>} : memref<112xi32, #tpu.memory_space<vmem>>, vector<16xi32>,
        tpu.vector_store %arg10[%swap3A_336], %get3A_335 {strides = array<i32>} : memref<112xi32, #tpu.memory_space<vmem>>, vector<16xi32>,
        %dma_start3A_338 = arith.constant 0 : i32
        %dma_start3A_339 = arith.constant 0 : i32
        %dma_start3A_340 = arith.constant 0 : i32
        %dma_start3A_341 = arith.constant 0 : i32
        %dma_start3A_342 = tpu.memref_slice %arg12[%dma_start3A_338, %dma_start3A_340, %dma_start3A_341] : memref<2x112x128xi32, #tpu.memory_space<vmem>> -> memref<1x112x128xi32, #tpu.memory_space<vmem>>
        %dma_start3A_343 = tpu.memref_squeeze %dma_start3A_342 : memref<1x112x128xi32, #tpu.memory_space<vmem>> -> memref<112x128xi32, #tpu.memory_space<vmem>>
        %dma_start3A_344 = arith.constant 0 : i32
        %dma_start3A_345 = arith.constant 0 : i32
        %dma_start3A_346 = tpu.memref_slice %arg5[%dma_start3A_344, %dma_start3A_345] : memref<100000x128xi32, #tpu.memory_space<hbm>> -> memref<100000x128xi32, #tpu.memory_space<hbm>>
        %dma_start3A_347 = tpu.memref_slice %arg14[%dma_start3A_339] : memref<2x!tpu.dma_semaphore, #tpu.memory_space<semaphore_mem>> -> memref<1x!tpu.dma_semaphore, #tpu.memory_space<semaphore_mem>>
        %dma_start3A_348 = tpu.memref_squeeze %dma_start3A_347 : memref<1x!tpu.dma_semaphore, #tpu.memory_space<semaphore_mem>> -> memref<!tpu.dma_semaphore, #tpu.memory_space<semaphore_mem>>
        tpu.enqueue_indirect_dma source(%dma_start3A_346 : memref<100000x128xi32, #tpu.memory_space<hbm>>) target(%dma_start3A_343 : memref<112x128xi32, #tpu.memory_space<vmem>>) offsets(%arg10 : memref<112xi32, #tpu.memory_space<vmem>>) semaphore(%dma_start3A_348 : memref<!tpu.dma_semaphore, #tpu.memory_space<semaphore_mem>>)
      } else {
      }
      %dma_wait3A_243 = arith.constant 1 : i32
      %dma_wait3A_244 = arith.constant 1 : i32
      %dma_wait3A_245 = arith.constant 0 : i32
      %dma_wait3A_246 = arith.constant 0 : i32
      %dma_wait3A_247 = tpu.memref_slice %arg12[%dma_wait3A_243, %dma_wait3A_245, %dma_wait3A_246] : memref<2x112x128xi32, #tpu.memory_space<vmem>> -> memref<1x112x128xi32, #tpu.memory_space<vmem>>
      %dma_wait3A_248 = tpu.memref_squeeze %dma_wait3A_247 : memref<1x112x128xi32, #tpu.memory_space<vmem>> -> memref<112x128xi32, #tpu.memory_space<vmem>>
      %dma_wait3A_249 = arith.constant 0 : i32
      %dma_wait3A_250 = arith.constant 0 : i32
      %dma_wait3A_251 = tpu.memref_slice %arg5[%dma_wait3A_249, %dma_wait3A_250] : memref<100000x128xi32, #tpu.memory_space<hbm>> -> memref<100000x128xi32, #tpu.memory_space<hbm>>
      %dma_wait3A_252 = tpu.memref_slice %arg14[%dma_wait3A_244] : memref<2x!tpu.dma_semaphore, #tpu.memory_space<semaphore_mem>> -> memref<1x!tpu.dma_semaphore, #tpu.memory_space<semaphore_mem>>
      %dma_wait3A_253 = tpu.memref_squeeze %dma_wait3A_252 : memref<1x!tpu.dma_semaphore, #tpu.memory_space<semaphore_mem>> -> memref<!tpu.dma_semaphore, #tpu.memory_space<semaphore_mem>>
      tpu.wait_indirect_dma semaphore(%dma_wait3A_253 : memref<!tpu.dma_semaphore, #tpu.memory_space<semaphore_mem>>) src(%dma_wait3A_251 : memref<100000x128xi32, #tpu.memory_space<hbm>>) dst(%dma_wait3A_248 : memref<112x128xi32, #tpu.memory_space<vmem>>)
      %add3A_254 = arith.constant 0 : i32
      %add3A_255 = arith.addi %add3A_254, %scan3A_138 : i32
      %get3A_256 = arith.index_cast %add3A_255 : i32 to index
      %get3A_257 = arith.constant 0 : index
      %get3A_258 = tpu.vector_load %arg8[%get3A_256, %get3A_257] {strides = array<i32>} : memref<128x128xi32, #tpu.memory_space<vmem>>, vector<16xi32>,
      %bitcast3A_259 = vector.bitcast %get3A_258 : vector<16xi32> to vector<32xbf16>
      %get3A_260 = arith.index_cast %add3A_255 : i32 to index
      %get3A_261 = arith.constant 16 : index
      %get3A_262 = tpu.vector_load %arg8[%get3A_260, %get3A_261] {strides = array<i32>} : memref<128x128xi32, #tpu.memory_space<vmem>>, vector<16xi32>,
      %bitcast3A_263 = vector.bitcast %get3A_262 : vector<16xi32> to vector<32xbf16>
      %get3A_264 = arith.index_cast %add3A_255 : i32 to index
      %get3A_265 = arith.constant 32 : index
      %get3A_266 = tpu.vector_load %arg8[%get3A_264, %get3A_265] {strides = array<i32>} : memref<128x128xi32, #tpu.memory_space<vmem>>, vector<16xi32>,
      %bitcast3A_267 = vector.bitcast %get3A_266 : vector<16xi32> to vector<32xbf16>
      %get3A_268 = arith.index_cast %add3A_255 : i32 to index
      %get3A_269 = arith.constant 48 : index
      %get3A_270 = tpu.vector_load %arg8[%get3A_268, %get3A_269] {strides = array<i32>} : memref<128x128xi32, #tpu.memory_space<vmem>>, vector<16xi32>,
      %bitcast3A_271 = vector.bitcast %get3A_270 : vector<16xi32> to vector<32xbf16>
      %get3A_272 = arith.index_cast %add3A_255 : i32 to index
      %get3A_273 = arith.constant 64 : index
      %get3A_274 = tpu.vector_load %arg8[%get3A_272, %get3A_273] {strides = array<i32>} : memref<128x128xi32, #tpu.memory_space<vmem>>, vector<16xi32>,
      %bitcast3A_275 = vector.bitcast %get3A_274 : vector<16xi32> to vector<32xbf16>
      %get3A_276 = arith.index_cast %add3A_255 : i32 to index
      %get3A_277 = arith.constant 80 : index
      %get3A_278 = tpu.vector_load %arg8[%get3A_276, %get3A_277] {strides = array<i32>} : memref<128x128xi32, #tpu.memory_space<vmem>>, vector<16xi32>,
      %bitcast3A_279 = vector.bitcast %get3A_278 : vector<16xi32> to vector<32xbf16>
      %get3A_280 = arith.index_cast %add3A_255 : i32 to index
      %get3A_281 = arith.constant 96 : index
      %get3A_282 = tpu.vector_load %arg8[%get3A_280, %get3A_281] {strides = array<i32>} : memref<128x128xi32, #tpu.memory_space<vmem>>, vector<16xi32>,
      %bitcast3A_283 = vector.bitcast %get3A_282 : vector<16xi32> to vector<32xbf16>
      %get3A_284 = arith.index_cast %add3A_255 : i32 to index
      %get3A_285 = arith.constant 112 : index
      %get3A_286 = tpu.vector_load %arg8[%get3A_284, %get3A_285] {strides = array<i32>} : memref<128x128xi32, #tpu.memory_space<vmem>>, vector<16xi32>,
      %bitcast3A_287 = vector.bitcast %get3A_286 : vector<16xi32> to vector<32xbf16>
      %mul3A_288 = arith.constant 224 : i32
      %mul3A_289 = arith.muli %scan3A_138, %mul3A_288 : i32
      %add3A_290 = arith.constant 112 : i32
      %add3A_291 = arith.addi %mul3A_289, %add3A_290 : i32
      %broadcast_in_dim3A_292 = vector.broadcast %add3A_291 : i32 to vector<16xi32>
      %scan3A_293 = arith.constant 0 : i32
      %scan3A_294 = arith.constant 0 : i32
      %scan3A_295 = arith.constant 112 : i32
      %scan3A_296 = arith.addi %scan3A_294, %scan3A_295 : i32
      %scan3A_297 = arith.constant 4 : i32
      %scan3A_298 = scf.for %scan3A_301 = %scan3A_294 to %scan3A_296 step %scan3A_297 iter_args(%scan3A_302 = %scan3A_293) -> (i32)  : i32 {
        %get3A_303 = arith.constant 1 : i32
        %get3A_304 = arith.index_cast %get3A_303 : i32 to index
        %get3A_305 = arith.index_cast %scan3A_301 : i32 to index
        %get3A_306 = arith.constant 0 : index
        %get3A_307 = tpu.vector_load %arg12[%get3A_304, %get3A_305, %get3A_306] {strides = array<i32>} : memref<2x112x128xi32, #tpu.memory_space<vmem>>, vector<16xi32>,
        %bitcast3A_308 = vector.bitcast %get3A_307 : vector<16xi32> to vector<32xbf16>
        %mul3A_309 = arith.mulf %bitcast3A_308, %bitcast3A_259 : vector<32xbf16>
        %get3A_310 = arith.constant 1 : i32
        %get3A_311 = arith.index_cast %get3A_310 : i32 to index
        %get3A_312 = arith.index_cast %scan3A_301 : i32 to index
        %get3A_313 = arith.constant 16 : index
        %get3A_314 = tpu.vector_load %arg12[%get3A_311, %get3A_312, %get3A_313] {strides = array<i32>} : memref<2x112x128xi32, #tpu.memory_space<vmem>>, vector<16xi32>,
        %bitcast3A_315 = vector.bitcast %get3A_314 : vector<16xi32> to vector<32xbf16>
        %mul3A_316 = arith.mulf %bitcast3A_315, %bitcast3A_263 : vector<32xbf16>
        %add3A_317 = arith.addf %mul3A_309, %mul3A_316 : vector<32xbf16>
        %get3A_318 = arith.constant 1 : i32
        %get3A_319 = arith.index_cast %get3A_318 : i32 to index
        %get3A_320 = arith.index_cast %scan3A_301 : i32 to index
        %get3A_321 = arith.constant 32 : index
        %get3A_322 = tpu.vector_load %arg12[%get3A_319, %get3A_320, %get3A_321] {strides = array<i32>} : memref<2x112x128xi32, #tpu.memory_space<vmem>>, vector<16xi32>,
        %bitcast3A_323 = vector.bitcast %get3A_322 : vector<16xi32> to vector<32xbf16>
        %mul3A_324 = arith.mulf %bitcast3A_323, %bitcast3A_267 : vector<32xbf16>
        %add3A_325 = arith.addf %add3A_317, %mul3A_324 : vector<32xbf16>
        %get3A_326 = arith.constant 1 : i32
        %get3A_327 = arith.index_cast %get3A_326 : i32 to index
        %get3A_328 = arith.index_cast %scan3A_301 : i32 to index
        %get3A_329 = arith.constant 48 : index
        %get3A_330 = tpu.vector_load %arg12[%get3A_327, %get3A_328, %get3A_329] {strides = array<i32>} : memref<2x112x128xi32, #tpu.memory_space<vmem>>, vector<16xi32>,
        %bitcast3A_331 = vector.bitcast %get3A_330 : vector<16xi32> to vector<32xbf16>
        %mul3A_332 = arith.mulf %bitcast3A_331, %bitcast3A_271 : vector<32xbf16>
        %add3A_333 = arith.addf %add3A_325, %mul3A_332 : vector<32xbf16>
        %get3A_334 = arith.constant 1 : i32
        %get3A_335 = arith.index_cast %get3A_334 : i32 to index
        %get3A_336 = arith.index_cast %scan3A_301 : i32 to index
        %get3A_337 = arith.constant 64 : index
        %get3A_338 = tpu.vector_load %arg12[%get3A_335, %get3A_336, %get3A_337] {strides = array<i32>} : memref<2x112x128xi32, #tpu.memory_space<vmem>>, vector<16xi32>,
        %bitcast3A_339 = vector.bitcast %get3A_338 : vector<16xi32> to vector<32xbf16>
        %mul3A_340 = arith.mulf %bitcast3A_339, %bitcast3A_275 : vector<32xbf16>
        %add3A_341 = arith.addf %add3A_333, %mul3A_340 : vector<32xbf16>
        %get3A_342 = arith.constant 1 : i32
        %get3A_343 = arith.index_cast %get3A_342 : i32 to index
        %get3A_344 = arith.index_cast %scan3A_301 : i32 to index
        %get3A_345 = arith.constant 80 : index
        %get3A_346 = tpu.vector_load %arg12[%get3A_343, %get3A_344, %get3A_345] {strides = array<i32>} : memref<2x112x128xi32, #tpu.memory_space<vmem>>, vector<16xi32>,
        %bitcast3A_347 = vector.bitcast %get3A_346 : vector<16xi32> to vector<32xbf16>
        %mul3A_348 = arith.mulf %bitcast3A_347, %bitcast3A_279 : vector<32xbf16>
        %add3A_349 = arith.addf %add3A_341, %mul3A_348 : vector<32xbf16>
        %get3A_350 = arith.constant 1 : i32
        %get3A_351 = arith.index_cast %get3A_350 : i32 to index
        %get3A_352 = arith.index_cast %scan3A_301 : i32 to index
        %get3A_353 = arith.constant 96 : index
        %get3A_354 = tpu.vector_load %arg12[%get3A_351, %get3A_352, %get3A_353] {strides = array<i32>} : memref<2x112x128xi32, #tpu.memory_space<vmem>>, vector<16xi32>,
        %bitcast3A_355 = vector.bitcast %get3A_354 : vector<16xi32> to vector<32xbf16>
        %mul3A_356 = arith.mulf %bitcast3A_355, %bitcast3A_283 : vector<32xbf16>
        %add3A_357 = arith.addf %add3A_349, %mul3A_356 : vector<32xbf16>
        %get3A_358 = arith.constant 1 : i32
        %get3A_359 = arith.index_cast %get3A_358 : i32 to index
        %get3A_360 = arith.index_cast %scan3A_301 : i32 to index
        %get3A_361 = arith.constant 112 : index
        %get3A_362 = tpu.vector_load %arg12[%get3A_359, %get3A_360, %get3A_361] {strides = array<i32>} : memref<2x112x128xi32, #tpu.memory_space<vmem>>, vector<16xi32>,
        %bitcast3A_363 = vector.bitcast %get3A_362 : vector<16xi32> to vector<32xbf16>
        %mul3A_364 = arith.mulf %bitcast3A_363, %bitcast3A_287 : vector<32xbf16>
        %add3A_365 = arith.addf %add3A_357, %mul3A_364 : vector<32xbf16>
        %unpack3A = tpu.unpack_subelements %add3A_365, 0 {pack_format = #tpu.pack_format<interleaved>} : vector<32xbf16> -> vector<16xf32>
        %unpack3A_366 = tpu.unpack_subelements %add3A_365, 1 {pack_format = #tpu.pack_format<interleaved>} : vector<32xbf16> -> vector<16xf32>
        %add3A_367 = arith.addf %unpack3A, %unpack3A_366 : vector<16xf32>
        %reduce_sum3A = arith.constant true
        %reduce_sum3A_368 = vector.broadcast %reduce_sum3A : i1 to vector<16xi1>
        %reduce_sum3A_369 = tpu.scan <sum>, %add3A_367 masked %reduce_sum3A_368 : vector<16xf32>, vector<16xi1> -> vector<16xf32>
        %reduce_sum3A_370 = vector.extract %reduce_sum3A_369[15] : f32 from vector<16xf32>
        %add3A_371 = vector.broadcast %scan3A_301 : i32 to vector<16xi32>
        %add3A_372 = arith.addi %broadcast_in_dim3A_292, %add3A_371 : vector<16xi32>
        %broadcast_in_dim3A_373 = vector.broadcast %reduce_sum3A_370 : f32 to vector<16xf32>
        tpu.vector_store_idx %arg13[%add3A_372], %broadcast_in_dim3A_373 masked %eq3A_2 : memref<14336xf32, #tpu.memory_space<vmem>>[vector<16xi32>], vector<16xf32>, vector<16xi1>
        %scan3A_374 = arith.constant 0 : i32
        %scan3A_375 = arith.constant 1 : i32
        %scan3A_376 = arith.addi %scan3A_301, %scan3A_375 : i32
        %get3A_377 = arith.constant 1 : i32
        %get3A_378 = arith.index_cast %get3A_377 : i32 to index
        %get3A_379 = arith.index_cast %scan3A_376 : i32 to index
        %get3A_380 = arith.constant 0 : index
        %get3A_381 = tpu.vector_load %arg12[%get3A_378, %get3A_379, %get3A_380] {strides = array<i32>} : memref<2x112x128xi32, #tpu.memory_space<vmem>>, vector<16xi32>,
        %bitcast3A_382 = vector.bitcast %get3A_381 : vector<16xi32> to vector<32xbf16>
        %mul3A_383 = arith.mulf %bitcast3A_382, %bitcast3A_259 : vector<32xbf16>
        %get3A_384 = arith.constant 1 : i32
        %get3A_385 = arith.index_cast %get3A_384 : i32 to index
        %get3A_386 = arith.index_cast %scan3A_376 : i32 to index
        %get3A_387 = arith.constant 16 : index
        %get3A_388 = tpu.vector_load %arg12[%get3A_385, %get3A_386, %get3A_387] {strides = array<i32>} : memref<2x112x128xi32, #tpu.memory_space<vmem>>, vector<16xi32>,
        %bitcast3A_389 = vector.bitcast %get3A_388 : vector<16xi32> to vector<32xbf16>
        %mul3A_390 = arith.mulf %bitcast3A_389, %bitcast3A_263 : vector<32xbf16>
        %add3A_391 = arith.addf %mul3A_383, %mul3A_390 : vector<32xbf16>
        %get3A_392 = arith.constant 1 : i32
        %get3A_393 = arith.index_cast %get3A_392 : i32 to index
        %get3A_394 = arith.index_cast %scan3A_376 : i32 to index
        %get3A_395 = arith.constant 32 : index
        %get3A_396 = tpu.vector_load %arg12[%get3A_393, %get3A_394, %get3A_395] {strides = array<i32>} : memref<2x112x128xi32, #tpu.memory_space<vmem>>, vector<16xi32>,
        %bitcast3A_397 = vector.bitcast %get3A_396 : vector<16xi32> to vector<32xbf16>
        %mul3A_398 = arith.mulf %bitcast3A_397, %bitcast3A_267 : vector<32xbf16>
        %add3A_399 = arith.addf %add3A_391, %mul3A_398 : vector<32xbf16>
        %get3A_400 = arith.constant 1 : i32
        %get3A_401 = arith.index_cast %get3A_400 : i32 to index
        %get3A_402 = arith.index_cast %scan3A_376 : i32 to index
        %get3A_403 = arith.constant 48 : index
        %get3A_404 = tpu.vector_load %arg12[%get3A_401, %get3A_402, %get3A_403] {strides = array<i32>} : memref<2x112x128xi32, #tpu.memory_space<vmem>>, vector<16xi32>,
        %bitcast3A_405 = vector.bitcast %get3A_404 : vector<16xi32> to vector<32xbf16>
        %mul3A_406 = arith.mulf %bitcast3A_405, %bitcast3A_271 : vector<32xbf16>
        %add3A_407 = arith.addf %add3A_399, %mul3A_406 : vector<32xbf16>
        %get3A_408 = arith.constant 1 : i32
        %get3A_409 = arith.index_cast %get3A_408 : i32 to index
        %get3A_410 = arith.index_cast %scan3A_376 : i32 to index
        %get3A_411 = arith.constant 64 : index
        %get3A_412 = tpu.vector_load %arg12[%get3A_409, %get3A_410, %get3A_411] {strides = array<i32>} : memref<2x112x128xi32, #tpu.memory_space<vmem>>, vector<16xi32>,
        %bitcast3A_413 = vector.bitcast %get3A_412 : vector<16xi32> to vector<32xbf16>
        %mul3A_414 = arith.mulf %bitcast3A_413, %bitcast3A_275 : vector<32xbf16>
        %add3A_415 = arith.addf %add3A_407, %mul3A_414 : vector<32xbf16>
        %get3A_416 = arith.constant 1 : i32
        %get3A_417 = arith.index_cast %get3A_416 : i32 to index
        %get3A_418 = arith.index_cast %scan3A_376 : i32 to index
        %get3A_419 = arith.constant 80 : index
        %get3A_420 = tpu.vector_load %arg12[%get3A_417, %get3A_418, %get3A_419] {strides = array<i32>} : memref<2x112x128xi32, #tpu.memory_space<vmem>>, vector<16xi32>,
        %bitcast3A_421 = vector.bitcast %get3A_420 : vector<16xi32> to vector<32xbf16>
        %mul3A_422 = arith.mulf %bitcast3A_421, %bitcast3A_279 : vector<32xbf16>
        %add3A_423 = arith.addf %add3A_415, %mul3A_422 : vector<32xbf16>
        %get3A_424 = arith.constant 1 : i32
        %get3A_425 = arith.index_cast %get3A_424 : i32 to index
        %get3A_426 = arith.index_cast %scan3A_376 : i32 to index
        %get3A_427 = arith.constant 96 : index
        %get3A_428 = tpu.vector_load %arg12[%get3A_425, %get3A_426, %get3A_427] {strides = array<i32>} : memref<2x112x128xi32, #tpu.memory_space<vmem>>, vector<16xi32>,
        %bitcast3A_429 = vector.bitcast %get3A_428 : vector<16xi32> to vector<32xbf16>
        %mul3A_430 = arith.mulf %bitcast3A_429, %bitcast3A_283 : vector<32xbf16>
        %add3A_431 = arith.addf %add3A_423, %mul3A_430 : vector<32xbf16>
        %get3A_432 = arith.constant 1 : i32
        %get3A_433 = arith.index_cast %get3A_432 : i32 to index
        %get3A_434 = arith.index_cast %scan3A_376 : i32 to index
        %get3A_435 = arith.constant 112 : index
        %get3A_436 = tpu.vector_load %arg12[%get3A_433, %get3A_434, %get3A_435] {strides = array<i32>} : memref<2x112x128xi32, #tpu.memory_space<vmem>>, vector<16xi32>,
        %bitcast3A_437 = vector.bitcast %get3A_436 : vector<16xi32> to vector<32xbf16>
        %mul3A_438 = arith.mulf %bitcast3A_437, %bitcast3A_287 : vector<32xbf16>
        %add3A_439 = arith.addf %add3A_431, %mul3A_438 : vector<32xbf16>
        %unpack3A_440 = tpu.unpack_subelements %add3A_439, 0 {pack_format = #tpu.pack_format<interleaved>} : vector<32xbf16> -> vector<16xf32>
        %unpack3A_441 = tpu.unpack_subelements %add3A_439, 1 {pack_format = #tpu.pack_format<interleaved>} : vector<32xbf16> -> vector<16xf32>
        %add3A_442 = arith.addf %unpack3A_440, %unpack3A_441 : vector<16xf32>
        %reduce_sum3A_443 = arith.constant true
        %reduce_sum3A_444 = vector.broadcast %reduce_sum3A_443 : i1 to vector<16xi1>
        %reduce_sum3A_445 = tpu.scan <sum>, %add3A_442 masked %reduce_sum3A_444 : vector<16xf32>, vector<16xi1> -> vector<16xf32>
        %reduce_sum3A_446 = vector.extract %reduce_sum3A_445[15] : f32 from vector<16xf32>
        %add3A_447 = vector.broadcast %scan3A_376 : i32 to vector<16xi32>
        %add3A_448 = arith.addi %broadcast_in_dim3A_292, %add3A_447 : vector<16xi32>
        %broadcast_in_dim3A_449 = vector.broadcast %reduce_sum3A_446 : f32 to vector<16xf32>
        tpu.vector_store_idx %arg13[%add3A_448], %broadcast_in_dim3A_449 masked %eq3A_2 : memref<14336xf32, #tpu.memory_space<vmem>>[vector<16xi32>], vector<16xf32>, vector<16xi1>
        %scan3A_450 = arith.constant 0 : i32
        %scan3A_451 = arith.constant 2 : i32
        %scan3A_452 = arith.addi %scan3A_301, %scan3A_451 : i32
        %get3A_453 = arith.constant 1 : i32
        %get3A_454 = arith.index_cast %get3A_453 : i32 to index
        %get3A_455 = arith.index_cast %scan3A_452 : i32 to index
        %get3A_456 = arith.constant 0 : index
        %get3A_457 = tpu.vector_load %arg12[%get3A_454, %get3A_455, %get3A_456] {strides = array<i32>} : memref<2x112x128xi32, #tpu.memory_space<vmem>>, vector<16xi32>,
        %bitcast3A_458 = vector.bitcast %get3A_457 : vector<16xi32> to vector<32xbf16>
        %mul3A_459 = arith.mulf %bitcast3A_458, %bitcast3A_259 : vector<32xbf16>
        %get3A_460 = arith.constant 1 : i32
        %get3A_461 = arith.index_cast %get3A_460 : i32 to index
        %get3A_462 = arith.index_cast %scan3A_452 : i32 to index
        %get3A_463 = arith.constant 16 : index
        %get3A_464 = tpu.vector_load %arg12[%get3A_461, %get3A_462, %get3A_463] {strides = array<i32>} : memref<2x112x128xi32, #tpu.memory_space<vmem>>, vector<16xi32>,
        %bitcast3A_465 = vector.bitcast %get3A_464 : vector<16xi32> to vector<32xbf16>
        %mul3A_466 = arith.mulf %bitcast3A_465, %bitcast3A_263 : vector<32xbf16>
        %add3A_467 = arith.addf %mul3A_459, %mul3A_466 : vector<32xbf16>
        %get3A_468 = arith.constant 1 : i32
        %get3A_469 = arith.index_cast %get3A_468 : i32 to index
        %get3A_470 = arith.index_cast %scan3A_452 : i32 to index
        %get3A_471 = arith.constant 32 : index
        %get3A_472 = tpu.vector_load %arg12[%get3A_469, %get3A_470, %get3A_471] {strides = array<i32>} : memref<2x112x128xi32, #tpu.memory_space<vmem>>, vector<16xi32>,
        %bitcast3A_473 = vector.bitcast %get3A_472 : vector<16xi32> to vector<32xbf16>
        %mul3A_474 = arith.mulf %bitcast3A_473, %bitcast3A_267 : vector<32xbf16>
        %add3A_475 = arith.addf %add3A_467, %mul3A_474 : vector<32xbf16>
        %get3A_476 = arith.constant 1 : i32
        %get3A_477 = arith.index_cast %get3A_476 : i32 to index
        %get3A_478 = arith.index_cast %scan3A_452 : i32 to index
        %get3A_479 = arith.constant 48 : index
        %get3A_480 = tpu.vector_load %arg12[%get3A_477, %get3A_478, %get3A_479] {strides = array<i32>} : memref<2x112x128xi32, #tpu.memory_space<vmem>>, vector<16xi32>,
        %bitcast3A_481 = vector.bitcast %get3A_480 : vector<16xi32> to vector<32xbf16>
        %mul3A_482 = arith.mulf %bitcast3A_481, %bitcast3A_271 : vector<32xbf16>
        %add3A_483 = arith.addf %add3A_475, %mul3A_482 : vector<32xbf16>
        %get3A_484 = arith.constant 1 : i32
        %get3A_485 = arith.index_cast %get3A_484 : i32 to index
        %get3A_486 = arith.index_cast %scan3A_452 : i32 to index
        %get3A_487 = arith.constant 64 : index
        %get3A_488 = tpu.vector_load %arg12[%get3A_485, %get3A_486, %get3A_487] {strides = array<i32>} : memref<2x112x128xi32, #tpu.memory_space<vmem>>, vector<16xi32>,
        %bitcast3A_489 = vector.bitcast %get3A_488 : vector<16xi32> to vector<32xbf16>
        %mul3A_490 = arith.mulf %bitcast3A_489, %bitcast3A_275 : vector<32xbf16>
        %add3A_491 = arith.addf %add3A_483, %mul3A_490 : vector<32xbf16>
        %get3A_492 = arith.constant 1 : i32
        %get3A_493 = arith.index_cast %get3A_492 : i32 to index
        %get3A_494 = arith.index_cast %scan3A_452 : i32 to index
        %get3A_495 = arith.constant 80 : index
        %get3A_496 = tpu.vector_load %arg12[%get3A_493, %get3A_494, %get3A_495] {strides = array<i32>} : memref<2x112x128xi32, #tpu.memory_space<vmem>>, vector<16xi32>,
        %bitcast3A_497 = vector.bitcast %get3A_496 : vector<16xi32> to vector<32xbf16>
        %mul3A_498 = arith.mulf %bitcast3A_497, %bitcast3A_279 : vector<32xbf16>
        %add3A_499 = arith.addf %add3A_491, %mul3A_498 : vector<32xbf16>
        %get3A_500 = arith.constant 1 : i32
        %get3A_501 = arith.index_cast %get3A_500 : i32 to index
        %get3A_502 = arith.index_cast %scan3A_452 : i32 to index
        %get3A_503 = arith.constant 96 : index
        %get3A_504 = tpu.vector_load %arg12[%get3A_501, %get3A_502, %get3A_503] {strides = array<i32>} : memref<2x112x128xi32, #tpu.memory_space<vmem>>, vector<16xi32>,
        %bitcast3A_505 = vector.bitcast %get3A_504 : vector<16xi32> to vector<32xbf16>
        %mul3A_506 = arith.mulf %bitcast3A_505, %bitcast3A_283 : vector<32xbf16>
        %add3A_507 = arith.addf %add3A_499, %mul3A_506 : vector<32xbf16>
        %get3A_508 = arith.constant 1 : i32
        %get3A_509 = arith.index_cast %get3A_508 : i32 to index
        %get3A_510 = arith.index_cast %scan3A_452 : i32 to index
        %get3A_511 = arith.constant 112 : index
        %get3A_512 = tpu.vector_load %arg12[%get3A_509, %get3A_510, %get3A_511] {strides = array<i32>} : memref<2x112x128xi32, #tpu.memory_space<vmem>>, vector<16xi32>,
        %bitcast3A_513 = vector.bitcast %get3A_512 : vector<16xi32> to vector<32xbf16>
        %mul3A_514 = arith.mulf %bitcast3A_513, %bitcast3A_287 : vector<32xbf16>
        %add3A_515 = arith.addf %add3A_507, %mul3A_514 : vector<32xbf16>
        %unpack3A_516 = tpu.unpack_subelements %add3A_515, 0 {pack_format = #tpu.pack_format<interleaved>} : vector<32xbf16> -> vector<16xf32>
        %unpack3A_517 = tpu.unpack_subelements %add3A_515, 1 {pack_format = #tpu.pack_format<interleaved>} : vector<32xbf16> -> vector<16xf32>
        %add3A_518 = arith.addf %unpack3A_516, %unpack3A_517 : vector<16xf32>
        %reduce_sum3A_519 = arith.constant true
        %reduce_sum3A_520 = vector.broadcast %reduce_sum3A_519 : i1 to vector<16xi1>
        %reduce_sum3A_521 = tpu.scan <sum>, %add3A_518 masked %reduce_sum3A_520 : vector<16xf32>, vector<16xi1> -> vector<16xf32>
        %reduce_sum3A_522 = vector.extract %reduce_sum3A_521[15] : f32 from vector<16xf32>
        %add3A_523 = vector.broadcast %scan3A_452 : i32 to vector<16xi32>
        %add3A_524 = arith.addi %broadcast_in_dim3A_292, %add3A_523 : vector<16xi32>
        %broadcast_in_dim3A_525 = vector.broadcast %reduce_sum3A_522 : f32 to vector<16xf32>
        tpu.vector_store_idx %arg13[%add3A_524], %broadcast_in_dim3A_525 masked %eq3A_2 : memref<14336xf32, #tpu.memory_space<vmem>>[vector<16xi32>], vector<16xf32>, vector<16xi1>
        %scan3A_526 = arith.constant 0 : i32
        %scan3A_527 = arith.constant 3 : i32
        %scan3A_528 = arith.addi %scan3A_301, %scan3A_527 : i32
        %get3A_529 = arith.constant 1 : i32
        %get3A_530 = arith.index_cast %get3A_529 : i32 to index
        %get3A_531 = arith.index_cast %scan3A_528 : i32 to index
        %get3A_532 = arith.constant 0 : index
        %get3A_533 = tpu.vector_load %arg12[%get3A_530, %get3A_531, %get3A_532] {strides = array<i32>} : memref<2x112x128xi32, #tpu.memory_space<vmem>>, vector<16xi32>,
        %bitcast3A_534 = vector.bitcast %get3A_533 : vector<16xi32> to vector<32xbf16>
        %mul3A_535 = arith.mulf %bitcast3A_534, %bitcast3A_259 : vector<32xbf16>
        %get3A_536 = arith.constant 1 : i32
        %get3A_537 = arith.index_cast %get3A_536 : i32 to index
        %get3A_538 = arith.index_cast %scan3A_528 : i32 to index
        %get3A_539 = arith.constant 16 : index
        %get3A_540 = tpu.vector_load %arg12[%get3A_537, %get3A_538, %get3A_539] {strides = array<i32>} : memref<2x112x128xi32, #tpu.memory_space<vmem>>, vector<16xi32>,
        %bitcast3A_541 = vector.bitcast %get3A_540 : vector<16xi32> to vector<32xbf16>
        %mul3A_542 = arith.mulf %bitcast3A_541, %bitcast3A_263 : vector<32xbf16>
        %add3A_543 = arith.addf %mul3A_535, %mul3A_542 : vector<32xbf16>
        %get3A_544 = arith.constant 1 : i32
        %get3A_545 = arith.index_cast %get3A_544 : i32 to index
        %get3A_546 = arith.index_cast %scan3A_528 : i32 to index
        %get3A_547 = arith.constant 32 : index
        %get3A_548 = tpu.vector_load %arg12[%get3A_545, %get3A_546, %get3A_547] {strides = array<i32>} : memref<2x112x128xi32, #tpu.memory_space<vmem>>, vector<16xi32>,
        %bitcast3A_549 = vector.bitcast %get3A_548 : vector<16xi32> to vector<32xbf16>
        %mul3A_550 = arith.mulf %bitcast3A_549, %bitcast3A_267 : vector<32xbf16>
        %add3A_551 = arith.addf %add3A_543, %mul3A_550 : vector<32xbf16>
        %get3A_552 = arith.constant 1 : i32
        %get3A_553 = arith.index_cast %get3A_552 : i32 to index
        %get3A_554 = arith.index_cast %scan3A_528 : i32 to index
        %get3A_555 = arith.constant 48 : index
        %get3A_556 = tpu.vector_load %arg12[%get3A_553, %get3A_554, %get3A_555] {strides = array<i32>} : memref<2x112x128xi32, #tpu.memory_space<vmem>>, vector<16xi32>,
        %bitcast3A_557 = vector.bitcast %get3A_556 : vector<16xi32> to vector<32xbf16>
        %mul3A_558 = arith.mulf %bitcast3A_557, %bitcast3A_271 : vector<32xbf16>
        %add3A_559 = arith.addf %add3A_551, %mul3A_558 : vector<32xbf16>
        %get3A_560 = arith.constant 1 : i32
        %get3A_561 = arith.index_cast %get3A_560 : i32 to index
        %get3A_562 = arith.index_cast %scan3A_528 : i32 to index
        %get3A_563 = arith.constant 64 : index
        %get3A_564 = tpu.vector_load %arg12[%get3A_561, %get3A_562, %get3A_563] {strides = array<i32>} : memref<2x112x128xi32, #tpu.memory_space<vmem>>, vector<16xi32>,
        %bitcast3A_565 = vector.bitcast %get3A_564 : vector<16xi32> to vector<32xbf16>
        %mul3A_566 = arith.mulf %bitcast3A_565, %bitcast3A_275 : vector<32xbf16>
        %add3A_567 = arith.addf %add3A_559, %mul3A_566 : vector<32xbf16>
        %get3A_568 = arith.constant 1 : i32
        %get3A_569 = arith.index_cast %get3A_568 : i32 to index
        %get3A_570 = arith.index_cast %scan3A_528 : i32 to index
        %get3A_571 = arith.constant 80 : index
        %get3A_572 = tpu.vector_load %arg12[%get3A_569, %get3A_570, %get3A_571] {strides = array<i32>} : memref<2x112x128xi32, #tpu.memory_space<vmem>>, vector<16xi32>,
        %bitcast3A_573 = vector.bitcast %get3A_572 : vector<16xi32> to vector<32xbf16>
        %mul3A_574 = arith.mulf %bitcast3A_573, %bitcast3A_279 : vector<32xbf16>
        %add3A_575 = arith.addf %add3A_567, %mul3A_574 : vector<32xbf16>
        %get3A_576 = arith.constant 1 : i32
        %get3A_577 = arith.index_cast %get3A_576 : i32 to index
        %get3A_578 = arith.index_cast %scan3A_528 : i32 to index
        %get3A_579 = arith.constant 96 : index
        %get3A_580 = tpu.vector_load %arg12[%get3A_577, %get3A_578, %get3A_579] {strides = array<i32>} : memref<2x112x128xi32, #tpu.memory_space<vmem>>, vector<16xi32>,
        %bitcast3A_581 = vector.bitcast %get3A_580 : vector<16xi32> to vector<32xbf16>
        %mul3A_582 = arith.mulf %bitcast3A_581, %bitcast3A_283 : vector<32xbf16>
        %add3A_583 = arith.addf %add3A_575, %mul3A_582 : vector<32xbf16>
        %get3A_584 = arith.constant 1 : i32
        %get3A_585 = arith.index_cast %get3A_584 : i32 to index
        %get3A_586 = arith.index_cast %scan3A_528 : i32 to index
        %get3A_587 = arith.constant 112 : index
        %get3A_588 = tpu.vector_load %arg12[%get3A_585, %get3A_586, %get3A_587] {strides = array<i32>} : memref<2x112x128xi32, #tpu.memory_space<vmem>>, vector<16xi32>,
        %bitcast3A_589 = vector.bitcast %get3A_588 : vector<16xi32> to vector<32xbf16>
        %mul3A_590 = arith.mulf %bitcast3A_589, %bitcast3A_287 : vector<32xbf16>
        %add3A_591 = arith.addf %add3A_583, %mul3A_590 : vector<32xbf16>
        %unpack3A_592 = tpu.unpack_subelements %add3A_591, 0 {pack_format = #tpu.pack_format<interleaved>} : vector<32xbf16> -> vector<16xf32>
        %unpack3A_593 = tpu.unpack_subelements %add3A_591, 1 {pack_format = #tpu.pack_format<interleaved>} : vector<32xbf16> -> vector<16xf32>
        %add3A_594 = arith.addf %unpack3A_592, %unpack3A_593 : vector<16xf32>
        %reduce_sum3A_595 = arith.constant true
        %reduce_sum3A_596 = vector.broadcast %reduce_sum3A_595 : i1 to vector<16xi1>
        %reduce_sum3A_597 = tpu.scan <sum>, %add3A_594 masked %reduce_sum3A_596 : vector<16xf32>, vector<16xi1> -> vector<16xf32>
        %reduce_sum3A_598 = vector.extract %reduce_sum3A_597[15] : f32 from vector<16xf32>
        %add3A_599 = vector.broadcast %scan3A_528 : i32 to vector<16xi32>
        %add3A_600 = arith.addi %broadcast_in_dim3A_292, %add3A_599 : vector<16xi32>
        %broadcast_in_dim3A_601 = vector.broadcast %reduce_sum3A_598 : f32 to vector<16xf32>
        tpu.vector_store_idx %arg13[%add3A_600], %broadcast_in_dim3A_601 masked %eq3A_2 : memref<14336xf32, #tpu.memory_space<vmem>>[vector<16xi32>], vector<16xf32>, vector<16xi1>
        %scan3A_602 = arith.constant 0 : i32
        scf.yield %scan3A_602 : i32
      }
      %scan3A_299 = arith.constant 112 : i32
      %scan3A_300 = arith.constant 0 : i32
      scf.yield %scan3A_300 : i32
    }
    %scan3A_69 = arith.constant 64 : i32
    %mul3A_70 = arith.constant 224 : i32
    %mul3A_71 = arith.muli %add3A_12, %mul3A_70 : i32
    "tpu.region"() ({
      %run_scoped3A = tpu.sem_alloc : memref<!tpu.dma_semaphore, #tpu.memory_space<semaphore_mem>>
      %dma_start3A_138 = tpu.memref_slice %arg6[%mul3A_71] : memref<917504xf32, #tpu.memory_space<hbm>> -> memref<14336xf32, #tpu.memory_space<hbm>>
      %dma_start3A_139 = tpu.memref_slice %arg6[%mul3A_71] : memref<917504xf32, #tpu.memory_space<hbm>> -> memref<14336xf32, #tpu.memory_space<hbm>>
      tpu.enqueue_dma source(%arg13 : memref<14336xf32, #tpu.memory_space<vmem>>) target(%dma_start3A_139 : memref<14336xf32, #tpu.memory_space<hbm>>) target_semaphore(%run_scoped3A : memref<!tpu.dma_semaphore, #tpu.memory_space<semaphore_mem>>)
      %dma_wait3A_140 = tpu.memref_slice %arg6[%mul3A_71] : memref<917504xf32, #tpu.memory_space<hbm>> -> memref<14336xf32, #tpu.memory_space<hbm>>
      %dma_wait3A_141 = tpu.memref_slice %arg6[%mul3A_71] : memref<917504xf32, #tpu.memory_space<hbm>> -> memref<14336xf32, #tpu.memory_space<hbm>>
      tpu.wait_dma2 semaphore(%run_scoped3A : memref<!tpu.dma_semaphore, #tpu.memory_space<semaphore_mem>>) src(%arg13 : memref<14336xf32, #tpu.memory_space<vmem>>) dst(%dma_wait3A_141 : memref<14336xf32, #tpu.memory_space<hbm>>)
      tpu.yield
    }) : () -> ()
    %mul3A_72 = arith.constant 128 : i32
    %mul3A_73 = arith.muli %add3A, %mul3A_72 : i32
    %add3A_74 = arith.constant 64 : i32
    %add3A_75 = arith.addi %mul3A_73, %add3A_74 : i32
    "tpu.region"() ({
      %run_scoped3A = tpu.sem_alloc : memref<!tpu.dma_semaphore, #tpu.memory_space<semaphore_mem>>
      %dma_start3A_138 = arith.constant 0 : i32
      %dma_start3A_139 = tpu.memref_slice %arg2[%add3A_75, %dma_start3A_138] : memref<4096x224xi32, #tpu.memory_space<hbm>> -> memref<64x224xi32, #tpu.memory_space<hbm>>
      %dma_start3A_140 = arith.constant 0 : i32
      %dma_start3A_141 = tpu.memref_slice %arg2[%add3A_75, %dma_start3A_140] : memref<4096x224xi32, #tpu.memory_space<hbm>> -> memref<64x224xi32, #tpu.memory_space<hbm>>
      tpu.enqueue_dma source(%dma_start3A_141 : memref<64x224xi32, #tpu.memory_space<hbm>>) target(%arg9 : memref<64x224xi32, #tpu.memory_space<vmem>>) target_semaphore(%run_scoped3A : memref<!tpu.dma_semaphore, #tpu.memory_space<semaphore_mem>>)
      %dma_wait3A_142 = arith.constant 0 : i32
      %dma_wait3A_143 = tpu.memref_slice %arg2[%add3A_75, %dma_wait3A_142] : memref<4096x224xi32, #tpu.memory_space<hbm>> -> memref<64x224xi32, #tpu.memory_space<hbm>>
      %dma_wait3A_144 = arith.constant 0 : i32
      %dma_wait3A_145 = tpu.memref_slice %arg2[%add3A_75, %dma_wait3A_144] : memref<4096x224xi32, #tpu.memory_space<hbm>> -> memref<64x224xi32, #tpu.memory_space<hbm>>
      tpu.wait_dma2 semaphore(%run_scoped3A : memref<!tpu.dma_semaphore, #tpu.memory_space<semaphore_mem>>) src(%dma_wait3A_145 : memref<64x224xi32, #tpu.memory_space<hbm>>) dst(%arg9 : memref<64x224xi32, #tpu.memory_space<vmem>>)
      tpu.yield
    }) : () -> ()
    %get3A_76 = arith.constant 0 : i32
    %get3A_77 = arith.index_cast %get3A_76 : i32 to index
    %get3A_78 = arith.constant 0 : index
    %get3A_79 = tpu.vector_load %arg9[%get3A_77, %get3A_78] {strides = array<i32>} : memref<64x224xi32, #tpu.memory_space<vmem>>, vector<16xi32>,
    %swap3A_80 = arith.constant 0 : index
    %swap3A_81 = tpu.vector_load %arg10[%swap3A_80] {strides = array<i32>} : memref<112xi32, #tpu.memory_space<vmem>>, vector<16xi32>,
    tpu.vector_store %arg10[%swap3A_80], %get3A_79 {strides = array<i32>} : memref<112xi32, #tpu.memory_space<vmem>>, vector<16xi32>,
    %get3A_82 = arith.constant 0 : i32
    %get3A_83 = arith.index_cast %get3A_82 : i32 to index
    %get3A_84 = arith.constant 16 : index
    %get3A_85 = tpu.vector_load %arg9[%get3A_83, %get3A_84] {strides = array<i32>} : memref<64x224xi32, #tpu.memory_space<vmem>>, vector<16xi32>,
    %swap3A_86 = arith.constant 16 : index
    %swap3A_87 = tpu.vector_load %arg10[%swap3A_86] {strides = array<i32>} : memref<112xi32, #tpu.memory_space<vmem>>, vector<16xi32>,
    tpu.vector_store %arg10[%swap3A_86], %get3A_85 {strides = array<i32>} : memref<112xi32, #tpu.memory_space<vmem>>, vector<16xi32>,
    %get3A_88 = arith.constant 0 : i32
    %get3A_89 = arith.index_cast %get3A_88 : i32 to index
    %get3A_90 = arith.constant 32 : index
    %get3A_91 = tpu.vector_load %arg9[%get3A_89, %get3A_90] {strides = array<i32>} : memref<64x224xi32, #tpu.memory_space<vmem>>, vector<16xi32>,
    %swap3A_92 = arith.constant 32 : index
    %swap3A_93 = tpu.vector_load %arg10[%swap3A_92] {strides = array<i32>} : memref<112xi32, #tpu.memory_space<vmem>>, vector<16xi32>,
    tpu.vector_store %arg10[%swap3A_92], %get3A_91 {strides = array<i32>} : memref<112xi32, #tpu.memory_space<vmem>>, vector<16xi32>,
    %get3A_94 = arith.constant 0 : i32
    %get3A_95 = arith.index_cast %get3A_94 : i32 to index
    %get3A_96 = arith.constant 48 : index
    %get3A_97 = tpu.vector_load %arg9[%get3A_95, %get3A_96] {strides = array<i32>} : memref<64x224xi32, #tpu.memory_space<vmem>>, vector<16xi32>,
    %swap3A_98 = arith.constant 48 : index
    %swap3A_99 = tpu.vector_load %arg10[%swap3A_98] {strides = array<i32>} : memref<112xi32, #tpu.memory_space<vmem>>, vector<16xi32>,
    tpu.vector_store %arg10[%swap3A_98], %get3A_97 {strides = array<i32>} : memref<112xi32, #tpu.memory_space<vmem>>, vector<16xi32>,
    %get3A_100 = arith.constant 0 : i32
    %get3A_101 = arith.index_cast %get3A_100 : i32 to index
    %get3A_102 = arith.constant 64 : index
    %get3A_103 = tpu.vector_load %arg9[%get3A_101, %get3A_102] {strides = array<i32>} : memref<64x224xi32, #tpu.memory_space<vmem>>, vector<16xi32>,
    %swap3A_104 = arith.constant 64 : index
    %swap3A_105 = tpu.vector_load %arg10[%swap3A_104] {strides = array<i32>} : memref<112xi32, #tpu.memory_space<vmem>>, vector<16xi32>,
    tpu.vector_store %arg10[%swap3A_104], %get3A_103 {strides = array<i32>} : memref<112xi32, #tpu.memory_space<vmem>>, vector<16xi32>,
    %get3A_106 = arith.constant 0 : i32
    %get3A_107 = arith.index_cast %get3A_106 : i32 to index
    %get3A_108 = arith.constant 80 : index
    %get3A_109 = tpu.vector_load %arg9[%get3A_107, %get3A_108] {strides = array<i32>} : memref<64x224xi32, #tpu.memory_space<vmem>>, vector<16xi32>,
    %swap3A_110 = arith.constant 80 : index
    %swap3A_111 = tpu.vector_load %arg10[%swap3A_110] {strides = array<i32>} : memref<112xi32, #tpu.memory_space<vmem>>, vector<16xi32>,
    tpu.vector_store %arg10[%swap3A_110], %get3A_109 {strides = array<i32>} : memref<112xi32, #tpu.memory_space<vmem>>, vector<16xi32>,
    %get3A_112 = arith.constant 0 : i32
    %get3A_113 = arith.index_cast %get3A_112 : i32 to index
    %get3A_114 = arith.constant 96 : index
    %get3A_115 = tpu.vector_load %arg9[%get3A_113, %get3A_114] {strides = array<i32>} : memref<64x224xi32, #tpu.memory_space<vmem>>, vector<16xi32>,
    %swap3A_116 = arith.constant 96 : index
    %swap3A_117 = tpu.vector_load %arg10[%swap3A_116] {strides = array<i32>} : memref<112xi32, #tpu.memory_space<vmem>>, vector<16xi32>,
    tpu.vector_store %arg10[%swap3A_116], %get3A_115 {strides = array<i32>} : memref<112xi32, #tpu.memory_space<vmem>>, vector<16xi32>,
    %dma_start3A_118 = arith.constant 0 : i32
    %dma_start3A_119 = arith.constant 0 : i32
    %dma_start3A_120 = arith.constant 0 : i32
    %dma_start3A_121 = arith.constant 0 : i32
    %dma_start3A_122 = tpu.memref_slice %arg12[%dma_start3A_118, %dma_start3A_120, %dma_start3A_121] : memref<2x112x128xi32, #tpu.memory_space<vmem>> -> memref<1x112x128xi32, #tpu.memory_space<vmem>>
    %dma_start3A_123 = tpu.memref_squeeze %dma_start3A_122 : memref<1x112x128xi32, #tpu.memory_space<vmem>> -> memref<112x128xi32, #tpu.memory_space<vmem>>
    %dma_start3A_124 = arith.constant 0 : i32
    %dma_start3A_125 = arith.constant 0 : i32
    %dma_start3A_126 = tpu.memref_slice %arg5[%dma_start3A_124, %dma_start3A_125] : memref<100000x128xi32, #tpu.memory_space<hbm>> -> memref<100000x128xi32, #tpu.memory_space<hbm>>
    %dma_start3A_127 = tpu.memref_slice %arg14[%dma_start3A_119] : memref<2x!tpu.dma_semaphore, #tpu.memory_space<semaphore_mem>> -> memref<1x!tpu.dma_semaphore, #tpu.memory_space<semaphore_mem>>
    %dma_start3A_128 = tpu.memref_squeeze %dma_start3A_127 : memref<1x!tpu.dma_semaphore, #tpu.memory_space<semaphore_mem>> -> memref<!tpu.dma_semaphore, #tpu.memory_space<semaphore_mem>>
    tpu.enqueue_indirect_dma source(%dma_start3A_126 : memref<100000x128xi32, #tpu.memory_space<hbm>>) target(%dma_start3A_123 : memref<112x128xi32, #tpu.memory_space<vmem>>) offsets(%arg10 : memref<112xi32, #tpu.memory_space<vmem>>) semaphore(%dma_start3A_128 : memref<!tpu.dma_semaphore, #tpu.memory_space<semaphore_mem>>)
    %scan3A_129 = arith.constant 0 : i32
    %scan3A_130 = arith.constant 0 : i32
    %scan3A_131 = arith.constant 64 : i32
    %scan3A_132 = arith.addi %scan3A_130, %scan3A_131 : i32
    %scan3A_133 = arith.constant 1 : i32
    %scan3A_134 = scf.for %scan3A_138 = %scan3A_130 to %scan3A_132 step %scan3A_133 iter_args(%scan3A_139 = %scan3A_129) -> (i32)  : i32 {
      %get3A_140 = arith.index_cast %scan3A_138 : i32 to index
      %get3A_141 = arith.constant 112 : index
      %get3A_142 = tpu.vector_load %arg9[%get3A_140, %get3A_141] {strides = array<i32>} : memref<64x224xi32, #tpu.memory_space<vmem>>, vector<16xi32>,
      %swap3A_143 = arith.constant 0 : index
      %swap3A_144 = tpu.vector_load %arg11[%swap3A_143] {strides = array<i32>} : memref<112xi32, #tpu.memory_space<vmem>>, vector<16xi32>,
      tpu.vector_store %arg11[%swap3A_143], %get3A_142 {strides = array<i32>} : memref<112xi32, #tpu.memory_space<vmem>>, vector<16xi32>,
      %get3A_145 = arith.index_cast %scan3A_138 : i32 to index
      %get3A_146 = arith.constant 128 : index
      %get3A_147 = tpu.vector_load %arg9[%get3A_145, %get3A_146] {strides = array<i32>} : memref<64x224xi32, #tpu.memory_space<vmem>>, vector<16xi32>,
      %swap3A_148 = arith.constant 16 : index
      %swap3A_149 = tpu.vector_load %arg11[%swap3A_148] {strides = array<i32>} : memref<112xi32, #tpu.memory_space<vmem>>, vector<16xi32>,
      tpu.vector_store %arg11[%swap3A_148], %get3A_147 {strides = array<i32>} : memref<112xi32, #tpu.memory_space<vmem>>, vector<16xi32>,
      %get3A_150 = arith.index_cast %scan3A_138 : i32 to index
      %get3A_151 = arith.constant 144 : index
      %get3A_152 = tpu.vector_load %arg9[%get3A_150, %get3A_151] {strides = array<i32>} : memref<64x224xi32, #tpu.memory_space<vmem>>, vector<16xi32>,
      %swap3A_153 = arith.constant 32 : index
      %swap3A_154 = tpu.vector_load %arg11[%swap3A_153] {strides = array<i32>} : memref<112xi32, #tpu.memory_space<vmem>>, vector<16xi32>,
      tpu.vector_store %arg11[%swap3A_153], %get3A_152 {strides = array<i32>} : memref<112xi32, #tpu.memory_space<vmem>>, vector<16xi32>,
      %get3A_155 = arith.index_cast %scan3A_138 : i32 to index
      %get3A_156 = arith.constant 160 : index
      %get3A_157 = tpu.vector_load %arg9[%get3A_155, %get3A_156] {strides = array<i32>} : memref<64x224xi32, #tpu.memory_space<vmem>>, vector<16xi32>,
      %swap3A_158 = arith.constant 48 : index
      %swap3A_159 = tpu.vector_load %arg11[%swap3A_158] {strides = array<i32>} : memref<112xi32, #tpu.memory_space<vmem>>, vector<16xi32>,
      tpu.vector_store %arg11[%swap3A_158], %get3A_157 {strides = array<i32>} : memref<112xi32, #tpu.memory_space<vmem>>, vector<16xi32>,
      %get3A_160 = arith.index_cast %scan3A_138 : i32 to index
      %get3A_161 = arith.constant 176 : index
      %get3A_162 = tpu.vector_load %arg9[%get3A_160, %get3A_161] {strides = array<i32>} : memref<64x224xi32, #tpu.memory_space<vmem>>, vector<16xi32>,
      %swap3A_163 = arith.constant 64 : index
      %swap3A_164 = tpu.vector_load %arg11[%swap3A_163] {strides = array<i32>} : memref<112xi32, #tpu.memory_space<vmem>>, vector<16xi32>,
      tpu.vector_store %arg11[%swap3A_163], %get3A_162 {strides = array<i32>} : memref<112xi32, #tpu.memory_space<vmem>>, vector<16xi32>,
      %get3A_165 = arith.index_cast %scan3A_138 : i32 to index
      %get3A_166 = arith.constant 192 : index
      %get3A_167 = tpu.vector_load %arg9[%get3A_165, %get3A_166] {strides = array<i32>} : memref<64x224xi32, #tpu.memory_space<vmem>>, vector<16xi32>,
      %swap3A_168 = arith.constant 80 : index
      %swap3A_169 = tpu.vector_load %arg11[%swap3A_168] {strides = array<i32>} : memref<112xi32, #tpu.memory_space<vmem>>, vector<16xi32>,
      tpu.vector_store %arg11[%swap3A_168], %get3A_167 {strides = array<i32>} : memref<112xi32, #tpu.memory_space<vmem>>, vector<16xi32>,
      %get3A_170 = arith.index_cast %scan3A_138 : i32 to index
      %get3A_171 = arith.constant 208 : index
      %get3A_172 = tpu.vector_load %arg9[%get3A_170, %get3A_171] {strides = array<i32>} : memref<64x224xi32, #tpu.memory_space<vmem>>, vector<16xi32>,
      %swap3A_173 = arith.constant 96 : index
      %swap3A_174 = tpu.vector_load %arg11[%swap3A_173] {strides = array<i32>} : memref<112xi32, #tpu.memory_space<vmem>>, vector<16xi32>,
      tpu.vector_store %arg11[%swap3A_173], %get3A_172 {strides = array<i32>} : memref<112xi32, #tpu.memory_space<vmem>>, vector<16xi32>,
      %dma_start3A_175 = arith.constant 1 : i32
      %dma_start3A_176 = arith.constant 1 : i32
      %dma_start3A_177 = arith.constant 0 : i32
      %dma_start3A_178 = arith.constant 0 : i32
      %dma_start3A_179 = tpu.memref_slice %arg12[%dma_start3A_175, %dma_start3A_177, %dma_start3A_178] : memref<2x112x128xi32, #tpu.memory_space<vmem>> -> memref<1x112x128xi32, #tpu.memory_space<vmem>>
      %dma_start3A_180 = tpu.memref_squeeze %dma_start3A_179 : memref<1x112x128xi32, #tpu.memory_space<vmem>> -> memref<112x128xi32, #tpu.memory_space<vmem>>
      %dma_start3A_181 = arith.constant 0 : i32
      %dma_start3A_182 = arith.constant 0 : i32
      %dma_start3A_183 = tpu.memref_slice %arg5[%dma_start3A_181, %dma_start3A_182] : memref<100000x128xi32, #tpu.memory_space<hbm>> -> memref<100000x128xi32, #tpu.memory_space<hbm>>
      %dma_start3A_184 = tpu.memref_slice %arg14[%dma_start3A_176] : memref<2x!tpu.dma_semaphore, #tpu.memory_space<semaphore_mem>> -> memref<1x!tpu.dma_semaphore, #tpu.memory_space<semaphore_mem>>
      %dma_start3A_185 = tpu.memref_squeeze %dma_start3A_184 : memref<1x!tpu.dma_semaphore, #tpu.memory_space<semaphore_mem>> -> memref<!tpu.dma_semaphore, #tpu.memory_space<semaphore_mem>>
      tpu.enqueue_indirect_dma source(%dma_start3A_183 : memref<100000x128xi32, #tpu.memory_space<hbm>>) target(%dma_start3A_180 : memref<112x128xi32, #tpu.memory_space<vmem>>) offsets(%arg11 : memref<112xi32, #tpu.memory_space<vmem>>) semaphore(%dma_start3A_185 : memref<!tpu.dma_semaphore, #tpu.memory_space<semaphore_mem>>)
      %dma_wait3A_186 = arith.constant 0 : i32
      %dma_wait3A_187 = arith.constant 0 : i32
      %dma_wait3A_188 = arith.constant 0 : i32
      %dma_wait3A_189 = arith.constant 0 : i32
      %dma_wait3A_190 = tpu.memref_slice %arg12[%dma_wait3A_186, %dma_wait3A_188, %dma_wait3A_189] : memref<2x112x128xi32, #tpu.memory_space<vmem>> -> memref<1x112x128xi32, #tpu.memory_space<vmem>>
      %dma_wait3A_191 = tpu.memref_squeeze %dma_wait3A_190 : memref<1x112x128xi32, #tpu.memory_space<vmem>> -> memref<112x128xi32, #tpu.memory_space<vmem>>
      %dma_wait3A_192 = arith.constant 0 : i32
      %dma_wait3A_193 = arith.constant 0 : i32
      %dma_wait3A_194 = tpu.memref_slice %arg5[%dma_wait3A_192, %dma_wait3A_193] : memref<100000x128xi32, #tpu.memory_space<hbm>> -> memref<100000x128xi32, #tpu.memory_space<hbm>>
      %dma_wait3A_195 = tpu.memref_slice %arg14[%dma_wait3A_187] : memref<2x!tpu.dma_semaphore, #tpu.memory_space<semaphore_mem>> -> memref<1x!tpu.dma_semaphore, #tpu.memory_space<semaphore_mem>>
      %dma_wait3A_196 = tpu.memref_squeeze %dma_wait3A_195 : memref<1x!tpu.dma_semaphore, #tpu.memory_space<semaphore_mem>> -> memref<!tpu.dma_semaphore, #tpu.memory_space<semaphore_mem>>
      tpu.wait_indirect_dma semaphore(%dma_wait3A_196 : memref<!tpu.dma_semaphore, #tpu.memory_space<semaphore_mem>>) src(%dma_wait3A_194 : memref<100000x128xi32, #tpu.memory_space<hbm>>) dst(%dma_wait3A_191 : memref<112x128xi32, #tpu.memory_space<vmem>>)
      %add3A_197 = arith.constant 64 : i32
      %add3A_198 = arith.addi %add3A_197, %scan3A_138 : i32
      %get3A_199 = arith.index_cast %add3A_198 : i32 to index
      %get3A_200 = arith.constant 0 : index
      %get3A_201 = tpu.vector_load %arg8[%get3A_199, %get3A_200] {strides = array<i32>} : memref<128x128xi32, #tpu.memory_space<vmem>>, vector<16xi32>,
      %bitcast3A = vector.bitcast %get3A_201 : vector<16xi32> to vector<32xbf16>
      %get3A_202 = arith.index_cast %add3A_198 : i32 to index
      %get3A_203 = arith.constant 16 : index
      %get3A_204 = tpu.vector_load %arg8[%get3A_202, %get3A_203] {strides = array<i32>} : memref<128x128xi32, #tpu.memory_space<vmem>>, vector<16xi32>,
      %bitcast3A_205 = vector.bitcast %get3A_204 : vector<16xi32> to vector<32xbf16>
      %get3A_206 = arith.index_cast %add3A_198 : i32 to index
      %get3A_207 = arith.constant 32 : index
      %get3A_208 = tpu.vector_load %arg8[%get3A_206, %get3A_207] {strides = array<i32>} : memref<128x128xi32, #tpu.memory_space<vmem>>, vector<16xi32>,
      %bitcast3A_209 = vector.bitcast %get3A_208 : vector<16xi32> to vector<32xbf16>
      %get3A_210 = arith.index_cast %add3A_198 : i32 to index
      %get3A_211 = arith.constant 48 : index
      %get3A_212 = tpu.vector_load %arg8[%get3A_210, %get3A_211] {strides = array<i32>} : memref<128x128xi32, #tpu.memory_space<vmem>>, vector<16xi32>,
      %bitcast3A_213 = vector.bitcast %get3A_212 : vector<16xi32> to vector<32xbf16>
      %get3A_214 = arith.index_cast %add3A_198 : i32 to index
      %get3A_215 = arith.constant 64 : index
      %get3A_216 = tpu.vector_load %arg8[%get3A_214, %get3A_215] {strides = array<i32>} : memref<128x128xi32, #tpu.memory_space<vmem>>, vector<16xi32>,
      %bitcast3A_217 = vector.bitcast %get3A_216 : vector<16xi32> to vector<32xbf16>
      %get3A_218 = arith.index_cast %add3A_198 : i32 to index
      %get3A_219 = arith.constant 80 : index
      %get3A_220 = tpu.vector_load %arg8[%get3A_218, %get3A_219] {strides = array<i32>} : memref<128x128xi32, #tpu.memory_space<vmem>>, vector<16xi32>,
      %bitcast3A_221 = vector.bitcast %get3A_220 : vector<16xi32> to vector<32xbf16>
      %get3A_222 = arith.index_cast %add3A_198 : i32 to index
      %get3A_223 = arith.constant 96 : index
      %get3A_224 = tpu.vector_load %arg8[%get3A_222, %get3A_223] {strides = array<i32>} : memref<128x128xi32, #tpu.memory_space<vmem>>, vector<16xi32>,
      %bitcast3A_225 = vector.bitcast %get3A_224 : vector<16xi32> to vector<32xbf16>
      %get3A_226 = arith.index_cast %add3A_198 : i32 to index
      %get3A_227 = arith.constant 112 : index
      %get3A_228 = tpu.vector_load %arg8[%get3A_226, %get3A_227] {strides = array<i32>} : memref<128x128xi32, #tpu.memory_space<vmem>>, vector<16xi32>,
      %bitcast3A_229 = vector.bitcast %get3A_228 : vector<16xi32> to vector<32xbf16>
      %mul3A_230 = arith.constant 224 : i32
      %mul3A_231 = arith.muli %scan3A_138, %mul3A_230 : i32
      %add3A_232 = arith.constant 0 : i32
      %add3A_233 = arith.addi %mul3A_231, %add3A_232 : i32
      %broadcast_in_dim3A = vector.broadcast %add3A_233 : i32 to vector<16xi32>
      %scan3A_234 = arith.constant 0 : i32
      %scan3A_235 = arith.constant 0 : i32
      %scan3A_236 = arith.constant 112 : i32
      %scan3A_237 = arith.addi %scan3A_235, %scan3A_236 : i32
      %scan3A_238 = arith.constant 4 : i32
      %scan3A_239 = scf.for %scan3A_301 = %scan3A_235 to %scan3A_237 step %scan3A_238 iter_args(%scan3A_302 = %scan3A_234) -> (i32)  : i32 {
        %get3A_303 = arith.constant 0 : i32
        %get3A_304 = arith.index_cast %get3A_303 : i32 to index
        %get3A_305 = arith.index_cast %scan3A_301 : i32 to index
        %get3A_306 = arith.constant 0 : index
        %get3A_307 = tpu.vector_load %arg12[%get3A_304, %get3A_305, %get3A_306] {strides = array<i32>} : memref<2x112x128xi32, #tpu.memory_space<vmem>>, vector<16xi32>,
        %bitcast3A_308 = vector.bitcast %get3A_307 : vector<16xi32> to vector<32xbf16>
        %mul3A_309 = arith.mulf %bitcast3A_308, %bitcast3A : vector<32xbf16>
        %get3A_310 = arith.constant 0 : i32
        %get3A_311 = arith.index_cast %get3A_310 : i32 to index
        %get3A_312 = arith.index_cast %scan3A_301 : i32 to index
        %get3A_313 = arith.constant 16 : index
        %get3A_314 = tpu.vector_load %arg12[%get3A_311, %get3A_312, %get3A_313] {strides = array<i32>} : memref<2x112x128xi32, #tpu.memory_space<vmem>>, vector<16xi32>,
        %bitcast3A_315 = vector.bitcast %get3A_314 : vector<16xi32> to vector<32xbf16>
        %mul3A_316 = arith.mulf %bitcast3A_315, %bitcast3A_205 : vector<32xbf16>
        %add3A_317 = arith.addf %mul3A_309, %mul3A_316 : vector<32xbf16>
        %get3A_318 = arith.constant 0 : i32
        %get3A_319 = arith.index_cast %get3A_318 : i32 to index
        %get3A_320 = arith.index_cast %scan3A_301 : i32 to index
        %get3A_321 = arith.constant 32 : index
        %get3A_322 = tpu.vector_load %arg12[%get3A_319, %get3A_320, %get3A_321] {strides = array<i32>} : memref<2x112x128xi32, #tpu.memory_space<vmem>>, vector<16xi32>,
        %bitcast3A_323 = vector.bitcast %get3A_322 : vector<16xi32> to vector<32xbf16>
        %mul3A_324 = arith.mulf %bitcast3A_323, %bitcast3A_209 : vector<32xbf16>
        %add3A_325 = arith.addf %add3A_317, %mul3A_324 : vector<32xbf16>
        %get3A_326 = arith.constant 0 : i32
        %get3A_327 = arith.index_cast %get3A_326 : i32 to index
        %get3A_328 = arith.index_cast %scan3A_301 : i32 to index
        %get3A_329 = arith.constant 48 : index
        %get3A_330 = tpu.vector_load %arg12[%get3A_327, %get3A_328, %get3A_329] {strides = array<i32>} : memref<2x112x128xi32, #tpu.memory_space<vmem>>, vector<16xi32>,
        %bitcast3A_331 = vector.bitcast %get3A_330 : vector<16xi32> to vector<32xbf16>
        %mul3A_332 = arith.mulf %bitcast3A_331, %bitcast3A_213 : vector<32xbf16>
        %add3A_333 = arith.addf %add3A_325, %mul3A_332 : vector<32xbf16>
        %get3A_334 = arith.constant 0 : i32
        %get3A_335 = arith.index_cast %get3A_334 : i32 to index
        %get3A_336 = arith.index_cast %scan3A_301 : i32 to index
        %get3A_337 = arith.constant 64 : index
        %get3A_338 = tpu.vector_load %arg12[%get3A_335, %get3A_336, %get3A_337] {strides = array<i32>} : memref<2x112x128xi32, #tpu.memory_space<vmem>>, vector<16xi32>,
        %bitcast3A_339 = vector.bitcast %get3A_338 : vector<16xi32> to vector<32xbf16>
        %mul3A_340 = arith.mulf %bitcast3A_339, %bitcast3A_217 : vector<32xbf16>
        %add3A_341 = arith.addf %add3A_333, %mul3A_340 : vector<32xbf16>
        %get3A_342 = arith.constant 0 : i32
        %get3A_343 = arith.index_cast %get3A_342 : i32 to index
        %get3A_344 = arith.index_cast %scan3A_301 : i32 to index
        %get3A_345 = arith.constant 80 : index
        %get3A_346 = tpu.vector_load %arg12[%get3A_343, %get3A_344, %get3A_345] {strides = array<i32>} : memref<2x112x128xi32, #tpu.memory_space<vmem>>, vector<16xi32>,
        %bitcast3A_347 = vector.bitcast %get3A_346 : vector<16xi32> to vector<32xbf16>
        %mul3A_348 = arith.mulf %bitcast3A_347, %bitcast3A_221 : vector<32xbf16>
        %add3A_349 = arith.addf %add3A_341, %mul3A_348 : vector<32xbf16>
        %get3A_350 = arith.constant 0 : i32
        %get3A_351 = arith.index_cast %get3A_350 : i32 to index
        %get3A_352 = arith.index_cast %scan3A_301 : i32 to index
        %get3A_353 = arith.constant 96 : index
        %get3A_354 = tpu.vector_load %arg12[%get3A_351, %get3A_352, %get3A_353] {strides = array<i32>} : memref<2x112x128xi32, #tpu.memory_space<vmem>>, vector<16xi32>,
        %bitcast3A_355 = vector.bitcast %get3A_354 : vector<16xi32> to vector<32xbf16>
        %mul3A_356 = arith.mulf %bitcast3A_355, %bitcast3A_225 : vector<32xbf16>
        %add3A_357 = arith.addf %add3A_349, %mul3A_356 : vector<32xbf16>
        %get3A_358 = arith.constant 0 : i32
        %get3A_359 = arith.index_cast %get3A_358 : i32 to index
        %get3A_360 = arith.index_cast %scan3A_301 : i32 to index
        %get3A_361 = arith.constant 112 : index
        %get3A_362 = tpu.vector_load %arg12[%get3A_359, %get3A_360, %get3A_361] {strides = array<i32>} : memref<2x112x128xi32, #tpu.memory_space<vmem>>, vector<16xi32>,
        %bitcast3A_363 = vector.bitcast %get3A_362 : vector<16xi32> to vector<32xbf16>
        %mul3A_364 = arith.mulf %bitcast3A_363, %bitcast3A_229 : vector<32xbf16>
        %add3A_365 = arith.addf %add3A_357, %mul3A_364 : vector<32xbf16>
        %unpack3A = tpu.unpack_subelements %add3A_365, 0 {pack_format = #tpu.pack_format<interleaved>} : vector<32xbf16> -> vector<16xf32>
        %unpack3A_366 = tpu.unpack_subelements %add3A_365, 1 {pack_format = #tpu.pack_format<interleaved>} : vector<32xbf16> -> vector<16xf32>
        %add3A_367 = arith.addf %unpack3A, %unpack3A_366 : vector<16xf32>
        %reduce_sum3A = arith.constant true
        %reduce_sum3A_368 = vector.broadcast %reduce_sum3A : i1 to vector<16xi1>
        %reduce_sum3A_369 = tpu.scan <sum>, %add3A_367 masked %reduce_sum3A_368 : vector<16xf32>, vector<16xi1> -> vector<16xf32>
        %reduce_sum3A_370 = vector.extract %reduce_sum3A_369[15] : f32 from vector<16xf32>
        %add3A_371 = vector.broadcast %scan3A_301 : i32 to vector<16xi32>
        %add3A_372 = arith.addi %broadcast_in_dim3A, %add3A_371 : vector<16xi32>
        %broadcast_in_dim3A_373 = vector.broadcast %reduce_sum3A_370 : f32 to vector<16xf32>
        tpu.vector_store_idx %arg13[%add3A_372], %broadcast_in_dim3A_373 masked %eq3A_2 : memref<14336xf32, #tpu.memory_space<vmem>>[vector<16xi32>], vector<16xf32>, vector<16xi1>
        %scan3A_374 = arith.constant 0 : i32
        %scan3A_375 = arith.constant 1 : i32
        %scan3A_376 = arith.addi %scan3A_301, %scan3A_375 : i32
        %get3A_377 = arith.constant 0 : i32
        %get3A_378 = arith.index_cast %get3A_377 : i32 to index
        %get3A_379 = arith.index_cast %scan3A_376 : i32 to index
        %get3A_380 = arith.constant 0 : index
        %get3A_381 = tpu.vector_load %arg12[%get3A_378, %get3A_379, %get3A_380] {strides = array<i32>} : memref<2x112x128xi32, #tpu.memory_space<vmem>>, vector<16xi32>,
        %bitcast3A_382 = vector.bitcast %get3A_381 : vector<16xi32> to vector<32xbf16>
        %mul3A_383 = arith.mulf %bitcast3A_382, %bitcast3A : vector<32xbf16>
        %get3A_384 = arith.constant 0 : i32
        %get3A_385 = arith.index_cast %get3A_384 : i32 to index
        %get3A_386 = arith.index_cast %scan3A_376 : i32 to index
        %get3A_387 = arith.constant 16 : index
        %get3A_388 = tpu.vector_load %arg12[%get3A_385, %get3A_386, %get3A_387] {strides = array<i32>} : memref<2x112x128xi32, #tpu.memory_space<vmem>>, vector<16xi32>,
        %bitcast3A_389 = vector.bitcast %get3A_388 : vector<16xi32> to vector<32xbf16>
        %mul3A_390 = arith.mulf %bitcast3A_389, %bitcast3A_205 : vector<32xbf16>
        %add3A_391 = arith.addf %mul3A_383, %mul3A_390 : vector<32xbf16>
        %get3A_392 = arith.constant 0 : i32
        %get3A_393 = arith.index_cast %get3A_392 : i32 to index
        %get3A_394 = arith.index_cast %scan3A_376 : i32 to index
        %get3A_395 = arith.constant 32 : index
        %get3A_396 = tpu.vector_load %arg12[%get3A_393, %get3A_394, %get3A_395] {strides = array<i32>} : memref<2x112x128xi32, #tpu.memory_space<vmem>>, vector<16xi32>,
        %bitcast3A_397 = vector.bitcast %get3A_396 : vector<16xi32> to vector<32xbf16>
        %mul3A_398 = arith.mulf %bitcast3A_397, %bitcast3A_209 : vector<32xbf16>
        %add3A_399 = arith.addf %add3A_391, %mul3A_398 : vector<32xbf16>
        %get3A_400 = arith.constant 0 : i32
        %get3A_401 = arith.index_cast %get3A_400 : i32 to index
        %get3A_402 = arith.index_cast %scan3A_376 : i32 to index
        %get3A_403 = arith.constant 48 : index
        %get3A_404 = tpu.vector_load %arg12[%get3A_401, %get3A_402, %get3A_403] {strides = array<i32>} : memref<2x112x128xi32, #tpu.memory_space<vmem>>, vector<16xi32>,
        %bitcast3A_405 = vector.bitcast %get3A_404 : vector<16xi32> to vector<32xbf16>
        %mul3A_406 = arith.mulf %bitcast3A_405, %bitcast3A_213 : vector<32xbf16>
        %add3A_407 = arith.addf %add3A_399, %mul3A_406 : vector<32xbf16>
        %get3A_408 = arith.constant 0 : i32
        %get3A_409 = arith.index_cast %get3A_408 : i32 to index
        %get3A_410 = arith.index_cast %scan3A_376 : i32 to index
        %get3A_411 = arith.constant 64 : index
        %get3A_412 = tpu.vector_load %arg12[%get3A_409, %get3A_410, %get3A_411] {strides = array<i32>} : memref<2x112x128xi32, #tpu.memory_space<vmem>>, vector<16xi32>,
        %bitcast3A_413 = vector.bitcast %get3A_412 : vector<16xi32> to vector<32xbf16>
        %mul3A_414 = arith.mulf %bitcast3A_413, %bitcast3A_217 : vector<32xbf16>
        %add3A_415 = arith.addf %add3A_407, %mul3A_414 : vector<32xbf16>
        %get3A_416 = arith.constant 0 : i32
        %get3A_417 = arith.index_cast %get3A_416 : i32 to index
        %get3A_418 = arith.index_cast %scan3A_376 : i32 to index
        %get3A_419 = arith.constant 80 : index
        %get3A_420 = tpu.vector_load %arg12[%get3A_417, %get3A_418, %get3A_419] {strides = array<i32>} : memref<2x112x128xi32, #tpu.memory_space<vmem>>, vector<16xi32>,
        %bitcast3A_421 = vector.bitcast %get3A_420 : vector<16xi32> to vector<32xbf16>
        %mul3A_422 = arith.mulf %bitcast3A_421, %bitcast3A_221 : vector<32xbf16>
        %add3A_423 = arith.addf %add3A_415, %mul3A_422 : vector<32xbf16>
        %get3A_424 = arith.constant 0 : i32
        %get3A_425 = arith.index_cast %get3A_424 : i32 to index
        %get3A_426 = arith.index_cast %scan3A_376 : i32 to index
        %get3A_427 = arith.constant 96 : index
        %get3A_428 = tpu.vector_load %arg12[%get3A_425, %get3A_426, %get3A_427] {strides = array<i32>} : memref<2x112x128xi32, #tpu.memory_space<vmem>>, vector<16xi32>,
        %bitcast3A_429 = vector.bitcast %get3A_428 : vector<16xi32> to vector<32xbf16>
        %mul3A_430 = arith.mulf %bitcast3A_429, %bitcast3A_225 : vector<32xbf16>
        %add3A_431 = arith.addf %add3A_423, %mul3A_430 : vector<32xbf16>
        %get3A_432 = arith.constant 0 : i32
        %get3A_433 = arith.index_cast %get3A_432 : i32 to index
        %get3A_434 = arith.index_cast %scan3A_376 : i32 to index
        %get3A_435 = arith.constant 112 : index
        %get3A_436 = tpu.vector_load %arg12[%get3A_433, %get3A_434, %get3A_435] {strides = array<i32>} : memref<2x112x128xi32, #tpu.memory_space<vmem>>, vector<16xi32>,
        %bitcast3A_437 = vector.bitcast %get3A_436 : vector<16xi32> to vector<32xbf16>
        %mul3A_438 = arith.mulf %bitcast3A_437, %bitcast3A_229 : vector<32xbf16>
        %add3A_439 = arith.addf %add3A_431, %mul3A_438 : vector<32xbf16>
        %unpack3A_440 = tpu.unpack_subelements %add3A_439, 0 {pack_format = #tpu.pack_format<interleaved>} : vector<32xbf16> -> vector<16xf32>
        %unpack3A_441 = tpu.unpack_subelements %add3A_439, 1 {pack_format = #tpu.pack_format<interleaved>} : vector<32xbf16> -> vector<16xf32>
        %add3A_442 = arith.addf %unpack3A_440, %unpack3A_441 : vector<16xf32>
        %reduce_sum3A_443 = arith.constant true
        %reduce_sum3A_444 = vector.broadcast %reduce_sum3A_443 : i1 to vector<16xi1>
        %reduce_sum3A_445 = tpu.scan <sum>, %add3A_442 masked %reduce_sum3A_444 : vector<16xf32>, vector<16xi1> -> vector<16xf32>
        %reduce_sum3A_446 = vector.extract %reduce_sum3A_445[15] : f32 from vector<16xf32>
        %add3A_447 = vector.broadcast %scan3A_376 : i32 to vector<16xi32>
        %add3A_448 = arith.addi %broadcast_in_dim3A, %add3A_447 : vector<16xi32>
        %broadcast_in_dim3A_449 = vector.broadcast %reduce_sum3A_446 : f32 to vector<16xf32>
        tpu.vector_store_idx %arg13[%add3A_448], %broadcast_in_dim3A_449 masked %eq3A_2 : memref<14336xf32, #tpu.memory_space<vmem>>[vector<16xi32>], vector<16xf32>, vector<16xi1>
        %scan3A_450 = arith.constant 0 : i32
        %scan3A_451 = arith.constant 2 : i32
        %scan3A_452 = arith.addi %scan3A_301, %scan3A_451 : i32
        %get3A_453 = arith.constant 0 : i32
        %get3A_454 = arith.index_cast %get3A_453 : i32 to index
        %get3A_455 = arith.index_cast %scan3A_452 : i32 to index
        %get3A_456 = arith.constant 0 : index
        %get3A_457 = tpu.vector_load %arg12[%get3A_454, %get3A_455, %get3A_456] {strides = array<i32>} : memref<2x112x128xi32, #tpu.memory_space<vmem>>, vector<16xi32>,
        %bitcast3A_458 = vector.bitcast %get3A_457 : vector<16xi32> to vector<32xbf16>
        %mul3A_459 = arith.mulf %bitcast3A_458, %bitcast3A : vector<32xbf16>
        %get3A_460 = arith.constant 0 : i32
        %get3A_461 = arith.index_cast %get3A_460 : i32 to index
        %get3A_462 = arith.index_cast %scan3A_452 : i32 to index
        %get3A_463 = arith.constant 16 : index
        %get3A_464 = tpu.vector_load %arg12[%get3A_461, %get3A_462, %get3A_463] {strides = array<i32>} : memref<2x112x128xi32, #tpu.memory_space<vmem>>, vector<16xi32>,
        %bitcast3A_465 = vector.bitcast %get3A_464 : vector<16xi32> to vector<32xbf16>
        %mul3A_466 = arith.mulf %bitcast3A_465, %bitcast3A_205 : vector<32xbf16>
        %add3A_467 = arith.addf %mul3A_459, %mul3A_466 : vector<32xbf16>
        %get3A_468 = arith.constant 0 : i32
        %get3A_469 = arith.index_cast %get3A_468 : i32 to index
        %get3A_470 = arith.index_cast %scan3A_452 : i32 to index
        %get3A_471 = arith.constant 32 : index
        %get3A_472 = tpu.vector_load %arg12[%get3A_469, %get3A_470, %get3A_471] {strides = array<i32>} : memref<2x112x128xi32, #tpu.memory_space<vmem>>, vector<16xi32>,
        %bitcast3A_473 = vector.bitcast %get3A_472 : vector<16xi32> to vector<32xbf16>
        %mul3A_474 = arith.mulf %bitcast3A_473, %bitcast3A_209 : vector<32xbf16>
        %add3A_475 = arith.addf %add3A_467, %mul3A_474 : vector<32xbf16>
        %get3A_476 = arith.constant 0 : i32
        %get3A_477 = arith.index_cast %get3A_476 : i32 to index
        %get3A_478 = arith.index_cast %scan3A_452 : i32 to index
        %get3A_479 = arith.constant 48 : index
        %get3A_480 = tpu.vector_load %arg12[%get3A_477, %get3A_478, %get3A_479] {strides = array<i32>} : memref<2x112x128xi32, #tpu.memory_space<vmem>>, vector<16xi32>,
        %bitcast3A_481 = vector.bitcast %get3A_480 : vector<16xi32> to vector<32xbf16>
        %mul3A_482 = arith.mulf %bitcast3A_481, %bitcast3A_213 : vector<32xbf16>
        %add3A_483 = arith.addf %add3A_475, %mul3A_482 : vector<32xbf16>
        %get3A_484 = arith.constant 0 : i32
        %get3A_485 = arith.index_cast %get3A_484 : i32 to index
        %get3A_486 = arith.index_cast %scan3A_452 : i32 to index
        %get3A_487 = arith.constant 64 : index
        %get3A_488 = tpu.vector_load %arg12[%get3A_485, %get3A_486, %get3A_487] {strides = array<i32>} : memref<2x112x128xi32, #tpu.memory_space<vmem>>, vector<16xi32>,
        %bitcast3A_489 = vector.bitcast %get3A_488 : vector<16xi32> to vector<32xbf16>
        %mul3A_490 = arith.mulf %bitcast3A_489, %bitcast3A_217 : vector<32xbf16>
        %add3A_491 = arith.addf %add3A_483, %mul3A_490 : vector<32xbf16>
        %get3A_492 = arith.constant 0 : i32
        %get3A_493 = arith.index_cast %get3A_492 : i32 to index
        %get3A_494 = arith.index_cast %scan3A_452 : i32 to index
        %get3A_495 = arith.constant 80 : index
        %get3A_496 = tpu.vector_load %arg12[%get3A_493, %get3A_494, %get3A_495] {strides = array<i32>} : memref<2x112x128xi32, #tpu.memory_space<vmem>>, vector<16xi32>,
        %bitcast3A_497 = vector.bitcast %get3A_496 : vector<16xi32> to vector<32xbf16>
        %mul3A_498 = arith.mulf %bitcast3A_497, %bitcast3A_221 : vector<32xbf16>
        %add3A_499 = arith.addf %add3A_491, %mul3A_498 : vector<32xbf16>
        %get3A_500 = arith.constant 0 : i32
        %get3A_501 = arith.index_cast %get3A_500 : i32 to index
        %get3A_502 = arith.index_cast %scan3A_452 : i32 to index
        %get3A_503 = arith.constant 96 : index
        %get3A_504 = tpu.vector_load %arg12[%get3A_501, %get3A_502, %get3A_503] {strides = array<i32>} : memref<2x112x128xi32, #tpu.memory_space<vmem>>, vector<16xi32>,
        %bitcast3A_505 = vector.bitcast %get3A_504 : vector<16xi32> to vector<32xbf16>
        %mul3A_506 = arith.mulf %bitcast3A_505, %bitcast3A_225 : vector<32xbf16>
        %add3A_507 = arith.addf %add3A_499, %mul3A_506 : vector<32xbf16>
        %get3A_508 = arith.constant 0 : i32
        %get3A_509 = arith.index_cast %get3A_508 : i32 to index
        %get3A_510 = arith.index_cast %scan3A_452 : i32 to index
        %get3A_511 = arith.constant 112 : index
        %get3A_512 = tpu.vector_load %arg12[%get3A_509, %get3A_510, %get3A_511] {strides = array<i32>} : memref<2x112x128xi32, #tpu.memory_space<vmem>>, vector<16xi32>,
        %bitcast3A_513 = vector.bitcast %get3A_512 : vector<16xi32> to vector<32xbf16>
        %mul3A_514 = arith.mulf %bitcast3A_513, %bitcast3A_229 : vector<32xbf16>
        %add3A_515 = arith.addf %add3A_507, %mul3A_514 : vector<32xbf16>
        %unpack3A_516 = tpu.unpack_subelements %add3A_515, 0 {pack_format = #tpu.pack_format<interleaved>} : vector<32xbf16> -> vector<16xf32>
        %unpack3A_517 = tpu.unpack_subelements %add3A_515, 1 {pack_format = #tpu.pack_format<interleaved>} : vector<32xbf16> -> vector<16xf32>
        %add3A_518 = arith.addf %unpack3A_516, %unpack3A_517 : vector<16xf32>
        %reduce_sum3A_519 = arith.constant true
        %reduce_sum3A_520 = vector.broadcast %reduce_sum3A_519 : i1 to vector<16xi1>
        %reduce_sum3A_521 = tpu.scan <sum>, %add3A_518 masked %reduce_sum3A_520 : vector<16xf32>, vector<16xi1> -> vector<16xf32>
        %reduce_sum3A_522 = vector.extract %reduce_sum3A_521[15] : f32 from vector<16xf32>
        %add3A_523 = vector.broadcast %scan3A_452 : i32 to vector<16xi32>
        %add3A_524 = arith.addi %broadcast_in_dim3A, %add3A_523 : vector<16xi32>
        %broadcast_in_dim3A_525 = vector.broadcast %reduce_sum3A_522 : f32 to vector<16xf32>
        tpu.vector_store_idx %arg13[%add3A_524], %broadcast_in_dim3A_525 masked %eq3A_2 : memref<14336xf32, #tpu.memory_space<vmem>>[vector<16xi32>], vector<16xf32>, vector<16xi1>
        %scan3A_526 = arith.constant 0 : i32
        %scan3A_527 = arith.constant 3 : i32
        %scan3A_528 = arith.addi %scan3A_301, %scan3A_527 : i32
        %get3A_529 = arith.constant 0 : i32
        %get3A_530 = arith.index_cast %get3A_529 : i32 to index
        %get3A_531 = arith.index_cast %scan3A_528 : i32 to index
        %get3A_532 = arith.constant 0 : index
        %get3A_533 = tpu.vector_load %arg12[%get3A_530, %get3A_531, %get3A_532] {strides = array<i32>} : memref<2x112x128xi32, #tpu.memory_space<vmem>>, vector<16xi32>,
        %bitcast3A_534 = vector.bitcast %get3A_533 : vector<16xi32> to vector<32xbf16>
        %mul3A_535 = arith.mulf %bitcast3A_534, %bitcast3A : vector<32xbf16>
        %get3A_536 = arith.constant 0 : i32
        %get3A_537 = arith.index_cast %get3A_536 : i32 to index
        %get3A_538 = arith.index_cast %scan3A_528 : i32 to index
        %get3A_539 = arith.constant 16 : index
        %get3A_540 = tpu.vector_load %arg12[%get3A_537, %get3A_538, %get3A_539] {strides = array<i32>} : memref<2x112x128xi32, #tpu.memory_space<vmem>>, vector<16xi32>,
        %bitcast3A_541 = vector.bitcast %get3A_540 : vector<16xi32> to vector<32xbf16>
        %mul3A_542 = arith.mulf %bitcast3A_541, %bitcast3A_205 : vector<32xbf16>
        %add3A_543 = arith.addf %mul3A_535, %mul3A_542 : vector<32xbf16>
        %get3A_544 = arith.constant 0 : i32
        %get3A_545 = arith.index_cast %get3A_544 : i32 to index
        %get3A_546 = arith.index_cast %scan3A_528 : i32 to index
        %get3A_547 = arith.constant 32 : index
        %get3A_548 = tpu.vector_load %arg12[%get3A_545, %get3A_546, %get3A_547] {strides = array<i32>} : memref<2x112x128xi32, #tpu.memory_space<vmem>>, vector<16xi32>,
        %bitcast3A_549 = vector.bitcast %get3A_548 : vector<16xi32> to vector<32xbf16>
        %mul3A_550 = arith.mulf %bitcast3A_549, %bitcast3A_209 : vector<32xbf16>
        %add3A_551 = arith.addf %add3A_543, %mul3A_550 : vector<32xbf16>
        %get3A_552 = arith.constant 0 : i32
        %get3A_553 = arith.index_cast %get3A_552 : i32 to index
        %get3A_554 = arith.index_cast %scan3A_528 : i32 to index
        %get3A_555 = arith.constant 48 : index
        %get3A_556 = tpu.vector_load %arg12[%get3A_553, %get3A_554, %get3A_555] {strides = array<i32>} : memref<2x112x128xi32, #tpu.memory_space<vmem>>, vector<16xi32>,
        %bitcast3A_557 = vector.bitcast %get3A_556 : vector<16xi32> to vector<32xbf16>
        %mul3A_558 = arith.mulf %bitcast3A_557, %bitcast3A_213 : vector<32xbf16>
        %add3A_559 = arith.addf %add3A_551, %mul3A_558 : vector<32xbf16>
        %get3A_560 = arith.constant 0 : i32
        %get3A_561 = arith.index_cast %get3A_560 : i32 to index
        %get3A_562 = arith.index_cast %scan3A_528 : i32 to index
        %get3A_563 = arith.constant 64 : index
        %get3A_564 = tpu.vector_load %arg12[%get3A_561, %get3A_562, %get3A_563] {strides = array<i32>} : memref<2x112x128xi32, #tpu.memory_space<vmem>>, vector<16xi32>,
        %bitcast3A_565 = vector.bitcast %get3A_564 : vector<16xi32> to vector<32xbf16>
        %mul3A_566 = arith.mulf %bitcast3A_565, %bitcast3A_217 : vector<32xbf16>
        %add3A_567 = arith.addf %add3A_559, %mul3A_566 : vector<32xbf16>
        %get3A_568 = arith.constant 0 : i32
        %get3A_569 = arith.index_cast %get3A_568 : i32 to index
        %get3A_570 = arith.index_cast %scan3A_528 : i32 to index
        %get3A_571 = arith.constant 80 : index
        %get3A_572 = tpu.vector_load %arg12[%get3A_569, %get3A_570, %get3A_571] {strides = array<i32>} : memref<2x112x128xi32, #tpu.memory_space<vmem>>, vector<16xi32>,
        %bitcast3A_573 = vector.bitcast %get3A_572 : vector<16xi32> to vector<32xbf16>
        %mul3A_574 = arith.mulf %bitcast3A_573, %bitcast3A_221 : vector<32xbf16>
        %add3A_575 = arith.addf %add3A_567, %mul3A_574 : vector<32xbf16>
        %get3A_576 = arith.constant 0 : i32
        %get3A_577 = arith.index_cast %get3A_576 : i32 to index
        %get3A_578 = arith.index_cast %scan3A_528 : i32 to index
        %get3A_579 = arith.constant 96 : index
        %get3A_580 = tpu.vector_load %arg12[%get3A_577, %get3A_578, %get3A_579] {strides = array<i32>} : memref<2x112x128xi32, #tpu.memory_space<vmem>>, vector<16xi32>,
        %bitcast3A_581 = vector.bitcast %get3A_580 : vector<16xi32> to vector<32xbf16>
        %mul3A_582 = arith.mulf %bitcast3A_581, %bitcast3A_225 : vector<32xbf16>
        %add3A_583 = arith.addf %add3A_575, %mul3A_582 : vector<32xbf16>
        %get3A_584 = arith.constant 0 : i32
        %get3A_585 = arith.index_cast %get3A_584 : i32 to index
        %get3A_586 = arith.index_cast %scan3A_528 : i32 to index
        %get3A_587 = arith.constant 112 : index
        %get3A_588 = tpu.vector_load %arg12[%get3A_585, %get3A_586, %get3A_587] {strides = array<i32>} : memref<2x112x128xi32, #tpu.memory_space<vmem>>, vector<16xi32>,
        %bitcast3A_589 = vector.bitcast %get3A_588 : vector<16xi32> to vector<32xbf16>
        %mul3A_590 = arith.mulf %bitcast3A_589, %bitcast3A_229 : vector<32xbf16>
        %add3A_591 = arith.addf %add3A_583, %mul3A_590 : vector<32xbf16>
        %unpack3A_592 = tpu.unpack_subelements %add3A_591, 0 {pack_format = #tpu.pack_format<interleaved>} : vector<32xbf16> -> vector<16xf32>
        %unpack3A_593 = tpu.unpack_subelements %add3A_591, 1 {pack_format = #tpu.pack_format<interleaved>} : vector<32xbf16> -> vector<16xf32>
        %add3A_594 = arith.addf %unpack3A_592, %unpack3A_593 : vector<16xf32>
        %reduce_sum3A_595 = arith.constant true
        %reduce_sum3A_596 = vector.broadcast %reduce_sum3A_595 : i1 to vector<16xi1>
        %reduce_sum3A_597 = tpu.scan <sum>, %add3A_594 masked %reduce_sum3A_596 : vector<16xf32>, vector<16xi1> -> vector<16xf32>
        %reduce_sum3A_598 = vector.extract %reduce_sum3A_597[15] : f32 from vector<16xf32>
        %add3A_599 = vector.broadcast %scan3A_528 : i32 to vector<16xi32>
        %add3A_600 = arith.addi %broadcast_in_dim3A, %add3A_599 : vector<16xi32>
        %broadcast_in_dim3A_601 = vector.broadcast %reduce_sum3A_598 : f32 to vector<16xf32>
        tpu.vector_store_idx %arg13[%add3A_600], %broadcast_in_dim3A_601 masked %eq3A_2 : memref<14336xf32, #tpu.memory_space<vmem>>[vector<16xi32>], vector<16xf32>, vector<16xi1>
        %scan3A_602 = arith.constant 0 : i32
        scf.yield %scan3A_602 : i32
      }
      %scan3A_240 = arith.constant 112 : i32
      %lt3A = arith.constant 63 : i32
      %lt3A_241 = arith.cmpi slt, %scan3A_138, %lt3A : i32
      %convert_element_type3A = arith.extui %lt3A_241 : i1 to i32
      %cond3A = arith.constant 0 : i32
      %cond3A_242 = arith.cmpi ne, %convert_element_type3A, %cond3A : i32
      scf.if %cond3A_242 {
        %add3A_301 = arith.constant 1 : i32
        %add3A_302 = arith.addi %scan3A_138, %add3A_301 : i32
        %get3A_303 = arith.index_cast %add3A_302 : i32 to index
        %get3A_304 = arith.constant 0 : index
        %get3A_305 = tpu.vector_load %arg9[%get3A_303, %get3A_304] {strides = array<i32>} : memref<64x224xi32, #tpu.memory_space<vmem>>, vector<16xi32>,
        %swap3A_306 = arith.constant 0 : index
        %swap3A_307 = tpu.vector_load %arg10[%swap3A_306] {strides = array<i32>} : memref<112xi32, #tpu.memory_space<vmem>>, vector<16xi32>,
        tpu.vector_store %arg10[%swap3A_306], %get3A_305 {strides = array<i32>} : memref<112xi32, #tpu.memory_space<vmem>>, vector<16xi32>,
        %get3A_308 = arith.index_cast %add3A_302 : i32 to index
        %get3A_309 = arith.constant 16 : index
        %get3A_310 = tpu.vector_load %arg9[%get3A_308, %get3A_309] {strides = array<i32>} : memref<64x224xi32, #tpu.memory_space<vmem>>, vector<16xi32>,
        %swap3A_311 = arith.constant 16 : index
        %swap3A_312 = tpu.vector_load %arg10[%swap3A_311] {strides = array<i32>} : memref<112xi32, #tpu.memory_space<vmem>>, vector<16xi32>,
        tpu.vector_store %arg10[%swap3A_311], %get3A_310 {strides = array<i32>} : memref<112xi32, #tpu.memory_space<vmem>>, vector<16xi32>,
        %get3A_313 = arith.index_cast %add3A_302 : i32 to index
        %get3A_314 = arith.constant 32 : index
        %get3A_315 = tpu.vector_load %arg9[%get3A_313, %get3A_314] {strides = array<i32>} : memref<64x224xi32, #tpu.memory_space<vmem>>, vector<16xi32>,
        %swap3A_316 = arith.constant 32 : index
        %swap3A_317 = tpu.vector_load %arg10[%swap3A_316] {strides = array<i32>} : memref<112xi32, #tpu.memory_space<vmem>>, vector<16xi32>,
        tpu.vector_store %arg10[%swap3A_316], %get3A_315 {strides = array<i32>} : memref<112xi32, #tpu.memory_space<vmem>>, vector<16xi32>,
        %get3A_318 = arith.index_cast %add3A_302 : i32 to index
        %get3A_319 = arith.constant 48 : index
        %get3A_320 = tpu.vector_load %arg9[%get3A_318, %get3A_319] {strides = array<i32>} : memref<64x224xi32, #tpu.memory_space<vmem>>, vector<16xi32>,
        %swap3A_321 = arith.constant 48 : index
        %swap3A_322 = tpu.vector_load %arg10[%swap3A_321] {strides = array<i32>} : memref<112xi32, #tpu.memory_space<vmem>>, vector<16xi32>,
        tpu.vector_store %arg10[%swap3A_321], %get3A_320 {strides = array<i32>} : memref<112xi32, #tpu.memory_space<vmem>>, vector<16xi32>,
        %get3A_323 = arith.index_cast %add3A_302 : i32 to index
        %get3A_324 = arith.constant 64 : index
        %get3A_325 = tpu.vector_load %arg9[%get3A_323, %get3A_324] {strides = array<i32>} : memref<64x224xi32, #tpu.memory_space<vmem>>, vector<16xi32>,
        %swap3A_326 = arith.constant 64 : index
        %swap3A_327 = tpu.vector_load %arg10[%swap3A_326] {strides = array<i32>} : memref<112xi32, #tpu.memory_space<vmem>>, vector<16xi32>,
        tpu.vector_store %arg10[%swap3A_326], %get3A_325 {strides = array<i32>} : memref<112xi32, #tpu.memory_space<vmem>>, vector<16xi32>,
        %get3A_328 = arith.index_cast %add3A_302 : i32 to index
        %get3A_329 = arith.constant 80 : index
        %get3A_330 = tpu.vector_load %arg9[%get3A_328, %get3A_329] {strides = array<i32>} : memref<64x224xi32, #tpu.memory_space<vmem>>, vector<16xi32>,
        %swap3A_331 = arith.constant 80 : index
        %swap3A_332 = tpu.vector_load %arg10[%swap3A_331] {strides = array<i32>} : memref<112xi32, #tpu.memory_space<vmem>>, vector<16xi32>,
        tpu.vector_store %arg10[%swap3A_331], %get3A_330 {strides = array<i32>} : memref<112xi32, #tpu.memory_space<vmem>>, vector<16xi32>,
        %get3A_333 = arith.index_cast %add3A_302 : i32 to index
        %get3A_334 = arith.constant 96 : index
        %get3A_335 = tpu.vector_load %arg9[%get3A_333, %get3A_334] {strides = array<i32>} : memref<64x224xi32, #tpu.memory_space<vmem>>, vector<16xi32>,
        %swap3A_336 = arith.constant 96 : index
        %swap3A_337 = tpu.vector_load %arg10[%swap3A_336] {strides = array<i32>} : memref<112xi32, #tpu.memory_space<vmem>>, vector<16xi32>,
        tpu.vector_store %arg10[%swap3A_336], %get3A_335 {strides = array<i32>} : memref<112xi32, #tpu.memory_space<vmem>>, vector<16xi32>,
        %dma_start3A_338 = arith.constant 0 : i32
        %dma_start3A_339 = arith.constant 0 : i32
        %dma_start3A_340 = arith.constant 0 : i32
        %dma_start3A_341 = arith.constant 0 : i32
        %dma_start3A_342 = tpu.memref_slice %arg12[%dma_start3A_338, %dma_start3A_340, %dma_start3A_341] : memref<2x112x128xi32, #tpu.memory_space<vmem>> -> memref<1x112x128xi32, #tpu.memory_space<vmem>>
        %dma_start3A_343 = tpu.memref_squeeze %dma_start3A_342 : memref<1x112x128xi32, #tpu.memory_space<vmem>> -> memref<112x128xi32, #tpu.memory_space<vmem>>
        %dma_start3A_344 = arith.constant 0 : i32
        %dma_start3A_345 = arith.constant 0 : i32
        %dma_start3A_346 = tpu.memref_slice %arg5[%dma_start3A_344, %dma_start3A_345] : memref<100000x128xi32, #tpu.memory_space<hbm>> -> memref<100000x128xi32, #tpu.memory_space<hbm>>
        %dma_start3A_347 = tpu.memref_slice %arg14[%dma_start3A_339] : memref<2x!tpu.dma_semaphore, #tpu.memory_space<semaphore_mem>> -> memref<1x!tpu.dma_semaphore, #tpu.memory_space<semaphore_mem>>
        %dma_start3A_348 = tpu.memref_squeeze %dma_start3A_347 : memref<1x!tpu.dma_semaphore, #tpu.memory_space<semaphore_mem>> -> memref<!tpu.dma_semaphore, #tpu.memory_space<semaphore_mem>>
        tpu.enqueue_indirect_dma source(%dma_start3A_346 : memref<100000x128xi32, #tpu.memory_space<hbm>>) target(%dma_start3A_343 : memref<112x128xi32, #tpu.memory_space<vmem>>) offsets(%arg10 : memref<112xi32, #tpu.memory_space<vmem>>) semaphore(%dma_start3A_348 : memref<!tpu.dma_semaphore, #tpu.memory_space<semaphore_mem>>)
      } else {
      }
      %dma_wait3A_243 = arith.constant 1 : i32
      %dma_wait3A_244 = arith.constant 1 : i32
      %dma_wait3A_245 = arith.constant 0 : i32
      %dma_wait3A_246 = arith.constant 0 : i32
      %dma_wait3A_247 = tpu.memref_slice %arg12[%dma_wait3A_243, %dma_wait3A_245, %dma_wait3A_246] : memref<2x112x128xi32, #tpu.memory_space<vmem>> -> memref<1x112x128xi32, #tpu.memory_space<vmem>>
      %dma_wait3A_248 = tpu.memref_squeeze %dma_wait3A_247 : memref<1x112x128xi32, #tpu.memory_space<vmem>> -> memref<112x128xi32, #tpu.memory_space<vmem>>
      %dma_wait3A_249 = arith.constant 0 : i32
      %dma_wait3A_250 = arith.constant 0 : i32
      %dma_wait3A_251 = tpu.memref_slice %arg5[%dma_wait3A_249, %dma_wait3A_250] : memref<100000x128xi32, #tpu.memory_space<hbm>> -> memref<100000x128xi32, #tpu.memory_space<hbm>>
      %dma_wait3A_252 = tpu.memref_slice %arg14[%dma_wait3A_244] : memref<2x!tpu.dma_semaphore, #tpu.memory_space<semaphore_mem>> -> memref<1x!tpu.dma_semaphore, #tpu.memory_space<semaphore_mem>>
      %dma_wait3A_253 = tpu.memref_squeeze %dma_wait3A_252 : memref<1x!tpu.dma_semaphore, #tpu.memory_space<semaphore_mem>> -> memref<!tpu.dma_semaphore, #tpu.memory_space<semaphore_mem>>
      tpu.wait_indirect_dma semaphore(%dma_wait3A_253 : memref<!tpu.dma_semaphore, #tpu.memory_space<semaphore_mem>>) src(%dma_wait3A_251 : memref<100000x128xi32, #tpu.memory_space<hbm>>) dst(%dma_wait3A_248 : memref<112x128xi32, #tpu.memory_space<vmem>>)
      %add3A_254 = arith.constant 64 : i32
      %add3A_255 = arith.addi %add3A_254, %scan3A_138 : i32
      %get3A_256 = arith.index_cast %add3A_255 : i32 to index
      %get3A_257 = arith.constant 0 : index
      %get3A_258 = tpu.vector_load %arg8[%get3A_256, %get3A_257] {strides = array<i32>} : memref<128x128xi32, #tpu.memory_space<vmem>>, vector<16xi32>,
      %bitcast3A_259 = vector.bitcast %get3A_258 : vector<16xi32> to vector<32xbf16>
      %get3A_260 = arith.index_cast %add3A_255 : i32 to index
      %get3A_261 = arith.constant 16 : index
      %get3A_262 = tpu.vector_load %arg8[%get3A_260, %get3A_261] {strides = array<i32>} : memref<128x128xi32, #tpu.memory_space<vmem>>, vector<16xi32>,
      %bitcast3A_263 = vector.bitcast %get3A_262 : vector<16xi32> to vector<32xbf16>
      %get3A_264 = arith.index_cast %add3A_255 : i32 to index
      %get3A_265 = arith.constant 32 : index
      %get3A_266 = tpu.vector_load %arg8[%get3A_264, %get3A_265] {strides = array<i32>} : memref<128x128xi32, #tpu.memory_space<vmem>>, vector<16xi32>,
      %bitcast3A_267 = vector.bitcast %get3A_266 : vector<16xi32> to vector<32xbf16>
      %get3A_268 = arith.index_cast %add3A_255 : i32 to index
      %get3A_269 = arith.constant 48 : index
      %get3A_270 = tpu.vector_load %arg8[%get3A_268, %get3A_269] {strides = array<i32>} : memref<128x128xi32, #tpu.memory_space<vmem>>, vector<16xi32>,
      %bitcast3A_271 = vector.bitcast %get3A_270 : vector<16xi32> to vector<32xbf16>
      %get3A_272 = arith.index_cast %add3A_255 : i32 to index
      %get3A_273 = arith.constant 64 : index
      %get3A_274 = tpu.vector_load %arg8[%get3A_272, %get3A_273] {strides = array<i32>} : memref<128x128xi32, #tpu.memory_space<vmem>>, vector<16xi32>,
      %bitcast3A_275 = vector.bitcast %get3A_274 : vector<16xi32> to vector<32xbf16>
      %get3A_276 = arith.index_cast %add3A_255 : i32 to index
      %get3A_277 = arith.constant 80 : index
      %get3A_278 = tpu.vector_load %arg8[%get3A_276, %get3A_277] {strides = array<i32>} : memref<128x128xi32, #tpu.memory_space<vmem>>, vector<16xi32>,
      %bitcast3A_279 = vector.bitcast %get3A_278 : vector<16xi32> to vector<32xbf16>
      %get3A_280 = arith.index_cast %add3A_255 : i32 to index
      %get3A_281 = arith.constant 96 : index
      %get3A_282 = tpu.vector_load %arg8[%get3A_280, %get3A_281] {strides = array<i32>} : memref<128x128xi32, #tpu.memory_space<vmem>>, vector<16xi32>,
      %bitcast3A_283 = vector.bitcast %get3A_282 : vector<16xi32> to vector<32xbf16>
      %get3A_284 = arith.index_cast %add3A_255 : i32 to index
      %get3A_285 = arith.constant 112 : index
      %get3A_286 = tpu.vector_load %arg8[%get3A_284, %get3A_285] {strides = array<i32>} : memref<128x128xi32, #tpu.memory_space<vmem>>, vector<16xi32>,
      %bitcast3A_287 = vector.bitcast %get3A_286 : vector<16xi32> to vector<32xbf16>
      %mul3A_288 = arith.constant 224 : i32
      %mul3A_289 = arith.muli %scan3A_138, %mul3A_288 : i32
      %add3A_290 = arith.constant 112 : i32
      %add3A_291 = arith.addi %mul3A_289, %add3A_290 : i32
      %broadcast_in_dim3A_292 = vector.broadcast %add3A_291 : i32 to vector<16xi32>
      %scan3A_293 = arith.constant 0 : i32
      %scan3A_294 = arith.constant 0 : i32
      %scan3A_295 = arith.constant 112 : i32
      %scan3A_296 = arith.addi %scan3A_294, %scan3A_295 : i32
      %scan3A_297 = arith.constant 4 : i32
      %scan3A_298 = scf.for %scan3A_301 = %scan3A_294 to %scan3A_296 step %scan3A_297 iter_args(%scan3A_302 = %scan3A_293) -> (i32)  : i32 {
        %get3A_303 = arith.constant 1 : i32
        %get3A_304 = arith.index_cast %get3A_303 : i32 to index
        %get3A_305 = arith.index_cast %scan3A_301 : i32 to index
        %get3A_306 = arith.constant 0 : index
        %get3A_307 = tpu.vector_load %arg12[%get3A_304, %get3A_305, %get3A_306] {strides = array<i32>} : memref<2x112x128xi32, #tpu.memory_space<vmem>>, vector<16xi32>,
        %bitcast3A_308 = vector.bitcast %get3A_307 : vector<16xi32> to vector<32xbf16>
        %mul3A_309 = arith.mulf %bitcast3A_308, %bitcast3A_259 : vector<32xbf16>
        %get3A_310 = arith.constant 1 : i32
        %get3A_311 = arith.index_cast %get3A_310 : i32 to index
        %get3A_312 = arith.index_cast %scan3A_301 : i32 to index
        %get3A_313 = arith.constant 16 : index
        %get3A_314 = tpu.vector_load %arg12[%get3A_311, %get3A_312, %get3A_313] {strides = array<i32>} : memref<2x112x128xi32, #tpu.memory_space<vmem>>, vector<16xi32>,
        %bitcast3A_315 = vector.bitcast %get3A_314 : vector<16xi32> to vector<32xbf16>
        %mul3A_316 = arith.mulf %bitcast3A_315, %bitcast3A_263 : vector<32xbf16>
        %add3A_317 = arith.addf %mul3A_309, %mul3A_316 : vector<32xbf16>
        %get3A_318 = arith.constant 1 : i32
        %get3A_319 = arith.index_cast %get3A_318 : i32 to index
        %get3A_320 = arith.index_cast %scan3A_301 : i32 to index
        %get3A_321 = arith.constant 32 : index
        %get3A_322 = tpu.vector_load %arg12[%get3A_319, %get3A_320, %get3A_321] {strides = array<i32>} : memref<2x112x128xi32, #tpu.memory_space<vmem>>, vector<16xi32>,
        %bitcast3A_323 = vector.bitcast %get3A_322 : vector<16xi32> to vector<32xbf16>
        %mul3A_324 = arith.mulf %bitcast3A_323, %bitcast3A_267 : vector<32xbf16>
        %add3A_325 = arith.addf %add3A_317, %mul3A_324 : vector<32xbf16>
        %get3A_326 = arith.constant 1 : i32
        %get3A_327 = arith.index_cast %get3A_326 : i32 to index
        %get3A_328 = arith.index_cast %scan3A_301 : i32 to index
        %get3A_329 = arith.constant 48 : index
        %get3A_330 = tpu.vector_load %arg12[%get3A_327, %get3A_328, %get3A_329] {strides = array<i32>} : memref<2x112x128xi32, #tpu.memory_space<vmem>>, vector<16xi32>,
        %bitcast3A_331 = vector.bitcast %get3A_330 : vector<16xi32> to vector<32xbf16>
        %mul3A_332 = arith.mulf %bitcast3A_331, %bitcast3A_271 : vector<32xbf16>
        %add3A_333 = arith.addf %add3A_325, %mul3A_332 : vector<32xbf16>
        %get3A_334 = arith.constant 1 : i32
        %get3A_335 = arith.index_cast %get3A_334 : i32 to index
        %get3A_336 = arith.index_cast %scan3A_301 : i32 to index
        %get3A_337 = arith.constant 64 : index
        %get3A_338 = tpu.vector_load %arg12[%get3A_335, %get3A_336, %get3A_337] {strides = array<i32>} : memref<2x112x128xi32, #tpu.memory_space<vmem>>, vector<16xi32>,
        %bitcast3A_339 = vector.bitcast %get3A_338 : vector<16xi32> to vector<32xbf16>
        %mul3A_340 = arith.mulf %bitcast3A_339, %bitcast3A_275 : vector<32xbf16>
        %add3A_341 = arith.addf %add3A_333, %mul3A_340 : vector<32xbf16>
        %get3A_342 = arith.constant 1 : i32
        %get3A_343 = arith.index_cast %get3A_342 : i32 to index
        %get3A_344 = arith.index_cast %scan3A_301 : i32 to index
        %get3A_345 = arith.constant 80 : index
        %get3A_346 = tpu.vector_load %arg12[%get3A_343, %get3A_344, %get3A_345] {strides = array<i32>} : memref<2x112x128xi32, #tpu.memory_space<vmem>>, vector<16xi32>,
        %bitcast3A_347 = vector.bitcast %get3A_346 : vector<16xi32> to vector<32xbf16>
        %mul3A_348 = arith.mulf %bitcast3A_347, %bitcast3A_279 : vector<32xbf16>
        %add3A_349 = arith.addf %add3A_341, %mul3A_348 : vector<32xbf16>
        %get3A_350 = arith.constant 1 : i32
        %get3A_351 = arith.index_cast %get3A_350 : i32 to index
        %get3A_352 = arith.index_cast %scan3A_301 : i32 to index
        %get3A_353 = arith.constant 96 : index
        %get3A_354 = tpu.vector_load %arg12[%get3A_351, %get3A_352, %get3A_353] {strides = array<i32>} : memref<2x112x128xi32, #tpu.memory_space<vmem>>, vector<16xi32>,
        %bitcast3A_355 = vector.bitcast %get3A_354 : vector<16xi32> to vector<32xbf16>
        %mul3A_356 = arith.mulf %bitcast3A_355, %bitcast3A_283 : vector<32xbf16>
        %add3A_357 = arith.addf %add3A_349, %mul3A_356 : vector<32xbf16>
        %get3A_358 = arith.constant 1 : i32
        %get3A_359 = arith.index_cast %get3A_358 : i32 to index
        %get3A_360 = arith.index_cast %scan3A_301 : i32 to index
        %get3A_361 = arith.constant 112 : index
        %get3A_362 = tpu.vector_load %arg12[%get3A_359, %get3A_360, %get3A_361] {strides = array<i32>} : memref<2x112x128xi32, #tpu.memory_space<vmem>>, vector<16xi32>,
        %bitcast3A_363 = vector.bitcast %get3A_362 : vector<16xi32> to vector<32xbf16>
        %mul3A_364 = arith.mulf %bitcast3A_363, %bitcast3A_287 : vector<32xbf16>
        %add3A_365 = arith.addf %add3A_357, %mul3A_364 : vector<32xbf16>
        %unpack3A = tpu.unpack_subelements %add3A_365, 0 {pack_format = #tpu.pack_format<interleaved>} : vector<32xbf16> -> vector<16xf32>
        %unpack3A_366 = tpu.unpack_subelements %add3A_365, 1 {pack_format = #tpu.pack_format<interleaved>} : vector<32xbf16> -> vector<16xf32>
        %add3A_367 = arith.addf %unpack3A, %unpack3A_366 : vector<16xf32>
        %reduce_sum3A = arith.constant true
        %reduce_sum3A_368 = vector.broadcast %reduce_sum3A : i1 to vector<16xi1>
        %reduce_sum3A_369 = tpu.scan <sum>, %add3A_367 masked %reduce_sum3A_368 : vector<16xf32>, vector<16xi1> -> vector<16xf32>
        %reduce_sum3A_370 = vector.extract %reduce_sum3A_369[15] : f32 from vector<16xf32>
        %add3A_371 = vector.broadcast %scan3A_301 : i32 to vector<16xi32>
        %add3A_372 = arith.addi %broadcast_in_dim3A_292, %add3A_371 : vector<16xi32>
        %broadcast_in_dim3A_373 = vector.broadcast %reduce_sum3A_370 : f32 to vector<16xf32>
        tpu.vector_store_idx %arg13[%add3A_372], %broadcast_in_dim3A_373 masked %eq3A_2 : memref<14336xf32, #tpu.memory_space<vmem>>[vector<16xi32>], vector<16xf32>, vector<16xi1>
        %scan3A_374 = arith.constant 0 : i32
        %scan3A_375 = arith.constant 1 : i32
        %scan3A_376 = arith.addi %scan3A_301, %scan3A_375 : i32
        %get3A_377 = arith.constant 1 : i32
        %get3A_378 = arith.index_cast %get3A_377 : i32 to index
        %get3A_379 = arith.index_cast %scan3A_376 : i32 to index
        %get3A_380 = arith.constant 0 : index
        %get3A_381 = tpu.vector_load %arg12[%get3A_378, %get3A_379, %get3A_380] {strides = array<i32>} : memref<2x112x128xi32, #tpu.memory_space<vmem>>, vector<16xi32>,
        %bitcast3A_382 = vector.bitcast %get3A_381 : vector<16xi32> to vector<32xbf16>
        %mul3A_383 = arith.mulf %bitcast3A_382, %bitcast3A_259 : vector<32xbf16>
        %get3A_384 = arith.constant 1 : i32
        %get3A_385 = arith.index_cast %get3A_384 : i32 to index
        %get3A_386 = arith.index_cast %scan3A_376 : i32 to index
        %get3A_387 = arith.constant 16 : index
        %get3A_388 = tpu.vector_load %arg12[%get3A_385, %get3A_386, %get3A_387] {strides = array<i32>} : memref<2x112x128xi32, #tpu.memory_space<vmem>>, vector<16xi32>,
        %bitcast3A_389 = vector.bitcast %get3A_388 : vector<16xi32> to vector<32xbf16>
        %mul3A_390 = arith.mulf %bitcast3A_389, %bitcast3A_263 : vector<32xbf16>
        %add3A_391 = arith.addf %mul3A_383, %mul3A_390 : vector<32xbf16>
        %get3A_392 = arith.constant 1 : i32
        %get3A_393 = arith.index_cast %get3A_392 : i32 to index
        %get3A_394 = arith.index_cast %scan3A_376 : i32 to index
        %get3A_395 = arith.constant 32 : index
        %get3A_396 = tpu.vector_load %arg12[%get3A_393, %get3A_394, %get3A_395] {strides = array<i32>} : memref<2x112x128xi32, #tpu.memory_space<vmem>>, vector<16xi32>,
        %bitcast3A_397 = vector.bitcast %get3A_396 : vector<16xi32> to vector<32xbf16>
        %mul3A_398 = arith.mulf %bitcast3A_397, %bitcast3A_267 : vector<32xbf16>
        %add3A_399 = arith.addf %add3A_391, %mul3A_398 : vector<32xbf16>
        %get3A_400 = arith.constant 1 : i32
        %get3A_401 = arith.index_cast %get3A_400 : i32 to index
        %get3A_402 = arith.index_cast %scan3A_376 : i32 to index
        %get3A_403 = arith.constant 48 : index
        %get3A_404 = tpu.vector_load %arg12[%get3A_401, %get3A_402, %get3A_403] {strides = array<i32>} : memref<2x112x128xi32, #tpu.memory_space<vmem>>, vector<16xi32>,
        %bitcast3A_405 = vector.bitcast %get3A_404 : vector<16xi32> to vector<32xbf16>
        %mul3A_406 = arith.mulf %bitcast3A_405, %bitcast3A_271 : vector<32xbf16>
        %add3A_407 = arith.addf %add3A_399, %mul3A_406 : vector<32xbf16>
        %get3A_408 = arith.constant 1 : i32
        %get3A_409 = arith.index_cast %get3A_408 : i32 to index
        %get3A_410 = arith.index_cast %scan3A_376 : i32 to index
        %get3A_411 = arith.constant 64 : index
        %get3A_412 = tpu.vector_load %arg12[%get3A_409, %get3A_410, %get3A_411] {strides = array<i32>} : memref<2x112x128xi32, #tpu.memory_space<vmem>>, vector<16xi32>,
        %bitcast3A_413 = vector.bitcast %get3A_412 : vector<16xi32> to vector<32xbf16>
        %mul3A_414 = arith.mulf %bitcast3A_413, %bitcast3A_275 : vector<32xbf16>
        %add3A_415 = arith.addf %add3A_407, %mul3A_414 : vector<32xbf16>
        %get3A_416 = arith.constant 1 : i32
        %get3A_417 = arith.index_cast %get3A_416 : i32 to index
        %get3A_418 = arith.index_cast %scan3A_376 : i32 to index
        %get3A_419 = arith.constant 80 : index
        %get3A_420 = tpu.vector_load %arg12[%get3A_417, %get3A_418, %get3A_419] {strides = array<i32>} : memref<2x112x128xi32, #tpu.memory_space<vmem>>, vector<16xi32>,
        %bitcast3A_421 = vector.bitcast %get3A_420 : vector<16xi32> to vector<32xbf16>
        %mul3A_422 = arith.mulf %bitcast3A_421, %bitcast3A_279 : vector<32xbf16>
        %add3A_423 = arith.addf %add3A_415, %mul3A_422 : vector<32xbf16>
        %get3A_424 = arith.constant 1 : i32
        %get3A_425 = arith.index_cast %get3A_424 : i32 to index
        %get3A_426 = arith.index_cast %scan3A_376 : i32 to index
        %get3A_427 = arith.constant 96 : index
        %get3A_428 = tpu.vector_load %arg12[%get3A_425, %get3A_426, %get3A_427] {strides = array<i32>} : memref<2x112x128xi32, #tpu.memory_space<vmem>>, vector<16xi32>,
        %bitcast3A_429 = vector.bitcast %get3A_428 : vector<16xi32> to vector<32xbf16>
        %mul3A_430 = arith.mulf %bitcast3A_429, %bitcast3A_283 : vector<32xbf16>
        %add3A_431 = arith.addf %add3A_423, %mul3A_430 : vector<32xbf16>
        %get3A_432 = arith.constant 1 : i32
        %get3A_433 = arith.index_cast %get3A_432 : i32 to index
        %get3A_434 = arith.index_cast %scan3A_376 : i32 to index
        %get3A_435 = arith.constant 112 : index
        %get3A_436 = tpu.vector_load %arg12[%get3A_433, %get3A_434, %get3A_435] {strides = array<i32>} : memref<2x112x128xi32, #tpu.memory_space<vmem>>, vector<16xi32>,
        %bitcast3A_437 = vector.bitcast %get3A_436 : vector<16xi32> to vector<32xbf16>
        %mul3A_438 = arith.mulf %bitcast3A_437, %bitcast3A_287 : vector<32xbf16>
        %add3A_439 = arith.addf %add3A_431, %mul3A_438 : vector<32xbf16>
        %unpack3A_440 = tpu.unpack_subelements %add3A_439, 0 {pack_format = #tpu.pack_format<interleaved>} : vector<32xbf16> -> vector<16xf32>
        %unpack3A_441 = tpu.unpack_subelements %add3A_439, 1 {pack_format = #tpu.pack_format<interleaved>} : vector<32xbf16> -> vector<16xf32>
        %add3A_442 = arith.addf %unpack3A_440, %unpack3A_441 : vector<16xf32>
        %reduce_sum3A_443 = arith.constant true
        %reduce_sum3A_444 = vector.broadcast %reduce_sum3A_443 : i1 to vector<16xi1>
        %reduce_sum3A_445 = tpu.scan <sum>, %add3A_442 masked %reduce_sum3A_444 : vector<16xf32>, vector<16xi1> -> vector<16xf32>
        %reduce_sum3A_446 = vector.extract %reduce_sum3A_445[15] : f32 from vector<16xf32>
        %add3A_447 = vector.broadcast %scan3A_376 : i32 to vector<16xi32>
        %add3A_448 = arith.addi %broadcast_in_dim3A_292, %add3A_447 : vector<16xi32>
        %broadcast_in_dim3A_449 = vector.broadcast %reduce_sum3A_446 : f32 to vector<16xf32>
        tpu.vector_store_idx %arg13[%add3A_448], %broadcast_in_dim3A_449 masked %eq3A_2 : memref<14336xf32, #tpu.memory_space<vmem>>[vector<16xi32>], vector<16xf32>, vector<16xi1>
        %scan3A_450 = arith.constant 0 : i32
        %scan3A_451 = arith.constant 2 : i32
        %scan3A_452 = arith.addi %scan3A_301, %scan3A_451 : i32
        %get3A_453 = arith.constant 1 : i32
        %get3A_454 = arith.index_cast %get3A_453 : i32 to index
        %get3A_455 = arith.index_cast %scan3A_452 : i32 to index
        %get3A_456 = arith.constant 0 : index
        %get3A_457 = tpu.vector_load %arg12[%get3A_454, %get3A_455, %get3A_456] {strides = array<i32>} : memref<2x112x128xi32, #tpu.memory_space<vmem>>, vector<16xi32>,
        %bitcast3A_458 = vector.bitcast %get3A_457 : vector<16xi32> to vector<32xbf16>
        %mul3A_459 = arith.mulf %bitcast3A_458, %bitcast3A_259 : vector<32xbf16>
        %get3A_460 = arith.constant 1 : i32
        %get3A_461 = arith.index_cast %get3A_460 : i32 to index
        %get3A_462 = arith.index_cast %scan3A_452 : i32 to index
        %get3A_463 = arith.constant 16 : index
        %get3A_464 = tpu.vector_load %arg12[%get3A_461, %get3A_462, %get3A_463] {strides = array<i32>} : memref<2x112x128xi32, #tpu.memory_space<vmem>>, vector<16xi32>,
        %bitcast3A_465 = vector.bitcast %get3A_464 : vector<16xi32> to vector<32xbf16>
        %mul3A_466 = arith.mulf %bitcast3A_465, %bitcast3A_263 : vector<32xbf16>
        %add3A_467 = arith.addf %mul3A_459, %mul3A_466 : vector<32xbf16>
        %get3A_468 = arith.constant 1 : i32
        %get3A_469 = arith.index_cast %get3A_468 : i32 to index
        %get3A_470 = arith.index_cast %scan3A_452 : i32 to index
        %get3A_471 = arith.constant 32 : index
        %get3A_472 = tpu.vector_load %arg12[%get3A_469, %get3A_470, %get3A_471] {strides = array<i32>} : memref<2x112x128xi32, #tpu.memory_space<vmem>>, vector<16xi32>,
        %bitcast3A_473 = vector.bitcast %get3A_472 : vector<16xi32> to vector<32xbf16>
        %mul3A_474 = arith.mulf %bitcast3A_473, %bitcast3A_267 : vector<32xbf16>
        %add3A_475 = arith.addf %add3A_467, %mul3A_474 : vector<32xbf16>
        %get3A_476 = arith.constant 1 : i32
        %get3A_477 = arith.index_cast %get3A_476 : i32 to index
        %get3A_478 = arith.index_cast %scan3A_452 : i32 to index
        %get3A_479 = arith.constant 48 : index
        %get3A_480 = tpu.vector_load %arg12[%get3A_477, %get3A_478, %get3A_479] {strides = array<i32>} : memref<2x112x128xi32, #tpu.memory_space<vmem>>, vector<16xi32>,
        %bitcast3A_481 = vector.bitcast %get3A_480 : vector<16xi32> to vector<32xbf16>
        %mul3A_482 = arith.mulf %bitcast3A_481, %bitcast3A_271 : vector<32xbf16>
        %add3A_483 = arith.addf %add3A_475, %mul3A_482 : vector<32xbf16>
        %get3A_484 = arith.constant 1 : i32
        %get3A_485 = arith.index_cast %get3A_484 : i32 to index
        %get3A_486 = arith.index_cast %scan3A_452 : i32 to index
        %get3A_487 = arith.constant 64 : index
        %get3A_488 = tpu.vector_load %arg12[%get3A_485, %get3A_486, %get3A_487] {strides = array<i32>} : memref<2x112x128xi32, #tpu.memory_space<vmem>>, vector<16xi32>,
        %bitcast3A_489 = vector.bitcast %get3A_488 : vector<16xi32> to vector<32xbf16>
        %mul3A_490 = arith.mulf %bitcast3A_489, %bitcast3A_275 : vector<32xbf16>
        %add3A_491 = arith.addf %add3A_483, %mul3A_490 : vector<32xbf16>
        %get3A_492 = arith.constant 1 : i32
        %get3A_493 = arith.index_cast %get3A_492 : i32 to index
        %get3A_494 = arith.index_cast %scan3A_452 : i32 to index
        %get3A_495 = arith.constant 80 : index
        %get3A_496 = tpu.vector_load %arg12[%get3A_493, %get3A_494, %get3A_495] {strides = array<i32>} : memref<2x112x128xi32, #tpu.memory_space<vmem>>, vector<16xi32>,
        %bitcast3A_497 = vector.bitcast %get3A_496 : vector<16xi32> to vector<32xbf16>
        %mul3A_498 = arith.mulf %bitcast3A_497, %bitcast3A_279 : vector<32xbf16>
        %add3A_499 = arith.addf %add3A_491, %mul3A_498 : vector<32xbf16>
        %get3A_500 = arith.constant 1 : i32
        %get3A_501 = arith.index_cast %get3A_500 : i32 to index
        %get3A_502 = arith.index_cast %scan3A_452 : i32 to index
        %get3A_503 = arith.constant 96 : index
        %get3A_504 = tpu.vector_load %arg12[%get3A_501, %get3A_502, %get3A_503] {strides = array<i32>} : memref<2x112x128xi32, #tpu.memory_space<vmem>>, vector<16xi32>,
        %bitcast3A_505 = vector.bitcast %get3A_504 : vector<16xi32> to vector<32xbf16>
        %mul3A_506 = arith.mulf %bitcast3A_505, %bitcast3A_283 : vector<32xbf16>
        %add3A_507 = arith.addf %add3A_499, %mul3A_506 : vector<32xbf16>
        %get3A_508 = arith.constant 1 : i32
        %get3A_509 = arith.index_cast %get3A_508 : i32 to index
        %get3A_510 = arith.index_cast %scan3A_452 : i32 to index
        %get3A_511 = arith.constant 112 : index
        %get3A_512 = tpu.vector_load %arg12[%get3A_509, %get3A_510, %get3A_511] {strides = array<i32>} : memref<2x112x128xi32, #tpu.memory_space<vmem>>, vector<16xi32>,
        %bitcast3A_513 = vector.bitcast %get3A_512 : vector<16xi32> to vector<32xbf16>
        %mul3A_514 = arith.mulf %bitcast3A_513, %bitcast3A_287 : vector<32xbf16>
        %add3A_515 = arith.addf %add3A_507, %mul3A_514 : vector<32xbf16>
        %unpack3A_516 = tpu.unpack_subelements %add3A_515, 0 {pack_format = #tpu.pack_format<interleaved>} : vector<32xbf16> -> vector<16xf32>
        %unpack3A_517 = tpu.unpack_subelements %add3A_515, 1 {pack_format = #tpu.pack_format<interleaved>} : vector<32xbf16> -> vector<16xf32>
        %add3A_518 = arith.addf %unpack3A_516, %unpack3A_517 : vector<16xf32>
        %reduce_sum3A_519 = arith.constant true
        %reduce_sum3A_520 = vector.broadcast %reduce_sum3A_519 : i1 to vector<16xi1>
        %reduce_sum3A_521 = tpu.scan <sum>, %add3A_518 masked %reduce_sum3A_520 : vector<16xf32>, vector<16xi1> -> vector<16xf32>
        %reduce_sum3A_522 = vector.extract %reduce_sum3A_521[15] : f32 from vector<16xf32>
        %add3A_523 = vector.broadcast %scan3A_452 : i32 to vector<16xi32>
        %add3A_524 = arith.addi %broadcast_in_dim3A_292, %add3A_523 : vector<16xi32>
        %broadcast_in_dim3A_525 = vector.broadcast %reduce_sum3A_522 : f32 to vector<16xf32>
        tpu.vector_store_idx %arg13[%add3A_524], %broadcast_in_dim3A_525 masked %eq3A_2 : memref<14336xf32, #tpu.memory_space<vmem>>[vector<16xi32>], vector<16xf32>, vector<16xi1>
        %scan3A_526 = arith.constant 0 : i32
        %scan3A_527 = arith.constant 3 : i32
        %scan3A_528 = arith.addi %scan3A_301, %scan3A_527 : i32
        %get3A_529 = arith.constant 1 : i32
        %get3A_530 = arith.index_cast %get3A_529 : i32 to index
        %get3A_531 = arith.index_cast %scan3A_528 : i32 to index
        %get3A_532 = arith.constant 0 : index
        %get3A_533 = tpu.vector_load %arg12[%get3A_530, %get3A_531, %get3A_532] {strides = array<i32>} : memref<2x112x128xi32, #tpu.memory_space<vmem>>, vector<16xi32>,
        %bitcast3A_534 = vector.bitcast %get3A_533 : vector<16xi32> to vector<32xbf16>
        %mul3A_535 = arith.mulf %bitcast3A_534, %bitcast3A_259 : vector<32xbf16>
        %get3A_536 = arith.constant 1 : i32
        %get3A_537 = arith.index_cast %get3A_536 : i32 to index
        %get3A_538 = arith.index_cast %scan3A_528 : i32 to index
        %get3A_539 = arith.constant 16 : index
        %get3A_540 = tpu.vector_load %arg12[%get3A_537, %get3A_538, %get3A_539] {strides = array<i32>} : memref<2x112x128xi32, #tpu.memory_space<vmem>>, vector<16xi32>,
        %bitcast3A_541 = vector.bitcast %get3A_540 : vector<16xi32> to vector<32xbf16>
        %mul3A_542 = arith.mulf %bitcast3A_541, %bitcast3A_263 : vector<32xbf16>
        %add3A_543 = arith.addf %mul3A_535, %mul3A_542 : vector<32xbf16>
        %get3A_544 = arith.constant 1 : i32
        %get3A_545 = arith.index_cast %get3A_544 : i32 to index
        %get3A_546 = arith.index_cast %scan3A_528 : i32 to index
        %get3A_547 = arith.constant 32 : index
        %get3A_548 = tpu.vector_load %arg12[%get3A_545, %get3A_546, %get3A_547] {strides = array<i32>} : memref<2x112x128xi32, #tpu.memory_space<vmem>>, vector<16xi32>,
        %bitcast3A_549 = vector.bitcast %get3A_548 : vector<16xi32> to vector<32xbf16>
        %mul3A_550 = arith.mulf %bitcast3A_549, %bitcast3A_267 : vector<32xbf16>
        %add3A_551 = arith.addf %add3A_543, %mul3A_550 : vector<32xbf16>
        %get3A_552 = arith.constant 1 : i32
        %get3A_553 = arith.index_cast %get3A_552 : i32 to index
        %get3A_554 = arith.index_cast %scan3A_528 : i32 to index
        %get3A_555 = arith.constant 48 : index
        %get3A_556 = tpu.vector_load %arg12[%get3A_553, %get3A_554, %get3A_555] {strides = array<i32>} : memref<2x112x128xi32, #tpu.memory_space<vmem>>, vector<16xi32>,
        %bitcast3A_557 = vector.bitcast %get3A_556 : vector<16xi32> to vector<32xbf16>
        %mul3A_558 = arith.mulf %bitcast3A_557, %bitcast3A_271 : vector<32xbf16>
        %add3A_559 = arith.addf %add3A_551, %mul3A_558 : vector<32xbf16>
        %get3A_560 = arith.constant 1 : i32
        %get3A_561 = arith.index_cast %get3A_560 : i32 to index
        %get3A_562 = arith.index_cast %scan3A_528 : i32 to index
        %get3A_563 = arith.constant 64 : index
        %get3A_564 = tpu.vector_load %arg12[%get3A_561, %get3A_562, %get3A_563] {strides = array<i32>} : memref<2x112x128xi32, #tpu.memory_space<vmem>>, vector<16xi32>,
        %bitcast3A_565 = vector.bitcast %get3A_564 : vector<16xi32> to vector<32xbf16>
        %mul3A_566 = arith.mulf %bitcast3A_565, %bitcast3A_275 : vector<32xbf16>
        %add3A_567 = arith.addf %add3A_559, %mul3A_566 : vector<32xbf16>
        %get3A_568 = arith.constant 1 : i32
        %get3A_569 = arith.index_cast %get3A_568 : i32 to index
        %get3A_570 = arith.index_cast %scan3A_528 : i32 to index
        %get3A_571 = arith.constant 80 : index
        %get3A_572 = tpu.vector_load %arg12[%get3A_569, %get3A_570, %get3A_571] {strides = array<i32>} : memref<2x112x128xi32, #tpu.memory_space<vmem>>, vector<16xi32>,
        %bitcast3A_573 = vector.bitcast %get3A_572 : vector<16xi32> to vector<32xbf16>
        %mul3A_574 = arith.mulf %bitcast3A_573, %bitcast3A_279 : vector<32xbf16>
        %add3A_575 = arith.addf %add3A_567, %mul3A_574 : vector<32xbf16>
        %get3A_576 = arith.constant 1 : i32
        %get3A_577 = arith.index_cast %get3A_576 : i32 to index
        %get3A_578 = arith.index_cast %scan3A_528 : i32 to index
        %get3A_579 = arith.constant 96 : index
        %get3A_580 = tpu.vector_load %arg12[%get3A_577, %get3A_578, %get3A_579] {strides = array<i32>} : memref<2x112x128xi32, #tpu.memory_space<vmem>>, vector<16xi32>,
        %bitcast3A_581 = vector.bitcast %get3A_580 : vector<16xi32> to vector<32xbf16>
        %mul3A_582 = arith.mulf %bitcast3A_581, %bitcast3A_283 : vector<32xbf16>
        %add3A_583 = arith.addf %add3A_575, %mul3A_582 : vector<32xbf16>
        %get3A_584 = arith.constant 1 : i32
        %get3A_585 = arith.index_cast %get3A_584 : i32 to index
        %get3A_586 = arith.index_cast %scan3A_528 : i32 to index
        %get3A_587 = arith.constant 112 : index
        %get3A_588 = tpu.vector_load %arg12[%get3A_585, %get3A_586, %get3A_587] {strides = array<i32>} : memref<2x112x128xi32, #tpu.memory_space<vmem>>, vector<16xi32>,
        %bitcast3A_589 = vector.bitcast %get3A_588 : vector<16xi32> to vector<32xbf16>
        %mul3A_590 = arith.mulf %bitcast3A_589, %bitcast3A_287 : vector<32xbf16>
        %add3A_591 = arith.addf %add3A_583, %mul3A_590 : vector<32xbf16>
        %unpack3A_592 = tpu.unpack_subelements %add3A_591, 0 {pack_format = #tpu.pack_format<interleaved>} : vector<32xbf16> -> vector<16xf32>
        %unpack3A_593 = tpu.unpack_subelements %add3A_591, 1 {pack_format = #tpu.pack_format<interleaved>} : vector<32xbf16> -> vector<16xf32>
        %add3A_594 = arith.addf %unpack3A_592, %unpack3A_593 : vector<16xf32>
        %reduce_sum3A_595 = arith.constant true
        %reduce_sum3A_596 = vector.broadcast %reduce_sum3A_595 : i1 to vector<16xi1>
        %reduce_sum3A_597 = tpu.scan <sum>, %add3A_594 masked %reduce_sum3A_596 : vector<16xf32>, vector<16xi1> -> vector<16xf32>
        %reduce_sum3A_598 = vector.extract %reduce_sum3A_597[15] : f32 from vector<16xf32>
        %add3A_599 = vector.broadcast %scan3A_528 : i32 to vector<16xi32>
        %add3A_600 = arith.addi %broadcast_in_dim3A_292, %add3A_599 : vector<16xi32>
        %broadcast_in_dim3A_601 = vector.broadcast %reduce_sum3A_598 : f32 to vector<16xf32>
        tpu.vector_store_idx %arg13[%add3A_600], %broadcast_in_dim3A_601 masked %eq3A_2 : memref<14336xf32, #tpu.memory_space<vmem>>[vector<16xi32>], vector<16xf32>, vector<16xi1>
        %scan3A_602 = arith.constant 0 : i32
        scf.yield %scan3A_602 : i32
      }
      %scan3A_299 = arith.constant 112 : i32
      %scan3A_300 = arith.constant 0 : i32
      scf.yield %scan3A_300 : i32
    }
    %scan3A_135 = arith.constant 64 : i32
    %mul3A_136 = arith.constant 224 : i32
    %mul3A_137 = arith.muli %add3A_75, %mul3A_136 : i32
    "tpu.region"() ({
      %run_scoped3A = tpu.sem_alloc : memref<!tpu.dma_semaphore, #tpu.memory_space<semaphore_mem>>
      %dma_start3A_138 = tpu.memref_slice %arg6[%mul3A_137] : memref<917504xf32, #tpu.memory_space<hbm>> -> memref<14336xf32, #tpu.memory_space<hbm>>
      %dma_start3A_139 = tpu.memref_slice %arg6[%mul3A_137] : memref<917504xf32, #tpu.memory_space<hbm>> -> memref<14336xf32, #tpu.memory_space<hbm>>
      tpu.enqueue_dma source(%arg13 : memref<14336xf32, #tpu.memory_space<vmem>>) target(%dma_start3A_139 : memref<14336xf32, #tpu.memory_space<hbm>>) target_semaphore(%run_scoped3A : memref<!tpu.dma_semaphore, #tpu.memory_space<semaphore_mem>>)
      %dma_wait3A_140 = tpu.memref_slice %arg6[%mul3A_137] : memref<917504xf32, #tpu.memory_space<hbm>> -> memref<14336xf32, #tpu.memory_space<hbm>>
      %dma_wait3A_141 = tpu.memref_slice %arg6[%mul3A_137] : memref<917504xf32, #tpu.memory_space<hbm>> -> memref<14336xf32, #tpu.memory_space<hbm>>
      tpu.wait_dma2 semaphore(%run_scoped3A : memref<!tpu.dma_semaphore, #tpu.memory_space<semaphore_mem>>) src(%arg13 : memref<14336xf32, #tpu.memory_space<vmem>>) dst(%dma_wait3A_141 : memref<14336xf32, #tpu.memory_space<hbm>>)
      tpu.yield
    }) : () -> ()
    return
  }
}

module attributes {stable_mosaic.version = 14 : i64} {
  func.func @_loss_body(%arg0: i32, %arg1: memref<896x128xf32, #tpu.memory_space<vmem>>, %arg2: memref<1x1xf32, #tpu.memory_space<vmem>>) attributes {dimension_semantics = [#tpu.dimension_semantics<arbitrary>], iteration_bounds = array<i64: 8>, scalar_prefetch = 0 : i64, scratch_operands = 0 : i64, tpu.core_type = #tpu.core_type<tc>, window_params = [{transform_indices = @transform_0, window_bounds = array<i64: 896, 128>}, {pipeline_mode = #tpu.pipeline_mode<synchronous>, transform_indices = @transform_1, window_bounds = array<i64: 1, 1>}]} {
    %eq3A = arith.constant 0 : i32
    %eq3A_0 = arith.cmpi eq, %arg0, %eq3A : i32
    %convert_element_type3A = arith.extui %eq3A_0 : i1 to i32
    %cond3A = arith.constant 0 : i32
    %cond3A_1 = arith.cmpi ne, %convert_element_type3A, %cond3A : i32
    scf.if %cond3A_1 {
      %broadcast_in_dim3A_71 = arith.constant 0.000000e+00 : f32
      %broadcast_in_dim3A_72 = vector.broadcast %broadcast_in_dim3A_71 : f32 to vector<1x1xf32>
      %swap3A_73 = arith.constant 0 : index
      %swap3A_74 = arith.constant 0 : index
      %swap3A_75 = vector.load %arg2[%swap3A_73, %swap3A_74] : memref<1x1xf32, #tpu.memory_space<vmem>>, vector<1x1xf32>
      tpu.vector_store %arg2[%swap3A_73, %swap3A_74], %broadcast_in_dim3A_72 {strides = array<i32>} : memref<1x1xf32, #tpu.memory_space<vmem>>, vector<1x1xf32>,
    } else {
    }
    %get3A = arith.constant 0 : index
    %get3A_2 = arith.constant 0 : index
    %get3A_3 = vector.load %arg1[%get3A, %get3A_2] : memref<896x128xf32, #tpu.memory_space<vmem>>, vector<896x128xf32>
    %mul3A = arith.constant 896 : i32
    %mul3A_4 = arith.muli %arg0, %mul3A : i32
    %mul3A_5 = arith.constant 128 : i32
    %mul3A_6 = arith.muli %mul3A_4, %mul3A_5 : i32
    %iota3A = tpu.iota {dimensions = array<i32: 0>} : vector<896x128xi32>
    %mul3A_7 = arith.constant 128 : i32
    %mul3A_8 = vector.broadcast %mul3A_7 : i32 to vector<896x128xi32>
    %mul3A_9 = arith.muli %iota3A, %mul3A_8 : vector<896x128xi32>
    %add3A = vector.broadcast %mul3A_6 : i32 to vector<896x128xi32>
    %add3A_10 = arith.addi %add3A, %mul3A_9 : vector<896x128xi32>
    %iota3A_11 = tpu.iota {dimensions = array<i32: 1>} : vector<896x128xi32>
    %add3A_12 = arith.addi %add3A_10, %iota3A_11 : vector<896x128xi32>
    %jit3A = arith.constant 224 : i32
    %eq3A_13 = arith.constant 0 : i32
    %eq3A_14 = arith.cmpi eq, %jit3A, %eq3A_13 : i32
    %jit3A_15 = arith.constant 1 : i32
    %select_n3A = arith.select %eq3A_14, %jit3A_15, %jit3A : i32
    %rem3A = vector.broadcast %select_n3A : i32 to vector<896x128xi32>
    %rem3A_16 = arith.remsi %add3A_12, %rem3A : vector<896x128xi32>
    %ne3A = arith.constant 0 : i32
    %ne3A_17 = vector.broadcast %ne3A : i32 to vector<896x128xi32>
    %ne3A_18 = arith.cmpi ne, %rem3A_16, %ne3A_17 : vector<896x128xi32>
    %lt3A = arith.constant 0 : i32
    %lt3A_19 = vector.broadcast %lt3A : i32 to vector<896x128xi32>
    %lt3A_20 = arith.cmpi slt, %rem3A_16, %lt3A_19 : vector<896x128xi32>
    %lt3A_21 = arith.constant 0 : i32
    %lt3A_22 = arith.cmpi slt, %select_n3A, %lt3A_21 : i32
    %ne3A_23 = vector.broadcast %lt3A_22 : i1 to vector<896x128xi1>
    %ne3A_24 = vector.broadcast %ne3A_23 : vector<896x128xi1> to vector<896x128xi1>
    %ne3A_25 = arith.xori %lt3A_20, %ne3A_24 : vector<896x128xi1>
    %and3A = arith.andi %ne3A_25, %ne3A_18 : vector<896x128xi1>
    %add3A_26 = vector.broadcast %select_n3A : i32 to vector<896x128xi32>
    %add3A_27 = arith.addi %rem3A_16, %add3A_26 : vector<896x128xi32>
    %select_n3A_28 = arith.select %and3A, %add3A_27, %rem3A_16 : vector<896x128xi1>, vector<896x128xi32>
    %lt3A_29 = arith.constant 20 : i32
    %lt3A_30 = vector.broadcast %lt3A_29 : i32 to vector<896x128xi32>
    %lt3A_31 = arith.cmpi slt, %select_n3A_28, %lt3A_30 : vector<896x128xi32>
    %neg3A = arith.constant 0.000000e+00 : f32
    %neg3A_32 = vector.broadcast %neg3A : f32 to vector<896x128xf32>
    %neg3A_33 = arith.subf %neg3A_32, %get3A_3 : vector<896x128xf32>
    %select_n3A_34 = arith.select %lt3A_31, %get3A_3, %neg3A_33 : vector<896x128xi1>, vector<896x128xf32>
    %lt3A_35 = arith.constant 220 : i32
    %lt3A_36 = vector.broadcast %lt3A_35 : i32 to vector<896x128xi32>
    %lt3A_37 = arith.cmpi slt, %select_n3A_28, %lt3A_36 : vector<896x128xi32>
    %neg3A_38 = arith.constant 0.000000e+00 : f32
    %neg3A_39 = vector.broadcast %neg3A_38 : f32 to vector<896x128xf32>
    %neg3A_40 = arith.subf %neg3A_39, %select_n3A_34 : vector<896x128xf32>
    %custom_jvp_call3A = arith.constant 0.000000e+00 : f32
    %max3A = vector.broadcast %custom_jvp_call3A : f32 to vector<896x128xf32>
    %max3A_41 = arith.maximumf %neg3A_40, %max3A : vector<896x128xf32>
    %sub3A = vector.broadcast %custom_jvp_call3A : f32 to vector<896x128xf32>
    %sub3A_42 = arith.subf %neg3A_40, %sub3A : vector<896x128xf32>
    %ne3A_43 = arith.cmpf one, %sub3A_42, %sub3A_42 : vector<896x128xf32>
    %add3A_44 = vector.broadcast %custom_jvp_call3A : f32 to vector<896x128xf32>
    %add3A_45 = arith.addf %neg3A_40, %add3A_44 : vector<896x128xf32>
    %abs3A = math.absf %sub3A_42 : vector<896x128xf32>
    %neg3A_46 = arith.constant 0.000000e+00 : f32
    %neg3A_47 = vector.broadcast %neg3A_46 : f32 to vector<896x128xf32>
    %neg3A_48 = arith.subf %neg3A_47, %abs3A : vector<896x128xf32>
    %exp3A = math.exp %neg3A_48 : vector<896x128xf32>
    %log1p3A = math.log1p %exp3A : vector<896x128xf32>
    %add3A_49 = arith.addf %max3A_41, %log1p3A : vector<896x128xf32>
    %select_n3A_50 = arith.select %ne3A_43, %add3A_45, %add3A_49 : vector<896x128xi1>, vector<896x128xf32>
    %neg3A_51 = arith.constant 0.000000e+00 : f32
    %neg3A_52 = vector.broadcast %neg3A_51 : f32 to vector<896x128xf32>
    %neg3A_53 = arith.subf %neg3A_52, %select_n3A_50 : vector<896x128xf32>
    %jit3A_54 = arith.constant 0.000000e+00 : f32
    %broadcast_in_dim3A = vector.broadcast %jit3A_54 : f32 to vector<896x128xf32>
    %select_n3A_55 = arith.select %lt3A_37, %neg3A_53, %broadcast_in_dim3A : vector<896x128xi1>, vector<896x128xf32>
    %get3A_56 = arith.constant 0 : index
    %get3A_57 = arith.constant 0 : index
    %get3A_58 = vector.load %arg2[%get3A_56, %get3A_57] : memref<1x1xf32, #tpu.memory_space<vmem>>, vector<1x1xf32>
    %reduce_sum3A = vector.shape_cast %select_n3A_55 : vector<896x128xf32> to vector<1x896x128xf32>
    %reduce_sum3A_59 = arith.constant dense<0.000000e+00> : vector<1xf32>
    %reduce_sum3A_60 = vector.multi_reduction <add>, %reduce_sum3A, %reduce_sum3A_59 [1, 2] : vector<1x896x128xf32> to vector<1xf32>
    %reduce_sum3A_61 = vector.shape_cast %reduce_sum3A_60 : vector<1xf32> to vector<1x1x1xf32>
    %reduce_sum3A_62 = vector.extract %reduce_sum3A_61[0, 0, 0] : f32 from vector<1x1x1xf32>
    %reshape3A = vector.broadcast %reduce_sum3A_62 : f32 to vector<1x1xf32>
    %add3A_63 = arith.addf %get3A_58, %reshape3A : vector<1x1xf32>
    %swap3A = arith.constant 0 : index
    %swap3A_64 = arith.constant 0 : index
    %swap3A_65 = vector.load %arg2[%swap3A, %swap3A_64] : memref<1x1xf32, #tpu.memory_space<vmem>>, vector<1x1xf32>
    tpu.vector_store %arg2[%swap3A, %swap3A_64], %add3A_63 {strides = array<i32>} : memref<1x1xf32, #tpu.memory_space<vmem>>, vector<1x1xf32>,
    %eq3A_66 = arith.constant 7 : i32
    %eq3A_67 = arith.cmpi eq, %arg0, %eq3A_66 : i32
    %convert_element_type3A_68 = arith.extui %eq3A_67 : i1 to i32
    %cond3A_69 = arith.constant 0 : i32
    %cond3A_70 = arith.cmpi ne, %convert_element_type3A_68, %cond3A_69 : i32
    scf.if %cond3A_70 {
      %get3A_71 = arith.constant 0 : index
      %get3A_72 = arith.constant 0 : index
      %get3A_73 = vector.load %arg2[%get3A_71, %get3A_72] : memref<1x1xf32, #tpu.memory_space<vmem>>, vector<1x1xf32>
      %neg3A_74 = arith.constant 0.000000e+00 : f32
      %neg3A_75 = vector.broadcast %neg3A_74 : f32 to vector<1x1xf32>
      %neg3A_76 = arith.subf %neg3A_75, %get3A_73 : vector<1x1xf32>
      %div3A = arith.constant 4.096000e+03 : f32
      %div3A_77 = vector.broadcast %div3A : f32 to vector<1x1xf32>
      %div3A_78 = arith.divf %neg3A_76, %div3A_77 : vector<1x1xf32>
      %swap3A_79 = arith.constant 0 : index
      %swap3A_80 = arith.constant 0 : index
      %swap3A_81 = vector.load %arg2[%swap3A_79, %swap3A_80] : memref<1x1xf32, #tpu.memory_space<vmem>>, vector<1x1xf32>
      tpu.vector_store %arg2[%swap3A_79, %swap3A_80], %div3A_78 {strides = array<i32>} : memref<1x1xf32, #tpu.memory_space<vmem>>, vector<1x1xf32>,
    } else {
    }
    return
  }
  func.func @transform_0(%arg0: i32) -> (i32, i32) {
    %c0_i32 = arith.constant 0 : i32
    %c0_i32_0 = arith.constant 0 : i32
    return %arg0, %c0_i32 : i32, i32
  }
  func.func @transform_1(%arg0: i32) -> (i32, i32) {
    %c0_i32 = arith.constant 0 : i32
    %c0_i32_0 = arith.constant 0 : i32
    %c0_i32_1 = arith.constant 0 : i32
    return %c0_i32, %c0_i32_0 : i32, i32
  }
}

</mosaic_0001>

<sc_bundles>
// kernel: kernel.4.cloned.1.call-start
scs
__scs_entry_jumppad:
0x0: {  	(pc) =	sbr.rel $0x88, $3  }
0x1: {  	(tag) =	ssettag $0x0;
	lr =	simm.s32 $0x1  }
0x2: {  	[smem:$0x3F9C] =	sst lr;
	_ =	strace $0xD0000000  }
0x3: {  	_ = 	snop  }
0x4: {  	_ = 	snop  }
0x5: {  	_ = 	snop  }
0x6: {  	_ = 	snop  }
0x7: {  	_ = 	snop  }
__scs_overlays_trampoline_lowered:
0x8: {  	[smem:$0x3FAB] =	sst s0  }
0x9: {  	[smem:$0x3FAC] =	sst s1  }
0xa: {  	[smem:$0x3FAD] =	sst s2  }
0xb: {  	[smem:$0x3FAE] =	sst s3  }
0xc: {  	[smem:$0x3FAF] =	sst s4  }
0xd: {  	[smem:$0x3FB0] =	sst s5  }
0xe: {  	[smem:$0x3FB1] =	sst s6  }
0xf: {  	[smem:$0x3FB2] =	sst s7  }
0x10: {  	[smem:$0x3FB3] =	sst s8  }
0x11: {  	[smem:$0x3FB4] =	sst s9;
	s0 =	simm.s32 @!p0 $0x0  }
0x12: {  	s1 =	sld [smem:$0x3F9A];
	s0 =	simm.s32 @p0 $0x1  }
0x13: {  	[smem:$0x3FB5] =	sst s0;
	s0 =	simm.s32 @!p1 $0x0  }
0x14: {  	s2 =	sld [smem:$0x3F99];
	s0 =	simm.s32 @p1 $0x1  }
0x15: {  	[smem:$0x3FB6] =	sst s0;
	s0 =	simm.s32 @!p2 $0x0  }
0x16: {  	s3 =	sld [smem:$0x3FDB];
	s0 =	simm.s32 @p2 $0x1  }
0x17: {  	s4 =	simm.s32 $0x1BF5;
	[smem:$0x3FB8] =	sst s0  }
0x18: {  	s0 =	sld [smem:$0x3F9B];
	_ =	swait.ge [sflag:s4], $0x0  }
0x19: {  	s7 =	sld [smem:$0x3F9C]  }
0x1a: {  	s8 =	sadd.s32 $0xFFFFE003, lr  }
0x1b: {  	s9 =	sadd.s32 $0xFFFFFEF7, lr;
	s5 =	simm.s32 $0xFFFFFFFF;
	p2 =	slt.u32 s8, $0xFFFFF086  }
0x1c: {  	p1 =	slt.u32 s9, $0xF7A;
	s5 =	simm.s32 @!p2 $0x0  }
0x1d: {  	s5 =	simm.s32 @p1 $0x1;
	p0 =	seq.s32 s7, s2  }
0x1e: {  	s7 =	smul.u32 @!p0 $0xF7A, s2;
	p2 =	seq.s32 @!p0 s5, $0x0  }
0x1f: {  	s9 =	smul.u32 $0xF7A, s1;
	s8 =	simm.s32 @!p0 $0x1BF5;
	p2 =	por !p2, p0  }
0x20: {  	[sflag:s8] =	ssyncset.s32 @!p0 $0xFFFFF086;
	s6 =	sadd.s32 @!p0 s3, s7;
	s7 =	simm.s32 @!p0 $0x108  }
0x21: {  	s3 =	sadd.s32 s3, s9;
	s6 =	sadd.s32 @!p0 $0x88, s6;
	s7 =	simm.s32 @p2 $0x1082  }
0x22: {  	[simem:s7], [sflag:s8] =	dma.local @!p0 [hbm:s6], $0xF7A  }
0x23: {  	s9 =	sor.u32 $0xD0000000, s2;
	s6 =	simm.s32 $0x108;
	_ =	swait.ge @!p0 [sflag:s8], $0x0  }
0x24: {  	s3 =	sadd.s32 $0x88, s3;
	s6 =	simm.s32 @!p1 $0x1082;
	[sflag:s4] =	ssyncset.s32 $0xFFFFF086  }
0x25: {  	[simem:s6], [sflag:s4] =	dma.local [hbm:s3], $0xF7A  }
0x26: {  	[smem:$0x3F9C] =	sst s1;
	(tag) =	ssettag s2;
	_ =	strace s9  }
0x27: {  	s1 =	sld [smem:$0x3FAC]  }
0x28: {  	s2 =	sld [smem:$0x3FAD]  }
0x29: {  	s4 =	sld [smem:$0x3FAF]  }
0x2a: {  	p0 =	seq.s32 s5, $0x0;
	s5 =	sld [smem:$0x3FB0]  }
0x2b: {  	s6 =	sld [smem:$0x3FB1]  }
0x2c: {  	s7 =	sld [smem:$0x3FB2]  }
0x2d: {  	s3 =	simm.s32 $0x108;
	s8 =	sld [smem:$0x3FB3]  }
0x2e: {  	s3 =	simm.s32 @!p0 $0x1082;
	s9 =	sld [smem:$0x3FB4]  }
0x2f: {  	lr =	sadd.s32 s0, s3;
	s0 =	sld [smem:$0x3FAB]  }
0x30: {  	s3 =	sld [smem:$0x3FAE]  }
0x31: {  	[smem:$0x3FB7] =	sst s10  }
0x32: {  	s10 =	sld [smem:$0x3FB5];
	_ =	sdelay $0x3  }
0x33: {  	p0 =	seq.s32 s10, $0x1;
	s10 =	sld [smem:$0x3FB7];
	_ =	sdelay $0x3  }
0x34: {  	[smem:$0x3FB7] =	sst s10  }
0x35: {  	s10 =	sld [smem:$0x3FB6];
	_ =	sdelay $0x3  }
0x36: {  	p1 =	seq.s32 s10, $0x1;
	s10 =	sld [smem:$0x3FB7];
	_ =	sdelay $0x3  }
0x37: {  	[smem:$0x3FB7] =	sst s10  }
0x38: {  	s10 =	sld [smem:$0x3FB8]  }
0x39: {  	_ = 	snop;
	(pc) =	sbr.ind lr, $3  }
0x3a: {  	_ = 	snop  }
0x3b: {  	_ = 	snop  }
0x3c: {  	p2 =	seq.s32 s10, $0x1;
	s10 =	sld [smem:$0x3FB7]  }
0x3d: {  	_ =	shalt  }
0x3e: {  	_ =	shalt  }
0x3f: {  	_ =	shalt  }
0x40: {  	_ =	shalt  }
0x41: {  	_ =	shalt  }
0x42: {  	_ =	shalt  }
0x43: {  	_ =	shalt  }
0x44: {  	_ =	shalt  }
0x45: {  	_ =	shalt  }
0x46: {  	_ =	shalt  }
0x47: {  	_ =	shalt  }
0x48: {  	_ =	shalt  }
0x49: {  	_ =	shalt  }
0x4a: {  	_ =	shalt  }
0x4b: {  	_ =	shalt  }
0x4c: {  	_ =	shalt  }
0x4d: {  	_ =	shalt  }
0x4e: {  	_ =	shalt  }
0x4f: {  	_ =	shalt  }
0x50: {  	_ =	shalt  }
0x51: {  	_ =	shalt  }
0x52: {  	_ =	shalt  }
0x53: {  	_ =	shalt  }
0x54: {  	_ =	shalt  }
0x55: {  	_ =	shalt  }
0x56: {  	_ =	shalt  }
0x57: {  	_ =	shalt  }
0x58: {  	_ =	shalt  }
0x59: {  	_ =	shalt  }
0x5a: {  	_ =	shalt  }
0x5b: {  	_ =	shalt  }
0x5c: {  	_ =	shalt  }
0x5d: {  	_ =	shalt  }
0x5e: {  	_ =	shalt  }
0x5f: {  	_ =	shalt  }
0x60: {  	_ =	shalt  }
0x61: {  	_ =	shalt  }
0x62: {  	_ =	shalt  }
0x63: {  	_ =	shalt  }
0x64: {  	_ =	shalt  }
0x65: {  	_ =	shalt  }
0x66: {  	_ =	shalt  }
0x67: {  	_ =	shalt  }
0x68: {  	_ =	shalt  }
0x69: {  	_ =	shalt  }
0x6a: {  	_ =	shalt  }
0x6b: {  	_ =	shalt  }
0x6c: {  	_ =	shalt  }
0x6d: {  	_ =	shalt  }
0x6e: {  	_ =	shalt  }
0x6f: {  	_ =	shalt  }
0x70: {  	_ =	shalt  }
0x71: {  	_ =	shalt  }
0x72: {  	_ =	shalt  }
0x73: {  	_ =	shalt  }
0x74: {  	_ =	shalt  }
0x75: {  	_ =	shalt  }
0x76: {  	_ =	shalt  }
0x77: {  	_ =	shalt  }
0x78: {  	_ =	shalt  }
0x79: {  	_ =	shalt  }
0x7a: {  	_ =	shalt  }
0x7b: {  	_ =	shalt  }
0x7c: {  	_ =	shalt  }
0x7d: {  	_ =	shalt  }
0x7e: {  	_ =	shalt  }
0x7f: {  	_ =	shalt  }
0x80: {  	_ =	shalt  }
0x81: {  	_ =	shalt  }
0x82: {  	_ =	shalt  }
0x83: {  	_ =	shalt  }
0x84: {  	_ =	shalt  }
0x85: {  	_ =	shalt  }
0x86: {  	_ =	shalt  }
0x87: {  	_ =	shalt  }
.Lfunc_end0:
.L_simem_size_0:
called_computation_lowered:
.L_overlay_start_0:
0x88: {  	s2 =	sld [smem:$0x3FD9]  }
0x89: {  	s3 =	sld [smem:$0x3FFE];
	_ =	sdelay $0x1  }
0x8a: {  	s1 =	srdreg.scid  }
0x8b: {  	s0 =	sand.u32 $0x1, s1  }
0x8c: {  	s17 =	sshll.u32 s0, $0xA;
	s2 =	sadd.s32 s3, s2  }
0x8d: {  	s2 =	sadd.s32 s2, s17  }
0x8e: {  	[smem:$0x3FC3] =	sst s2  }
0x8f: {  	_ = 	snop  }
0x90: {  	s2 =	sld [smem:$0x3FC9];
	(tm) =	ssettm $0x1  }
0x91: {  	s18 =	sld [smem:$0x3FFB];
	_ =	sdelay $0x3  }
0x92: {  	_ =	strace s18  }
0x93: {  	s3 =	sld [smem:$0x3FFC];
	_ =	sdelay $0x3  }
0x94: {  	_ =	strace s3  }
0x95: {  	s3 =	sld [smem:$0x3FFD];
	_ =	sdelay $0x3  }
0x96: {  	_ =	strace s3  }
0x97: {  	_ =	strace $0x8FFFFFFF  }
0x98: {  	s19 =	sld [smem:$0x3FDB];
	_ =	sdelay $0x1  }
0x99: {  	s4 =	simm.s32 $_scs_section_size  }
0x9a: {  	s5 =	simm.s32 $_size__tile_overlayer_lowered;
	s6 =	simm.s32 $_tile_overlayer_lowered  }
0x9b: {  	s22 =	simm.s32 $0x1BFF;
	s21 =	sshll.u32 s6, $0x1;
	s3 =	sadd.s32 s4, s19  }
0x9c: {  	s7 =	simm.s32 $0x0;
	s20 =	sshll.u32 s5, $0x1;
	s5 =	sadd.s32 s21, s3  }
0x9d: {  	[timem:s7], [sflag:s22] =	dma.local [hbm:s5], s20  }
0x9e: {  	_ =	swait.ge [sflag:s22], s20  }
0x9f: {  	s4 =	ssub.s32 $0x0, s20;
	[sflag:s22] =	ssyncset.done $0x0  }
0xa0: {  	[sflag:s22] =	ssyncadd.s32 s4;
	_ =	sdelay $0x1  }
0xa1: {  	s23 =	simm.s32 $0x1B8B  }
0xa2: {  	_ =	swait.ge [sflag:s23], $0x1  }
0xa3: {  	[sflag:s23] =	ssyncset.done $0x0  }
0xa4: {  	s25 =	simm.s32 $0x1B8E;
	s24 =	sld [smem:$0x3FFE];
	[sflag:s23] =	ssyncadd.s32 $0xFFFFFFFF  }
0xa5: {  	s26 =	simm.s32 $execute0_lowered;
	[smem:$0x3FD2] =	sst s25  }
0xa6: {  	s5 =	sshll.u32 s26, $0x1;
	_ =	strace $0x80000046;
	[dreg:$0x1] =	wrdreg $0xFFFFFFFF  }
0xa7: {  	s28 =	simm.s32 $_size_execute0_lowered;
	s3 =	sadd.s32 s3, s5;
	[dreg:$0x0] =	wrdreg $0x0  }
0xa8: {  	s5 =	sshll.u32 s28, $0x1;
	[dreg:$0x2] =	wrdreg s3  }
0xa9: {  	[dreg:$0x3] =	wrdreg s5  }
0xaa: {  	[dreg:$0x4] =	wrdreg $0xC0  }
0xab: {  	_ =	task [dreg:s7], $0x5FFFF  }
0xac: {  	[dreg:$0x1] =	wrdreg $0xFFFFFFFF  }
0xad: {  	[dreg:$0x0] =	wrdreg $0x60  }
0xae: {  	[dreg:$0x2] =	wrdreg s24  }
0xaf: {  	[dreg:$0x3] =	wrdreg s2  }
0xb0: {  	[dreg:$0x4] =	wrdreg $0x9  }
0xb1: {  	_ =	task.clear_ibuf [dreg:s7], $0x5FFFF;
	_ =	strace $0x90000046  }
0xb2: {  	s29 =	simm.s32 $0x9;
	_ =	strace $0x80000048  }
0xb3: {  	_ =	swait.ge [sflag:s29], $0x1  }
0xb4: {  	[sflag:s29] =	ssyncadd.s32 $0xFFFFFFFF  }
0xb5: {  	_ =	strace $0x90000048  }
0xb6: {  	_ =	sfence  }
0xb7: {  	s30 =	sld [smem:$0x0];
	_ =	sdelay $0x2  }
0xb8: {  	s31 =	sshll.u32 s1, $0xD;
	s1 =	sshrl.u32 s1, $0x2  }
0xb9: {  	s3 =	sand.u32 $0x4000, s31;
	s1 =	sadd.s32 s1, s30  }
0xba: {  	s0 =	sor.u32 s3, s0;
	s1 =	sshll.u32 s1, $0x11  }
0xbb: {  	s0 =	sor.u32 s1, s0  }
0xbc: {  	s0 =	sadd.s32 $0x8F2B, s0  }
0xbd: {  	[sflag:s0] =	ssyncadd.remote.s32 $0x1  }
0xbe: {  	_ =	sfence.sel $0xFFFF  }
0xbf: {  	[dreg:$0x0] =	wrdreg $0xFFFFFFFF;
	(pc) =	sbr.abs _section_cstart, $3  }
0xc0: {  	[dreg:$0x1] =	wrdreg $0xFFFFFFFF  }
0xc1: {  	_ =	task.clear_ibuf [dreg:s7], $0x2FFFF;
	_ =	strace $0x9FFFFFFF  }
0xc2: {  	(tm) =	ssettm $0x7FFFFFFF  }
0xc3: {  	_ =	shalt  }
tec
execute0_lowered:
.L_overlay_start_1:
0x0: {  	(tag) =	ssettag $0x1  }
0x1: {  	s5 =	rddreg [dreg:$0x0]  }
0x2: {  	s6 =	rddreg [dreg:$0x1];
	s1 =	simm.s32 $0x0;
	s4 =	srdreg.scid  }
0x3: {  	s0 =	stileid.u32;
	s14 =	simm.s32 $0x4080;
	s15 =	simm.s32 $0x70  }
0x4: {  	s16 =	simm.s32 $0x8080;
	s17 =	simm.s32 $0x8180;
	s18 =	simm.s32 $0x8100  }
0x5: {  	s19 =	simm.s32 $0xB980;
	s20 =	simm.s32 $0x1;
	s21 =	simm.s32 $0xF180  }
0x6: {  	s22 =	simm.s32 $0x2;
	s23 =	simm.s32 $0x0;
	[smem:$0x7FF] =	sst s1  }
0x7: {  	s8 =	sadd.s32 $0x1000, s5;
	s3 =	sadd.s32 $0x558400, s5;
	s7 =	sand.u32 $0x1, s4  }
0x8: {  	s4 =	sadd.s32 $0x3D1A00, s5;
	s10 =	sshll.u32 s0, $0x1;
	s11 =	sadd.s32 $0x21000, s5  }
0x9: {  	_ =	strace $0x80000047;
	s9 =	ssub.s32 $0x2, s7;
	s7 =	sor.u32 s7, s10  }
0xa: {  	s26 =	sshrl.u32 s9, $0x1;
	s29 =	sshll.u32 s7, $0x7;
	s30 =	sshll.u32 s7, $0x4  }
0xb: {  	s12 =	smul.u32 $0xE00, s7;
	s7 =	sshll.u32 s7, $0xC;
	s28 =	ssub.s32 s9, s26  }
0xc: {  	s5 =	sadd.s32 s6, s30;
	s31 =	sor.u32 $0x40, s29;
	s6 =	sadd.s32 s8, s7  }
0xd: {  	s9 =	sshll.u32 s31, $0x5;
	s13 =	smul.u32 $0x1C, s31;
	s7 =	sadd.s32 s11, s12  }
0xe: {  	s10 =	smax.u32 s28, $0x1;
	s12 =	simm.s32 $0x80;
	s8 =	sadd.s32 s8, s9  }
0xf: {  	s9 =	sadd.s32 s11, s13;
	s11 =	simm.s32 $0x4;
	s13 =	simm.s32 $0x3  }
.LBB2_1:
0x10: {  	[tilespmem:s1], [sflag:$0x4] =	stream.linear.gather [hbm4b:s5+s1], $0x80, $0x38;
	[tilespmem:$0x12980] =	vst v63  }
0x11: {  	_ =	swait.ge [sflag:s11], $0x80  }
0x12: {  	[sflag:s11] =	ssyncset.done $0x0  }
0x13: {  	[sflag:s11] =	ssyncadd.s32 $0xFFFFFF80  }
0x14: {  	[tilespmem:s12], [sflag:$0x3] =	stream.indirect.gather [hbm4b:s3+s12], $0x80, s1, s12, $0xb8;
	[tilespmem:$0x12980] =	vst v63  }
0x15: {  	_ =	swait.ge [sflag:s13], $0x4000  }
0x16: {  	[sflag:s13] =	ssyncset.done $0x0  }
0x17: {  	[sflag:s13] =	ssyncadd.s32 $0xFFFFC000  }
0x18: {  	[tilespmem:s14], [sflag:$0x4] =	stream.linear.gather [hbm4b:s6+s1], $0x4000, $0x38;
	[tilespmem:$0x12980] =	vst v63  }
0x19: {  	_ =	swait.ge [sflag:s11], $0x4000  }
0x1a: {  	[sflag:s11] =	ssyncset.done $0x0  }
0x1b: {  	[sflag:s11] =	ssyncadd.s32 $0xFFFFC000  }
0x1c: {  	v0 =	vld [tilespmem:$0x4080]  }
0x1d: {  	v1 =	vld [tilespmem:$0x4090]  }
0x1e: {  	v2 =	vld [tilespmem:$0x40A0]  }
0x1f: {  	v3 =	vld [tilespmem:$0x40B0]  }
0x20: {  	v4 =	vld [tilespmem:$0x40C0]  }
0x21: {  	v62 =	vld [tilespmem:$0x40D0];
	[tilespmem:$0x8080] =	vst v0  }
0x22: {  	v63 =	vld [tilespmem:$0x40E0];
	[tilespmem:$0x8090] =	vst v1  }
0x23: {  	[tilespmem:$0x80A0] =	vst v2  }
0x24: {  	[tilespmem:$0x80B0] =	vst v3  }
0x25: {  	[tilespmem:$0x80C0] =	vst v4  }
0x26: {  	[tilespmem:$0x80D0] =	vst v62  }
0x27: {  	s24 =	simm.s32 $0x0;
	[tilespmem:$0x80E0] =	vst v63  }
0x28: {  	[tilespmem:s17], [sflag:$0x1] =	stream.indirect.gather [hbm4b:s4+s15], $0x80, s16, s15, $0xb8;
	[tilespmem:$0x12980] =	vst v63  }
.LBB2_2:
0x29: {  	s26 =	sshll.u32 s24, $0x8;
	s25 =	sshll.u32 s24, $0x7  }
0x2a: {  	s26 =	sand.u32 $0x3800, s26;
	s28 =	sand.u32 $0x380, s25  }
0x2b: {  	s26 =	sor.u32 s28, s26  }
0x2c: {  	v0 =	vld [tilespmem:s26+$0x40F0];
	_ =	sdelay $0x4  }
0x2d: {  	[tilespmem:$0x8100] =	vst v0  }
0x2e: {  	v0 =	vld [tilespmem:s26+$0x4480];
	_ =	sdelay $0x4  }
0x2f: {  	[tilespmem:$0x8110] =	vst v0  }
0x30: {  	v0 =	vld [tilespmem:s26+$0x4490];
	_ =	sdelay $0x4  }
0x31: {  	[tilespmem:$0x8120] =	vst v0  }
0x32: {  	v0 =	vld [tilespmem:s26+$0x44A0];
	_ =	sdelay $0x4  }
0x33: {  	[tilespmem:$0x8130] =	vst v0  }
0x34: {  	v0 =	vld [tilespmem:s26+$0x44B0];
	_ =	sdelay $0x4  }
0x35: {  	[tilespmem:$0x8140] =	vst v0  }
0x36: {  	v0 =	vld [tilespmem:s26+$0x44C0];
	_ =	sdelay $0x4  }
0x37: {  	[tilespmem:$0x8150] =	vst v0  }
0x38: {  	v0 =	vld [tilespmem:s26+$0x44D0];
	_ =	sdelay $0x4  }
0x39: {  	[tilespmem:$0x8160] =	vst v0  }
0x3a: {  	[tilespmem:s19], [sflag:$0x2] =	stream.indirect.gather [hbm4b:s4+s15], $0x80, s18, s15, $0xb8;
	[tilespmem:$0x12980] =	vst v63  }
0x3b: {  	_ =	swait.ge [sflag:s20], $0x3800  }
0x3c: {  	[sflag:s20] =	ssyncset.done $0x0  }
0x3d: {  	[sflag:s20] =	ssyncadd.s32 $0xFFFFC800  }
0x3e: {  	v0 =	vld [tilespmem:s25+$0x80]  }
0x3f: {  	s28 =	simm.s32 $0x8280;
	v1 =	vld [tilespmem:s25+$0x90]  }
0x40: {  	v5 =	vld [tilespmem:s28+$0xFFFFFF10]  }
0x41: {  	v6 =	vld [tilespmem:s28+$0xFFFFFF00]  }
0x42: {  	v2 =	vld [tilespmem:s25+$0xA0]  }
0x43: {  	v7 =	vld [tilespmem:s28+$0xFFFFFF20]  }
0x44: {  	v3 =	vld [tilespmem:s25+$0xB0]  }
0x45: {  	v8 =	vld [tilespmem:s28+$0xFFFFFF30]  }
0x46: {  	v4 =	vld [tilespmem:s25+$0xC0];
	v6 =	vmul.bf16 v6, v0;
	v9 =	vmul.bf16 v5, v1  }
0x47: {  	v10 =	vld [tilespmem:s28+$0xFFFFFF40]  }
0x48: {  	v11 =	vld [tilespmem:s28+$0xFFFFFF50];
	v7 =	vmul.bf16 v7, v2;
	v9 =	vadd.bf16 v9, v6  }
0x49: {  	v5 =	vld [tilespmem:s25+$0xD0]  }
0x4a: {  	v12 =	vld [tilespmem:s28+$0xFFFFFF60];
	v8 =	vmul.bf16 v8, v3;
	v9 =	vadd.bf16 v7, v9  }
0x4b: {  	v6 =	vld [tilespmem:s25+$0xE0]  }
0x4c: {  	v7 =	vld [tilespmem:s25+$0xF0];
	v8 =	vadd.bf16 v8, v9;
	v9 =	vmul.bf16 v10, v4  }
0x4d: {  	v10 =	vld [tilespmem:s28+$0xFFFFFF70]  }
0x4e: {  	v8 =	vadd.bf16 v9, v8;
	v9 =	vmul.bf16 v11, v5;
	_ =	sdelay $0x1  }
0x4f: {  	v8 =	vadd.bf16 v9, v8;
	v9 =	vmul.bf16 v12, v6;
	_ =	sdelay $0x1  }
0x50: {  	v8 =	vadd.bf16 v9, v8;
	v9 =	vmul.bf16 v10, v7;
	_ =	sdelay $0x1  }
0x51: {  	v8 =	vadd.bf16 v9, v8;
	_ =	sdelay $0x1  }
0x52: {  	v9 =	vunpack.i.u.bf16.f32 v8;
	v8 =	vunpack.i.l.bf16.f32 v8  }
0x53: {  	v8 =	vadd.f32 v8, v9;
	_ =	sdelay $0x1  }
0x54: {  	(xrf2) =	vadd.scan.msk.f32 $0xffff, v8;
	_ =	sdelay $0x1  }
0x55: {  	s26 =	smul.u32 $0xE0, s24;
	_ =	sdelay $0x1  }
0x56: {  	s29 =	sadd.s32 $0x0, s26  }
0x57: {  	v8 =	vmov s29  }
0x58: {  	v8 =	vand.u32 $0xFFFFFFFC, v8  }
0x59: {  	v8 =	vbroadcast v8, $0x0;
	_ =	sdelay $0x2  }
0x5a: {  	v9, _, _ =	vpop (xrf2)  }
0x5b: {  	v9 =	vbroadcast v9, $0xF;
	_ =	sdelay $0x1  }
0x5c: {  	[tilespmem:v8+s21+$0x0] =	vst.idx.msk $0x1, v9  }
0x5d: {  	v8 =	vld [tilespmem:s28+$0xFFFFFF80]  }
0x5e: {  	v9 =	vld [tilespmem:s28+$0xFFFFFF90];
	_ =	sdelay $0x1  }
0x5f: {  	v10 =	vld [tilespmem:s28+$0xFFFFFFA0];
	_ =	sdelay $0x1  }
0x60: {  	v11 =	vld [tilespmem:s28+$0xFFFFFFB0]  }
0x61: {  	v8 =	vmul.bf16 v8, v0;
	v9 =	vmul.bf16 v9, v1  }
0x62: {  	v59 =	vld [tilespmem:s28+$0xFFFFFFC0]  }
0x63: {  	v8 =	vadd.bf16 v9, v8;
	v9 =	vmul.bf16 v10, v2  }
0x64: {  	v10 =	vld [tilespmem:s28+$0xFFFFFFD0]  }
0x65: {  	v8 =	vadd.bf16 v9, v8;
	v9 =	vmul.bf16 v11, v3  }
0x66: {  	v11 =	vld [tilespmem:s28+$0xFFFFFFE0]  }
0x67: {  	v8 =	vadd.bf16 v9, v8;
	v9 =	vmul.bf16 v59, v4  }
0x68: {  	v60 =	vld [tilespmem:s28+$0xFFFFFFF0]  }
0x69: {  	v8 =	vadd.bf16 v9, v8;
	v9 =	vmul.bf16 v10, v5;
	_ =	sdelay $0x1  }
0x6a: {  	v8 =	vadd.bf16 v9, v8;
	v9 =	vmul.bf16 v11, v6;
	_ =	sdelay $0x1  }
0x6b: {  	v8 =	vadd.bf16 v9, v8;
	v9 =	vmul.bf16 v60, v7;
	_ =	sdelay $0x1  }
0x6c: {  	v8 =	vadd.bf16 v9, v8;
	_ =	sdelay $0x1  }
0x6d: {  	v9 =	vunpack.i.u.bf16.f32 v8;
	v8 =	vunpack.i.l.bf16.f32 v8  }
0x6e: {  	v8 =	vadd.f32 v8, v9;
	_ =	sdelay $0x1  }
0x6f: {  	(xrf2) =	vadd.scan.msk.f32 $0xffff, v8;
	_ =	sdelay $0x3  }
0x70: {  	s30 =	sadd.s32 $0x1, s29  }
0x71: {  	v8 =	vmov s30  }
0x72: {  	v8 =	vand.u32 $0xFFFFFFFD, v8  }
0x73: {  	v8 =	vbroadcast v8, $0x0;
	_ =	sdelay $0x2  }
0x74: {  	v9, _, _ =	vpop (xrf2)  }
0x75: {  	v9 =	vbroadcast v9, $0xF;
	_ =	sdelay $0x1  }
0x76: {  	[tilespmem:v8+s21+$0x0] =	vst.idx.msk $0x1, v9  }
0x77: {  	v8 =	vld [tilespmem:s28+$0x0]  }
0x78: {  	v9 =	vld [tilespmem:s28+$0x10];
	_ =	sdelay $0x1  }
0x79: {  	v10 =	vld [tilespmem:s28+$0x20];
	_ =	sdelay $0x1  }
0x7a: {  	v11 =	vld [tilespmem:s28+$0x30]  }
0x7b: {  	v8 =	vmul.bf16 v8, v0;
	v9 =	vmul.bf16 v9, v1  }
0x7c: {  	v61 =	vld [tilespmem:s28+$0x40]  }
0x7d: {  	v8 =	vadd.bf16 v9, v8;
	v9 =	vmul.bf16 v10, v2  }
0x7e: {  	v10 =	vld [tilespmem:s28+$0x50]  }
0x7f: {  	v8 =	vadd.bf16 v9, v8;
	v9 =	vmul.bf16 v11, v3  }
0x80: {  	v11 =	vld [tilespmem:s28+$0x60]  }
0x81: {  	v8 =	vadd.bf16 v9, v8;
	v9 =	vmul.bf16 v61, v4  }
0x82: {  	v62 =	vld [tilespmem:s28+$0x70]  }
0x83: {  	v8 =	vadd.bf16 v9, v8;
	v9 =	vmul.bf16 v10, v5;
	_ =	sdelay $0x1  }
0x84: {  	v8 =	vadd.bf16 v9, v8;
	v9 =	vmul.bf16 v11, v6;
	_ =	sdelay $0x1  }
0x85: {  	v8 =	vadd.bf16 v9, v8;
	v9 =	vmul.bf16 v62, v7;
	_ =	sdelay $0x1  }
0x86: {  	v8 =	vadd.bf16 v9, v8;
	_ =	sdelay $0x1  }
0x87: {  	v9 =	vunpack.i.u.bf16.f32 v8;
	v8 =	vunpack.i.l.bf16.f32 v8  }
0x88: {  	v8 =	vadd.f32 v8, v9;
	_ =	sdelay $0x1  }
0x89: {  	(xrf2) =	vadd.scan.msk.f32 $0xffff, v8;
	_ =	sdelay $0x3  }
0x8a: {  	s2 =	sadd.s32 $0x2, s29  }
0x8b: {  	v8 =	vmov s2  }
0x8c: {  	v8 =	vand.u32 $0xFFFFFFFE, v8  }
0x8d: {  	v8 =	vbroadcast v8, $0x0;
	_ =	sdelay $0x2  }
0x8e: {  	v9, _, _ =	vpop (xrf2)  }
0x8f: {  	v9 =	vbroadcast v9, $0xF;
	_ =	sdelay $0x1  }
0x90: {  	[tilespmem:v8+s21+$0x0] =	vst.idx.msk $0x1, v9  }
0x91: {  	v8 =	vld [tilespmem:s28+$0x80]  }
0x92: {  	v9 =	vld [tilespmem:s28+$0x90];
	_ =	sdelay $0x1  }
0x93: {  	v10 =	vld [tilespmem:s28+$0xA0];
	_ =	sdelay $0x1  }
0x94: {  	v11 =	vld [tilespmem:s28+$0xB0]  }
0x95: {  	v8 =	vmul.bf16 v8, v0;
	v9 =	vmul.bf16 v9, v1  }
0x96: {  	v63 =	vld [tilespmem:s28+$0xC0]  }
0x97: {  	v10 =	vmul.bf16 v10, v2;
	v8 =	vadd.bf16 v9, v8  }
0x98: {  	v9 =	vld [tilespmem:s28+$0xD0]  }
0x99: {  	v11 =	vmul.bf16 v11, v3;
	v8 =	vadd.bf16 v10, v8  }
0x9a: {  	v10 =	vld [tilespmem:s28+$0xE0]  }
0x9b: {  	v12 =	vmul.bf16 v63, v4;
	v8 =	vadd.bf16 v11, v8  }
0x9c: {  	v11 =	vld [tilespmem:s28+$0xF0]  }
0x9d: {  	v9 =	vmul.bf16 v9, v5;
	v8 =	vadd.bf16 v12, v8;
	_ =	sdelay $0x1  }
0x9e: {  	v10 =	vmul.bf16 v10, v6;
	v8 =	vadd.bf16 v9, v8;
	_ =	sdelay $0x1  }
0x9f: {  	v9 =	vmul.bf16 v11, v7;
	v8 =	vadd.bf16 v10, v8;
	_ =	sdelay $0x1  }
0xa0: {  	v8 =	vadd.bf16 v9, v8;
	_ =	sdelay $0x1  }
0xa1: {  	v9 =	vunpack.i.u.bf16.f32 v8;
	v8 =	vunpack.i.l.bf16.f32 v8  }
0xa2: {  	v8 =	vadd.f32 v8, v9;
	_ =	sdelay $0x1  }
0xa3: {  	(xrf2) =	vadd.scan.msk.f32 $0xffff, v8;
	_ =	sdelay $0x5  }
0xa4: {  	s31 =	sadd.s32 $0x3, s29  }
0xa5: {  	s29 =	simm.s32 $0x4;
	v8 =	vmov s31  }
.LBB2_3:
0xa6: {  	p0 =	slt.u32 s29, $0x6C  }
0xa7: {  	s28 =	sadd.s32 $0x200, s28;
	s30 =	smov.u32 s29;
	s29 =	sadd.s32 $0x4, s29  }
0xa8: {  	v9, _, _ =	vpop (xrf2)  }
0xa9: {  	v9 =	vbroadcast v9, $0xF;
	_ =	sdelay $0x1  }
0xaa: {  	[tilespmem:v8+s21+$0x0] =	vst.idx.msk $0x1, v9  }
0xab: {  	v8 =	vld [tilespmem:s28+$0xFFFFFF10]  }
0xac: {  	v9 =	vld [tilespmem:s28+$0xFFFFFF00];
	_ =	sdelay $0x1  }
0xad: {  	v10 =	vld [tilespmem:s28+$0xFFFFFF20];
	_ =	sdelay $0x1  }
0xae: {  	v11 =	vld [tilespmem:s28+$0xFFFFFF30]  }
0xaf: {  	v8 =	vmul.bf16 v8, v1;
	v9 =	vmul.bf16 v9, v0  }
0xb0: {  	v12 =	vld [tilespmem:s28+$0xFFFFFF40]  }
0xb1: {  	v8 =	vadd.bf16 v8, v9;
	v9 =	vmul.bf16 v10, v2  }
0xb2: {  	v10 =	vld [tilespmem:s28+$0xFFFFFF50]  }
0xb3: {  	v8 =	vadd.bf16 v9, v8;
	v9 =	vmul.bf16 v11, v3  }
0xb4: {  	v11 =	vld [tilespmem:s28+$0xFFFFFF60]  }
0xb5: {  	v8 =	vadd.bf16 v9, v8;
	v9 =	vmul.bf16 v12, v4  }
0xb6: {  	v12 =	vld [tilespmem:s28+$0xFFFFFF70]  }
0xb7: {  	v8 =	vadd.bf16 v9, v8;
	v9 =	vmul.bf16 v10, v5;
	_ =	sdelay $0x1  }
0xb8: {  	v8 =	vadd.bf16 v9, v8;
	v9 =	vmul.bf16 v11, v6;
	_ =	sdelay $0x1  }
0xb9: {  	v8 =	vadd.bf16 v9, v8;
	v9 =	vmul.bf16 v12, v7;
	_ =	sdelay $0x1  }
0xba: {  	v8 =	vadd.bf16 v9, v8;
	_ =	sdelay $0x1  }
0xbb: {  	v9 =	vunpack.i.u.bf16.f32 v8;
	v8 =	vunpack.i.l.bf16.f32 v8  }
0xbc: {  	v8 =	vadd.f32 v8, v9;
	_ =	sdelay $0x1  }
0xbd: {  	(xrf2) =	vadd.scan.msk.f32 $0xffff, v8;
	_ =	sdelay $0x3  }
0xbe: {  	s30 =	sadd.s32 s26, s30  }
0xbf: {  	s31 =	sadd.s32 $0x1, s30;
	s0 =	sadd.s32 $0x2, s30;
	v8 =	vmov s30;
	s30 =	sadd.s32 $0x3, s30  }
0xc0: {  	v10 =	vmov s0;
	v9 =	vmov s31;
	v8 =	vand.u32 $0xFFFFFFFC, v8  }
0xc1: {  	v9 =	vand.u32 $0xFFFFFFFD, v9;
	v11 =	vbroadcast v8, $0x0;
	v8 =	vand.u32 $0xFFFFFFFE, v10;
	_ =	sdelay $0x2  }
0xc2: {  	v10, _, _ =	vpop (xrf2)  }
0xc3: {  	v10 =	vbroadcast v10, $0xF;
	_ =	sdelay $0x1  }
0xc4: {  	[tilespmem:v11+s21+$0x0] =	vst.idx.msk $0x1, v10  }
0xc5: {  	v10 =	vld [tilespmem:s28+$0xFFFFFF80]  }
0xc6: {  	v11 =	vld [tilespmem:s28+$0xFFFFFF90];
	_ =	sdelay $0x1  }
0xc7: {  	v12 =	vld [tilespmem:s28+$0xFFFFFFA0];
	_ =	sdelay $0x1  }
0xc8: {  	v13 =	vld [tilespmem:s28+$0xFFFFFFB0]  }
0xc9: {  	v10 =	vmul.bf16 v10, v0;
	v11 =	vmul.bf16 v11, v1  }
0xca: {  	v14 =	vld [tilespmem:s28+$0xFFFFFFC0]  }
0xcb: {  	v10 =	vadd.bf16 v11, v10;
	v11 =	vmul.bf16 v12, v2  }
0xcc: {  	v12 =	vld [tilespmem:s28+$0xFFFFFFD0]  }
0xcd: {  	v10 =	vadd.bf16 v11, v10;
	v11 =	vmul.bf16 v13, v3  }
0xce: {  	v13 =	vld [tilespmem:s28+$0xFFFFFFE0]  }
0xcf: {  	v10 =	vadd.bf16 v11, v10;
	v11 =	vmul.bf16 v14, v4  }
0xd0: {  	v14 =	vld [tilespmem:s28+$0xFFFFFFF0]  }
0xd1: {  	v10 =	vadd.bf16 v11, v10;
	v11 =	vmul.bf16 v12, v5;
	_ =	sdelay $0x1  }
0xd2: {  	v10 =	vadd.bf16 v11, v10;
	v11 =	vmul.bf16 v13, v6;
	_ =	sdelay $0x1  }
0xd3: {  	v10 =	vadd.bf16 v11, v10;
	v11 =	vmul.bf16 v14, v7;
	_ =	sdelay $0x1  }
0xd4: {  	v10 =	vadd.bf16 v11, v10;
	_ =	sdelay $0x1  }
0xd5: {  	v11 =	vunpack.i.u.bf16.f32 v10;
	v10 =	vunpack.i.l.bf16.f32 v10  }
0xd6: {  	v10 =	vadd.f32 v10, v11;
	_ =	sdelay $0x1  }
0xd7: {  	(xrf2) =	vadd.scan.msk.f32 $0xffff, v10;
	_ =	sdelay $0x6  }
0xd8: {  	v9 =	vbroadcast v9, $0x0;
	_ =	sdelay $0x2  }
0xd9: {  	v10, _, _ =	vpop (xrf2)  }
0xda: {  	v10 =	vbroadcast v10, $0xF;
	_ =	sdelay $0x1  }
0xdb: {  	[tilespmem:v9+s21+$0x0] =	vst.idx.msk $0x1, v10  }
0xdc: {  	v9 =	vld [tilespmem:s28+$0x0]  }
0xdd: {  	v10 =	vld [tilespmem:s28+$0x10];
	_ =	sdelay $0x1  }
0xde: {  	v11 =	vld [tilespmem:s28+$0x20];
	_ =	sdelay $0x1  }
0xdf: {  	v9 =	vmul.bf16 v9, v0;
	v12 =	vld [tilespmem:s28+$0x30]  }
0xe0: {  	v10 =	vmul.bf16 v10, v1  }
0xe1: {  	v13 =	vld [tilespmem:s28+$0x40]  }
0xe2: {  	v9 =	vadd.bf16 v10, v9;
	v10 =	vmul.bf16 v11, v2  }
0xe3: {  	v11 =	vld [tilespmem:s28+$0x50]  }
0xe4: {  	v9 =	vadd.bf16 v10, v9;
	v10 =	vmul.bf16 v12, v3  }
0xe5: {  	v12 =	vld [tilespmem:s28+$0x60]  }
0xe6: {  	v9 =	vadd.bf16 v10, v9;
	v10 =	vmul.bf16 v13, v4  }
0xe7: {  	v13 =	vld [tilespmem:s28+$0x70]  }
0xe8: {  	v9 =	vadd.bf16 v10, v9;
	v10 =	vmul.bf16 v11, v5;
	_ =	sdelay $0x1  }
0xe9: {  	v9 =	vadd.bf16 v10, v9;
	v10 =	vmul.bf16 v12, v6;
	_ =	sdelay $0x1  }
0xea: {  	v9 =	vadd.bf16 v10, v9;
	v10 =	vmul.bf16 v13, v7;
	_ =	sdelay $0x1  }
0xeb: {  	v9 =	vadd.bf16 v10, v9;
	_ =	sdelay $0x1  }
0xec: {  	v10 =	vunpack.i.u.bf16.f32 v9;
	v9 =	vunpack.i.l.bf16.f32 v9  }
0xed: {  	v9 =	vadd.f32 v9, v10;
	_ =	sdelay $0x1  }
0xee: {  	(xrf2) =	vadd.scan.msk.f32 $0xffff, v9;
	_ =	sdelay $0x6  }
0xef: {  	v8 =	vbroadcast v8, $0x0;
	_ =	sdelay $0x2  }
0xf0: {  	v9, _, _ =	vpop (xrf2)  }
0xf1: {  	v9 =	vbroadcast v9, $0xF;
	_ =	sdelay $0x1  }
0xf2: {  	[tilespmem:v8+s21+$0x0] =	vst.idx.msk $0x1, v9  }
0xf3: {  	v8 =	vld [tilespmem:s28+$0x80]  }
0xf4: {  	v9 =	vld [tilespmem:s28+$0x90]  }
0xf5: {  	v10 =	vld [tilespmem:s28+$0xA0]  }
0xf6: {  	v11 =	vld [tilespmem:s28+$0xB0]  }
0xf7: {  	v12 =	vld [tilespmem:s28+$0xC0]  }
0xf8: {  	v8 =	vmul.bf16 v8, v0;
	v13 =	vld [tilespmem:s28+$0xD0]  }
0xf9: {  	v9 =	vmul.bf16 v9, v1;
	v14 =	vld [tilespmem:s28+$0xE0]  }
0xfa: {  	v10 =	vmul.bf16 v10, v2;
	v15 =	vld [tilespmem:s28+$0xF0]  }
0xfb: {  	v8 =	vadd.bf16 v9, v8  }
0xfc: {  	v9 =	vmul.bf16 v11, v3  }
0xfd: {  	v8 =	vadd.bf16 v10, v8  }
0xfe: {  	v10 =	vmul.bf16 v12, v4  }
0xff: {  	v8 =	vadd.bf16 v9, v8  }
0x100: {  	v9 =	vmul.bf16 v13, v5  }
0x101: {  	v8 =	vadd.bf16 v10, v8  }
0x102: {  	v10 =	vmul.bf16 v14, v6  }
0x103: {  	v8 =	vadd.bf16 v9, v8  }
0x104: {  	v9 =	vmul.bf16 v15, v7  }
0x105: {  	v8 =	vadd.bf16 v10, v8;
	_ =	sdelay $0x1  }
0x106: {  	v8 =	vadd.bf16 v9, v8;
	_ =	sdelay $0x1  }
0x107: {  	v9 =	vunpack.i.u.bf16.f32 v8;
	v8 =	vunpack.i.l.bf16.f32 v8  }
0x108: {  	v8 =	vadd.f32 v8, v9;
	_ =	sdelay $0x1  }
0x109: {  	(xrf2) =	vadd.scan.msk.f32 $0xffff, v8;
	_ =	sdelay $0x2  }
.Ltmp0:
0x10a: {  	(pc) =	sbr.rel @p0 .LBB2_3-.Ltmp0, $2  }
0x10b: {  	_ =	sdelay $0x2  }
0x10c: {  	v8 =	vmov s30  }
0x10d: {  	_ = 	snop  }
0x10e: {  	p0 =	seq.s32 s24, $0x3F  }
0x10f: {  	s0 =	sadd.s32 @!p0 $0x1, s24;
	v0, _, _ =	vpop (xrf2)  }
0x110: {  	s28 =	sshll.u32 @!p0 s0, $0x8;
	s0 =	sshll.u32 @!p0 s0, $0x7;
	v0 =	vbroadcast v0, $0xF  }
0x111: {  	s28 =	sand.u32 @!p0 $0x7800, s28;
	s0 =	sand.u32 @!p0 $0x380, s0  }
0x112: {  	s0 =	sor.u32 @!p0 s0, s28;
	[tilespmem:v8+s21+$0x0] =	vst.idx.msk $0x1, v0  }
0x113: {  	v0 =	vld @!p0 [tilespmem:s0+$0x4080];
	_ =	sdelay $0x4  }
0x114: {  	[tilespmem:$0x8080] =	vst @!p0 v0  }
0x115: {  	v0 =	vld @!p0 [tilespmem:s0+$0x4090];
	_ =	sdelay $0x4  }
0x116: {  	[tilespmem:$0x8090] =	vst @!p0 v0  }
0x117: {  	v0 =	vld @!p0 [tilespmem:s0+$0x40A0];
	_ =	sdelay $0x4  }
0x118: {  	[tilespmem:$0x80A0] =	vst @!p0 v0  }
0x119: {  	v0 =	vld @!p0 [tilespmem:s0+$0x40B0];
	_ =	sdelay $0x4  }
0x11a: {  	[tilespmem:$0x80B0] =	vst @!p0 v0  }
0x11b: {  	v0 =	vld @!p0 [tilespmem:s0+$0x40C0];
	_ =	sdelay $0x4  }
0x11c: {  	[tilespmem:$0x80C0] =	vst @!p0 v0  }
0x11d: {  	v0 =	vld @!p0 [tilespmem:s0+$0x40D0];
	_ =	sdelay $0x4  }
0x11e: {  	[tilespmem:$0x80D0] =	vst @!p0 v0  }
0x11f: {  	v0 =	vld @!p0 [tilespmem:s0+$0x40E0];
	_ =	sdelay $0x4  }
0x120: {  	s29 =	simm.s32 @!p0 $0x8180;
	s28 =	simm.s32 @!p0 $0x8080;
	s0 =	simm.s32 @!p0 $0x70;
	[tilespmem:$0x80E0] =	vst @!p0 v0  }
0x121: {  	[tilespmem:s29], [sflag:$0x1] =	stream.indirect.gather @!p0 [hbm4b:s4+s0], $0x80, s28, s0, $0xb8;
	[tilespmem:$0x12980] =	vst v63  }
0x122: {  	_ =	swait.ge [sflag:s22], $0x3800  }
0x123: {  	[sflag:s22] =	ssyncset.done $0x0  }
0x124: {  	[sflag:s22] =	ssyncadd.s32 $0xFFFFC800  }
0x125: {  	v0 =	vld [tilespmem:s25+$0x80]  }
0x126: {  	s28 =	simm.s32 $0xBB70;
	v1 =	vld [tilespmem:s25+$0x90]  }
0x127: {  	v5 =	vld [tilespmem:s28+$0xFFFFFE20]  }
0x128: {  	v6 =	vld [tilespmem:s28+$0xFFFFFE10]  }
0x129: {  	v2 =	vld [tilespmem:s25+$0xA0]  }
0x12a: {  	v7 =	vld [tilespmem:s28+$0xFFFFFE30]  }
0x12b: {  	v3 =	vld [tilespmem:s25+$0xB0]  }
0x12c: {  	v8 =	vld [tilespmem:s28+$0xFFFFFE40]  }
0x12d: {  	v4 =	vld [tilespmem:s25+$0xC0];
	v6 =	vmul.bf16 v6, v0;
	v9 =	vmul.bf16 v5, v1  }
0x12e: {  	v10 =	vld [tilespmem:s28+$0xFFFFFE50]  }
0x12f: {  	v11 =	vld [tilespmem:s28+$0xFFFFFE60];
	v7 =	vmul.bf16 v7, v2;
	v9 =	vadd.bf16 v9, v6  }
0x130: {  	v5 =	vld [tilespmem:s25+$0xD0]  }
0x131: {  	v12 =	vld [tilespmem:s28+$0xFFFFFE70];
	v8 =	vmul.bf16 v8, v3;
	v9 =	vadd.bf16 v7, v9  }
0x132: {  	v6 =	vld [tilespmem:s25+$0xE0]  }
0x133: {  	v7 =	vld [tilespmem:s25+$0xF0];
	v8 =	vadd.bf16 v8, v9;
	v9 =	vmul.bf16 v10, v4  }
0x134: {  	v10 =	vld [tilespmem:s28+$0xFFFFFE80]  }
0x135: {  	v8 =	vadd.bf16 v9, v8;
	v9 =	vmul.bf16 v11, v5;
	_ =	sdelay $0x1  }
0x136: {  	v8 =	vadd.bf16 v9, v8;
	v9 =	vmul.bf16 v12, v6;
	_ =	sdelay $0x1  }
0x137: {  	v8 =	vadd.bf16 v9, v8;
	v9 =	vmul.bf16 v10, v7;
	_ =	sdelay $0x1  }
0x138: {  	v8 =	vadd.bf16 v9, v8;
	_ =	sdelay $0x1  }
0x139: {  	v9 =	vunpack.i.u.bf16.f32 v8;
	v8 =	vunpack.i.l.bf16.f32 v8  }
0x13a: {  	v8 =	vadd.f32 v8, v9;
	_ =	sdelay $0x1  }
0x13b: {  	(xrf2) =	vadd.scan.msk.f32 $0xffff, v8;
	_ =	sdelay $0x2  }
0x13c: {  	s25 =	sadd.s32 $0x70, s26  }
0x13d: {  	s26 =	sadd.s32 $0x0, s25  }
0x13e: {  	v8 =	vmov s26  }
0x13f: {  	v8 =	vand.u32 $0xFFFFFFFC, v8  }
0x140: {  	v8 =	vbroadcast v8, $0x0;
	_ =	sdelay $0x2  }
0x141: {  	v9, _, _ =	vpop (xrf2)  }
0x142: {  	v9 =	vbroadcast v9, $0xF;
	_ =	sdelay $0x1  }
0x143: {  	[tilespmem:v8+s21+$0x0] =	vst.idx.msk $0x1, v9  }
0x144: {  	v8 =	vld [tilespmem:s28+$0xFFFFFE90]  }
0x145: {  	v9 =	vld [tilespmem:s28+$0xFFFFFEA0];
	_ =	sdelay $0x1  }
0x146: {  	v10 =	vld [tilespmem:s28+$0xFFFFFEB0];
	_ =	sdelay $0x1  }
0x147: {  	v11 =	vld [tilespmem:s28+$0xFFFFFEC0]  }
0x148: {  	v8 =	vmul.bf16 v8, v0;
	v9 =	vmul.bf16 v9, v1  }
0x149: {  	v59 =	vld [tilespmem:s28+$0xFFFFFED0]  }
0x14a: {  	v8 =	vadd.bf16 v9, v8;
	v9 =	vmul.bf16 v10, v2  }
0x14b: {  	v10 =	vld [tilespmem:s28+$0xFFFFFEE0]  }
0x14c: {  	v8 =	vadd.bf16 v9, v8;
	v9 =	vmul.bf16 v11, v3  }
0x14d: {  	v11 =	vld [tilespmem:s28+$0xFFFFFEF0]  }
0x14e: {  	v8 =	vadd.bf16 v9, v8;
	v9 =	vmul.bf16 v59, v4  }
0x14f: {  	v60 =	vld [tilespmem:s28+$0xFFFFFF00]  }
0x150: {  	v8 =	vadd.bf16 v9, v8;
	v9 =	vmul.bf16 v10, v5;
	_ =	sdelay $0x1  }
0x151: {  	v8 =	vadd.bf16 v9, v8;
	v9 =	vmul.bf16 v11, v6;
	_ =	sdelay $0x1  }
0x152: {  	v8 =	vadd.bf16 v9, v8;
	v9 =	vmul.bf16 v60, v7;
	_ =	sdelay $0x1  }
0x153: {  	v8 =	vadd.bf16 v9, v8;
	_ =	sdelay $0x1  }
0x154: {  	v9 =	vunpack.i.u.bf16.f32 v8;
	v8 =	vunpack.i.l.bf16.f32 v8  }
0x155: {  	v8 =	vadd.f32 v8, v9;
	_ =	sdelay $0x1  }
0x156: {  	(xrf2) =	vadd.scan.msk.f32 $0xffff, v8;
	_ =	sdelay $0x3  }
0x157: {  	s29 =	sadd.s32 $0x1, s26  }
0x158: {  	v8 =	vmov s29  }
0x159: {  	v8 =	vand.u32 $0xFFFFFFFD, v8  }
0x15a: {  	v8 =	vbroadcast v8, $0x0;
	_ =	sdelay $0x2  }
0x15b: {  	v9, _, _ =	vpop (xrf2)  }
0x15c: {  	v9 =	vbroadcast v9, $0xF;
	_ =	sdelay $0x1  }
0x15d: {  	[tilespmem:v8+s21+$0x0] =	vst.idx.msk $0x1, v9  }
0x15e: {  	v8 =	vld [tilespmem:s28+$0xFFFFFF10]  }
0x15f: {  	v9 =	vld [tilespmem:s28+$0xFFFFFF20];
	_ =	sdelay $0x1  }
0x160: {  	v10 =	vld [tilespmem:s28+$0xFFFFFF30];
	_ =	sdelay $0x1  }
0x161: {  	v11 =	vld [tilespmem:s28+$0xFFFFFF40]  }
0x162: {  	v8 =	vmul.bf16 v8, v0;
	v9 =	vmul.bf16 v9, v1  }
0x163: {  	v61 =	vld [tilespmem:s28+$0xFFFFFF50]  }
0x164: {  	v8 =	vadd.bf16 v9, v8;
	v9 =	vmul.bf16 v10, v2  }
0x165: {  	v10 =	vld [tilespmem:s28+$0xFFFFFF60]  }
0x166: {  	v8 =	vadd.bf16 v9, v8;
	v9 =	vmul.bf16 v11, v3  }
0x167: {  	v11 =	vld [tilespmem:s28+$0xFFFFFF70]  }
0x168: {  	v8 =	vadd.bf16 v9, v8;
	v9 =	vmul.bf16 v61, v4  }
0x169: {  	v62 =	vld [tilespmem:s28+$0xFFFFFF80]  }
0x16a: {  	v8 =	vadd.bf16 v9, v8;
	v9 =	vmul.bf16 v10, v5;
	_ =	sdelay $0x1  }
0x16b: {  	v8 =	vadd.bf16 v9, v8;
	v9 =	vmul.bf16 v11, v6;
	_ =	sdelay $0x1  }
0x16c: {  	v8 =	vadd.bf16 v9, v8;
	v9 =	vmul.bf16 v62, v7;
	_ =	sdelay $0x1  }
0x16d: {  	v8 =	vadd.bf16 v9, v8;
	_ =	sdelay $0x1  }
0x16e: {  	v9 =	vunpack.i.u.bf16.f32 v8;
	v8 =	vunpack.i.l.bf16.f32 v8  }
0x16f: {  	v8 =	vadd.f32 v8, v9;
	_ =	sdelay $0x1  }
0x170: {  	(xrf2) =	vadd.scan.msk.f32 $0xffff, v8;
	_ =	sdelay $0x3  }
0x171: {  	s30 =	sadd.s32 $0x2, s26  }
0x172: {  	v8 =	vmov s30  }
0x173: {  	v8 =	vand.u32 $0xFFFFFFFE, v8  }
0x174: {  	v8 =	vbroadcast v8, $0x0;
	_ =	sdelay $0x2  }
0x175: {  	v9, _, _ =	vpop (xrf2)  }
0x176: {  	v9 =	vbroadcast v9, $0xF;
	_ =	sdelay $0x1  }
0x177: {  	[tilespmem:v8+s21+$0x0] =	vst.idx.msk $0x1, v9  }
0x178: {  	v8 =	vld [tilespmem:s28+$0xFFFFFF90]  }
0x179: {  	v9 =	vld [tilespmem:s28+$0xFFFFFFA0];
	_ =	sdelay $0x1  }
0x17a: {  	v10 =	vld [tilespmem:s28+$0xFFFFFFB0];
	_ =	sdelay $0x1  }
0x17b: {  	v11 =	vld [tilespmem:s28+$0xFFFFFFC0]  }
0x17c: {  	v8 =	vmul.bf16 v8, v0;
	v9 =	vmul.bf16 v9, v1  }
0x17d: {  	v63 =	vld [tilespmem:s28+$0xFFFFFFD0]  }
0x17e: {  	v10 =	vmul.bf16 v10, v2;
	v8 =	vadd.bf16 v9, v8  }
0x17f: {  	v9 =	vld [tilespmem:s28+$0xFFFFFFE0]  }
0x180: {  	v11 =	vmul.bf16 v11, v3;
	v8 =	vadd.bf16 v10, v8  }
0x181: {  	v10 =	vld [tilespmem:s28+$0xFFFFFFF0]  }
0x182: {  	v12 =	vmul.bf16 v63, v4;
	v8 =	vadd.bf16 v11, v8  }
0x183: {  	v11 =	vld [tilespmem:s28+$0x0]  }
0x184: {  	v9 =	vmul.bf16 v9, v5;
	v8 =	vadd.bf16 v12, v8;
	_ =	sdelay $0x1  }
0x185: {  	v10 =	vmul.bf16 v10, v6;
	v8 =	vadd.bf16 v9, v8;
	_ =	sdelay $0x1  }
0x186: {  	v9 =	vmul.bf16 v11, v7;
	v8 =	vadd.bf16 v10, v8;
	_ =	sdelay $0x1  }
0x187: {  	v8 =	vadd.bf16 v9, v8;
	_ =	sdelay $0x1  }
0x188: {  	v9 =	vunpack.i.u.bf16.f32 v8;
	v8 =	vunpack.i.l.bf16.f32 v8  }
0x189: {  	v8 =	vadd.f32 v8, v9;
	_ =	sdelay $0x1  }
0x18a: {  	(xrf2) =	vadd.scan.msk.f32 $0xffff, v8;
	_ =	sdelay $0x5  }
0x18b: {  	s31 =	sadd.s32 $0x3, s26  }
0x18c: {  	s26 =	simm.s32 $0x4;
	v8 =	vmov s31  }
.LBB2_5:
0x18d: {  	p0 =	slt.u32 s26, $0x6C  }
0x18e: {  	s28 =	sadd.s32 $0x200, s28;
	s29 =	smov.u32 s26;
	s26 =	sadd.s32 $0x4, s26  }
0x18f: {  	v9, _, _ =	vpop (xrf2)  }
0x190: {  	v9 =	vbroadcast v9, $0xF;
	_ =	sdelay $0x1  }
0x191: {  	[tilespmem:v8+s21+$0x0] =	vst.idx.msk $0x1, v9  }
0x192: {  	v8 =	vld [tilespmem:s28+$0xFFFFFE20]  }
0x193: {  	v9 =	vld [tilespmem:s28+$0xFFFFFE10];
	_ =	sdelay $0x1  }
0x194: {  	v10 =	vld [tilespmem:s28+$0xFFFFFE30];
	_ =	sdelay $0x1  }
0x195: {  	v11 =	vld [tilespmem:s28+$0xFFFFFE40]  }
0x196: {  	v8 =	vmul.bf16 v8, v1;
	v9 =	vmul.bf16 v9, v0  }
0x197: {  	v12 =	vld [tilespmem:s28+$0xFFFFFE50]  }
0x198: {  	v8 =	vadd.bf16 v8, v9;
	v9 =	vmul.bf16 v10, v2  }
0x199: {  	v10 =	vld [tilespmem:s28+$0xFFFFFE60]  }
0x19a: {  	v8 =	vadd.bf16 v9, v8;
	v9 =	vmul.bf16 v11, v3  }
0x19b: {  	v11 =	vld [tilespmem:s28+$0xFFFFFE70]  }
0x19c: {  	v8 =	vadd.bf16 v9, v8;
	v9 =	vmul.bf16 v12, v4  }
0x19d: {  	v12 =	vld [tilespmem:s28+$0xFFFFFE80]  }
0x19e: {  	v8 =	vadd.bf16 v9, v8;
	v9 =	vmul.bf16 v10, v5;
	_ =	sdelay $0x1  }
0x19f: {  	v8 =	vadd.bf16 v9, v8;
	v9 =	vmul.bf16 v11, v6;
	_ =	sdelay $0x1  }
0x1a0: {  	v8 =	vadd.bf16 v9, v8;
	v9 =	vmul.bf16 v12, v7;
	_ =	sdelay $0x1  }
0x1a1: {  	v8 =	vadd.bf16 v9, v8;
	_ =	sdelay $0x1  }
0x1a2: {  	v9 =	vunpack.i.u.bf16.f32 v8;
	v8 =	vunpack.i.l.bf16.f32 v8  }
0x1a3: {  	v8 =	vadd.f32 v8, v9;
	_ =	sdelay $0x1  }
0x1a4: {  	(xrf2) =	vadd.scan.msk.f32 $0xffff, v8;
	_ =	sdelay $0x3  }
0x1a5: {  	s0 =	sadd.s32 s25, s29  }
0x1a6: {  	s30 =	sadd.s32 $0x1, s0;
	s31 =	sadd.s32 $0x2, s0;
	s29 =	sadd.s32 $0x3, s0;
	v8 =	vmov s0  }
0x1a7: {  	v10 =	vmov s31;
	v9 =	vmov s30;
	v8 =	vand.u32 $0xFFFFFFFC, v8  }
0x1a8: {  	v9 =	vand.u32 $0xFFFFFFFD, v9;
	v11 =	vbroadcast v8, $0x0;
	v8 =	vand.u32 $0xFFFFFFFE, v10;
	_ =	sdelay $0x2  }
0x1a9: {  	v10, _, _ =	vpop (xrf2)  }
0x1aa: {  	v10 =	vbroadcast v10, $0xF;
	_ =	sdelay $0x1  }
0x1ab: {  	[tilespmem:v11+s21+$0x0] =	vst.idx.msk $0x1, v10  }
0x1ac: {  	v10 =	vld [tilespmem:s28+$0xFFFFFE90]  }
0x1ad: {  	v11 =	vld [tilespmem:s28+$0xFFFFFEA0];
	_ =	sdelay $0x1  }
0x1ae: {  	v12 =	vld [tilespmem:s28+$0xFFFFFEB0];
	_ =	sdelay $0x1  }
0x1af: {  	v13 =	vld [tilespmem:s28+$0xFFFFFEC0]  }
0x1b0: {  	v10 =	vmul.bf16 v10, v0;
	v11 =	vmul.bf16 v11, v1  }
0x1b1: {  	v14 =	vld [tilespmem:s28+$0xFFFFFED0]  }
0x1b2: {  	v10 =	vadd.bf16 v11, v10;
	v11 =	vmul.bf16 v12, v2  }
0x1b3: {  	v12 =	vld [tilespmem:s28+$0xFFFFFEE0]  }
0x1b4: {  	v10 =	vadd.bf16 v11, v10;
	v11 =	vmul.bf16 v13, v3  }
0x1b5: {  	v13 =	vld [tilespmem:s28+$0xFFFFFEF0]  }
0x1b6: {  	v10 =	vadd.bf16 v11, v10;
	v11 =	vmul.bf16 v14, v4  }
0x1b7: {  	v14 =	vld [tilespmem:s28+$0xFFFFFF00]  }
0x1b8: {  	v10 =	vadd.bf16 v11, v10;
	v11 =	vmul.bf16 v12, v5;
	_ =	sdelay $0x1  }
0x1b9: {  	v10 =	vadd.bf16 v11, v10;
	v11 =	vmul.bf16 v13, v6;
	_ =	sdelay $0x1  }
0x1ba: {  	v10 =	vadd.bf16 v11, v10;
	v11 =	vmul.bf16 v14, v7;
	_ =	sdelay $0x1  }
0x1bb: {  	v10 =	vadd.bf16 v11, v10;
	_ =	sdelay $0x1  }
0x1bc: {  	v11 =	vunpack.i.u.bf16.f32 v10;
	v10 =	vunpack.i.l.bf16.f32 v10  }
0x1bd: {  	v10 =	vadd.f32 v10, v11;
	_ =	sdelay $0x1  }
0x1be: {  	(xrf2) =	vadd.scan.msk.f32 $0xffff, v10;
	_ =	sdelay $0x6  }
0x1bf: {  	v9 =	vbroadcast v9, $0x0;
	_ =	sdelay $0x2  }
0x1c0: {  	v10, _, _ =	vpop (xrf2)  }
0x1c1: {  	v10 =	vbroadcast v10, $0xF;
	_ =	sdelay $0x1  }
0x1c2: {  	[tilespmem:v9+s21+$0x0] =	vst.idx.msk $0x1, v10  }
0x1c3: {  	v9 =	vld [tilespmem:s28+$0xFFFFFF10]  }
0x1c4: {  	v10 =	vld [tilespmem:s28+$0xFFFFFF20];
	_ =	sdelay $0x1  }
0x1c5: {  	v11 =	vld [tilespmem:s28+$0xFFFFFF30];
	_ =	sdelay $0x1  }
0x1c6: {  	v9 =	vmul.bf16 v9, v0;
	v12 =	vld [tilespmem:s28+$0xFFFFFF40]  }
0x1c7: {  	v10 =	vmul.bf16 v10, v1  }
0x1c8: {  	v13 =	vld [tilespmem:s28+$0xFFFFFF50]  }
0x1c9: {  	v9 =	vadd.bf16 v10, v9;
	v10 =	vmul.bf16 v11, v2  }
0x1ca: {  	v11 =	vld [tilespmem:s28+$0xFFFFFF60]  }
0x1cb: {  	v9 =	vadd.bf16 v10, v9;
	v10 =	vmul.bf16 v12, v3  }
0x1cc: {  	v12 =	vld [tilespmem:s28+$0xFFFFFF70]  }
0x1cd: {  	v9 =	vadd.bf16 v10, v9;
	v10 =	vmul.bf16 v13, v4  }
0x1ce: {  	v13 =	vld [tilespmem:s28+$0xFFFFFF80]  }
0x1cf: {  	v9 =	vadd.bf16 v10, v9;
	v10 =	vmul.bf16 v11, v5;
	_ =	sdelay $0x1  }
0x1d0: {  	v9 =	vadd.bf16 v10, v9;
	v10 =	vmul.bf16 v12, v6;
	_ =	sdelay $0x1  }
0x1d1: {  	v9 =	vadd.bf16 v10, v9;
	v10 =	vmul.bf16 v13, v7;
	_ =	sdelay $0x1  }
0x1d2: {  	v9 =	vadd.bf16 v10, v9;
	_ =	sdelay $0x1  }
0x1d3: {  	v10 =	vunpack.i.u.bf16.f32 v9;
	v9 =	vunpack.i.l.bf16.f32 v9  }
0x1d4: {  	v9 =	vadd.f32 v9, v10;
	_ =	sdelay $0x1  }
0x1d5: {  	(xrf2) =	vadd.scan.msk.f32 $0xffff, v9;
	_ =	sdelay $0x6  }
0x1d6: {  	v8 =	vbroadcast v8, $0x0;
	_ =	sdelay $0x2  }
0x1d7: {  	v9, _, _ =	vpop (xrf2)  }
0x1d8: {  	v9 =	vbroadcast v9, $0xF;
	_ =	sdelay $0x1  }
0x1d9: {  	[tilespmem:v8+s21+$0x0] =	vst.idx.msk $0x1, v9  }
0x1da: {  	v8 =	vld [tilespmem:s28+$0xFFFFFF90]  }
0x1db: {  	v9 =	vld [tilespmem:s28+$0xFFFFFFA0]  }
0x1dc: {  	v10 =	vld [tilespmem:s28+$0xFFFFFFB0]  }
0x1dd: {  	v11 =	vld [tilespmem:s28+$0xFFFFFFC0]  }
0x1de: {  	v12 =	vld [tilespmem:s28+$0xFFFFFFD0]  }
0x1df: {  	v8 =	vmul.bf16 v8, v0;
	v13 =	vld [tilespmem:s28+$0xFFFFFFE0]  }
0x1e0: {  	v9 =	vmul.bf16 v9, v1;
	v14 =	vld [tilespmem:s28+$0xFFFFFFF0]  }
0x1e1: {  	v10 =	vmul.bf16 v10, v2;
	v15 =	vld [tilespmem:s28+$0x0]  }
0x1e2: {  	v8 =	vadd.bf16 v9, v8  }
0x1e3: {  	v9 =	vmul.bf16 v11, v3  }
0x1e4: {  	v8 =	vadd.bf16 v10, v8  }
0x1e5: {  	v10 =	vmul.bf16 v12, v4  }
0x1e6: {  	v8 =	vadd.bf16 v9, v8  }
0x1e7: {  	v9 =	vmul.bf16 v13, v5  }
0x1e8: {  	v8 =	vadd.bf16 v10, v8  }
0x1e9: {  	v10 =	vmul.bf16 v14, v6  }
0x1ea: {  	v8 =	vadd.bf16 v9, v8  }
0x1eb: {  	v9 =	vmul.bf16 v15, v7  }
0x1ec: {  	v8 =	vadd.bf16 v10, v8;
	_ =	sdelay $0x1  }
0x1ed: {  	v8 =	vadd.bf16 v9, v8;
	_ =	sdelay $0x1  }
0x1ee: {  	v9 =	vunpack.i.u.bf16.f32 v8;
	v8 =	vunpack.i.l.bf16.f32 v8  }
0x1ef: {  	v8 =	vadd.f32 v8, v9;
	_ =	sdelay $0x1  }
0x1f0: {  	(xrf2) =	vadd.scan.msk.f32 $0xffff, v8;
	_ =	sdelay $0x2  }
.Ltmp1:
0x1f1: {  	(pc) =	sbr.rel @p0 .LBB2_5-.Ltmp1, $2  }
0x1f2: {  	_ =	sdelay $0x2  }
0x1f3: {  	v8 =	vmov s29  }
0x1f4: {  	s24 =	sadd.s32 $0x1, s24  }
0x1f5: {  	p0 =	sne.s32 s24, $0x40  }
.Ltmp2:
0x1f6: {  	_ = 	snop;
	(pc) =	sbr.rel @p0 .LBB2_2-.Ltmp2, $3  }
0x1f7: {  	v0, _, _ =	vpop (xrf2)  }
0x1f8: {  	v0 =	vbroadcast v0, $0xF;
	_ =	sdelay $0x1  }
0x1f9: {  	[tilespmem:v8+s21+$0x0] =	vst.idx.msk $0x1, v0  }
0x1fa: {  	s24 =	simm.s32 $0x0  }
0x1fb: {  	[hbm4b:s7+s24] =	stream.linear.scatter [tilespmem:s21], [sflag:$0x4], $0x3800, $0x38;
	[tilespmem:$0x12980] =	vst v63  }
0x1fc: {  	_ =	swait.ge [sflag:s11], $0x3800  }
0x1fd: {  	[sflag:s11] =	ssyncset.done $0x0  }
0x1fe: {  	[sflag:s11] =	ssyncadd.s32 $0xFFFFC800  }
0x1ff: {  	[tilespmem:s14], [sflag:$0x4] =	stream.linear.gather [hbm4b:s8+s24], $0x4000, $0x38;
	[tilespmem:$0x12980] =	vst v63  }
0x200: {  	_ =	swait.ge [sflag:s11], $0x4000  }
0x201: {  	[sflag:s11] =	ssyncset.done $0x0  }
0x202: {  	[sflag:s11] =	ssyncadd.s32 $0xFFFFC000  }
0x203: {  	v0 =	vld [tilespmem:$0x4080]  }
0x204: {  	v1 =	vld [tilespmem:$0x4090]  }
0x205: {  	v2 =	vld [tilespmem:$0x40A0]  }
0x206: {  	v3 =	vld [tilespmem:$0x40B0]  }
0x207: {  	v4 =	vld [tilespmem:$0x40C0]  }
0x208: {  	v62 =	vld [tilespmem:$0x40D0];
	[tilespmem:$0x8080] =	vst v0  }
0x209: {  	v63 =	vld [tilespmem:$0x40E0];
	[tilespmem:$0x8090] =	vst v1  }
0x20a: {  	[tilespmem:$0x80A0] =	vst v2  }
0x20b: {  	[tilespmem:$0x80B0] =	vst v3  }
0x20c: {  	[tilespmem:$0x80C0] =	vst v4  }
0x20d: {  	[tilespmem:$0x80D0] =	vst v62  }
0x20e: {  	[tilespmem:$0x80E0] =	vst v63  }
0x20f: {  	[tilespmem:s17], [sflag:$0x1] =	stream.indirect.gather [hbm4b:s4+s15], $0x80, s16, s15, $0xb8;
	[tilespmem:$0x12980] =	vst v63  }
.LBB2_8:
0x210: {  	s0 =	sshll.u32 s24, $0x8;
	s25 =	sshll.u32 s24, $0x7  }
0x211: {  	s0 =	sand.u32 $0x3800, s0;
	s26 =	sand.u32 $0x380, s25  }
0x212: {  	s0 =	sor.u32 s26, s0  }
0x213: {  	v0 =	vld [tilespmem:s0+$0x40F0];
	_ =	sdelay $0x4  }
0x214: {  	[tilespmem:$0x8100] =	vst v0  }
0x215: {  	v0 =	vld [tilespmem:s0+$0x4480];
	_ =	sdelay $0x4  }
0x216: {  	[tilespmem:$0x8110] =	vst v0  }
0x217: {  	v0 =	vld [tilespmem:s0+$0x4490];
	_ =	sdelay $0x4  }
0x218: {  	[tilespmem:$0x8120] =	vst v0  }
0x219: {  	v0 =	vld [tilespmem:s0+$0x44A0];
	_ =	sdelay $0x4  }
0x21a: {  	[tilespmem:$0x8130] =	vst v0  }
0x21b: {  	v0 =	vld [tilespmem:s0+$0x44B0];
	_ =	sdelay $0x4  }
0x21c: {  	[tilespmem:$0x8140] =	vst v0  }
0x21d: {  	v0 =	vld [tilespmem:s0+$0x44C0];
	_ =	sdelay $0x4  }
0x21e: {  	[tilespmem:$0x8150] =	vst v0  }
0x21f: {  	v0 =	vld [tilespmem:s0+$0x44D0];
	_ =	sdelay $0x4  }
0x220: {  	[tilespmem:$0x8160] =	vst v0  }
0x221: {  	[tilespmem:s19], [sflag:$0x2] =	stream.indirect.gather [hbm4b:s4+s15], $0x80, s18, s15, $0xb8;
	[tilespmem:$0x12980] =	vst v63  }
0x222: {  	_ =	swait.ge [sflag:s20], $0x3800  }
0x223: {  	[sflag:s20] =	ssyncset.done $0x0  }
0x224: {  	[sflag:s20] =	ssyncadd.s32 $0xFFFFC800  }
0x225: {  	v0 =	vld [tilespmem:s25+$0x2080]  }
0x226: {  	s28 =	simm.s32 $0x8280;
	v1 =	vld [tilespmem:s25+$0x2090]  }
0x227: {  	v5 =	vld [tilespmem:s28+$0xFFFFFF10]  }
0x228: {  	v6 =	vld [tilespmem:s28+$0xFFFFFF00]  }
0x229: {  	v2 =	vld [tilespmem:s25+$0x20A0]  }
0x22a: {  	v7 =	vld [tilespmem:s28+$0xFFFFFF20]  }
0x22b: {  	v3 =	vld [tilespmem:s25+$0x20B0]  }
0x22c: {  	v8 =	vld [tilespmem:s28+$0xFFFFFF30]  }
0x22d: {  	v4 =	vld [tilespmem:s25+$0x20C0];
	v6 =	vmul.bf16 v6, v0;
	v9 =	vmul.bf16 v5, v1  }
0x22e: {  	v10 =	vld [tilespmem:s28+$0xFFFFFF40]  }
0x22f: {  	v11 =	vld [tilespmem:s28+$0xFFFFFF50];
	v7 =	vmul.bf16 v7, v2;
	v9 =	vadd.bf16 v9, v6  }
0x230: {  	v5 =	vld [tilespmem:s25+$0x20D0]  }
0x231: {  	v12 =	vld [tilespmem:s28+$0xFFFFFF60];
	v8 =	vmul.bf16 v8, v3;
	v9 =	vadd.bf16 v7, v9  }
0x232: {  	v6 =	vld [tilespmem:s25+$0x20E0]  }
0x233: {  	v7 =	vld [tilespmem:s25+$0x20F0];
	v8 =	vadd.bf16 v8, v9;
	v9 =	vmul.bf16 v10, v4  }
0x234: {  	v10 =	vld [tilespmem:s28+$0xFFFFFF70]  }
0x235: {  	v8 =	vadd.bf16 v9, v8;
	v9 =	vmul.bf16 v11, v5;
	_ =	sdelay $0x1  }
0x236: {  	v8 =	vadd.bf16 v9, v8;
	v9 =	vmul.bf16 v12, v6;
	_ =	sdelay $0x1  }
0x237: {  	v8 =	vadd.bf16 v9, v8;
	v9 =	vmul.bf16 v10, v7;
	_ =	sdelay $0x1  }
0x238: {  	v8 =	vadd.bf16 v9, v8;
	_ =	sdelay $0x1  }
0x239: {  	v9 =	vunpack.i.u.bf16.f32 v8;
	v8 =	vunpack.i.l.bf16.f32 v8  }
0x23a: {  	v8 =	vadd.f32 v8, v9;
	_ =	sdelay $0x1  }
0x23b: {  	(xrf2) =	vadd.scan.msk.f32 $0xffff, v8;
	_ =	sdelay $0x1  }
0x23c: {  	s26 =	smul.u32 $0xE0, s24;
	_ =	sdelay $0x1  }
0x23d: {  	s29 =	sadd.s32 $0x0, s26  }
0x23e: {  	v8 =	vmov s29  }
0x23f: {  	v8 =	vand.u32 $0xFFFFFFFC, v8  }
0x240: {  	v8 =	vbroadcast v8, $0x0;
	_ =	sdelay $0x2  }
0x241: {  	v9, _, _ =	vpop (xrf2)  }
0x242: {  	v9 =	vbroadcast v9, $0xF;
	_ =	sdelay $0x1  }
0x243: {  	[tilespmem:v8+s21+$0x0] =	vst.idx.msk $0x1, v9  }
0x244: {  	v8 =	vld [tilespmem:s28+$0xFFFFFF80]  }
0x245: {  	v9 =	vld [tilespmem:s28+$0xFFFFFF90];
	_ =	sdelay $0x1  }
0x246: {  	v10 =	vld [tilespmem:s28+$0xFFFFFFA0];
	_ =	sdelay $0x1  }
0x247: {  	v11 =	vld [tilespmem:s28+$0xFFFFFFB0]  }
0x248: {  	v8 =	vmul.bf16 v8, v0;
	v9 =	vmul.bf16 v9, v1  }
0x249: {  	v59 =	vld [tilespmem:s28+$0xFFFFFFC0]  }
0x24a: {  	v8 =	vadd.bf16 v9, v8;
	v9 =	vmul.bf16 v10, v2  }
0x24b: {  	v10 =	vld [tilespmem:s28+$0xFFFFFFD0]  }
0x24c: {  	v8 =	vadd.bf16 v9, v8;
	v9 =	vmul.bf16 v11, v3  }
0x24d: {  	v11 =	vld [tilespmem:s28+$0xFFFFFFE0]  }
0x24e: {  	v8 =	vadd.bf16 v9, v8;
	v9 =	vmul.bf16 v59, v4  }
0x24f: {  	v60 =	vld [tilespmem:s28+$0xFFFFFFF0]  }
0x250: {  	v8 =	vadd.bf16 v9, v8;
	v9 =	vmul.bf16 v10, v5;
	_ =	sdelay $0x1  }
0x251: {  	v8 =	vadd.bf16 v9, v8;
	v9 =	vmul.bf16 v11, v6;
	_ =	sdelay $0x1  }
0x252: {  	v8 =	vadd.bf16 v9, v8;
	v9 =	vmul.bf16 v60, v7;
	_ =	sdelay $0x1  }
0x253: {  	v8 =	vadd.bf16 v9, v8;
	_ =	sdelay $0x1  }
0x254: {  	v9 =	vunpack.i.u.bf16.f32 v8;
	v8 =	vunpack.i.l.bf16.f32 v8  }
0x255: {  	v8 =	vadd.f32 v8, v9;
	_ =	sdelay $0x1  }
0x256: {  	(xrf2) =	vadd.scan.msk.f32 $0xffff, v8;
	_ =	sdelay $0x3  }
0x257: {  	s2 =	sadd.s32 $0x1, s29  }
0x258: {  	v8 =	vmov s2  }
0x259: {  	v8 =	vand.u32 $0xFFFFFFFD, v8  }
0x25a: {  	v8 =	vbroadcast v8, $0x0;
	_ =	sdelay $0x2  }
0x25b: {  	v9, _, _ =	vpop (xrf2)  }
0x25c: {  	v9 =	vbroadcast v9, $0xF;
	_ =	sdelay $0x1  }
0x25d: {  	[tilespmem:v8+s21+$0x0] =	vst.idx.msk $0x1, v9  }
0x25e: {  	v8 =	vld [tilespmem:s28+$0x0]  }
0x25f: {  	v9 =	vld [tilespmem:s28+$0x10];
	_ =	sdelay $0x1  }
0x260: {  	v10 =	vld [tilespmem:s28+$0x20];
	_ =	sdelay $0x1  }
0x261: {  	v11 =	vld [tilespmem:s28+$0x30]  }
0x262: {  	v8 =	vmul.bf16 v8, v0;
	v9 =	vmul.bf16 v9, v1  }
0x263: {  	v61 =	vld [tilespmem:s28+$0x40]  }
0x264: {  	v8 =	vadd.bf16 v9, v8;
	v9 =	vmul.bf16 v10, v2  }
0x265: {  	v10 =	vld [tilespmem:s28+$0x50]  }
0x266: {  	v8 =	vadd.bf16 v9, v8;
	v9 =	vmul.bf16 v11, v3  }
0x267: {  	v11 =	vld [tilespmem:s28+$0x60]  }
0x268: {  	v8 =	vadd.bf16 v9, v8;
	v9 =	vmul.bf16 v61, v4  }
0x269: {  	v62 =	vld [tilespmem:s28+$0x70]  }
0x26a: {  	v8 =	vadd.bf16 v9, v8;
	v9 =	vmul.bf16 v10, v5;
	_ =	sdelay $0x1  }
0x26b: {  	v8 =	vadd.bf16 v9, v8;
	v9 =	vmul.bf16 v11, v6;
	_ =	sdelay $0x1  }
0x26c: {  	v8 =	vadd.bf16 v9, v8;
	v9 =	vmul.bf16 v62, v7;
	_ =	sdelay $0x1  }
0x26d: {  	v8 =	vadd.bf16 v9, v8;
	_ =	sdelay $0x1  }
0x26e: {  	v9 =	vunpack.i.u.bf16.f32 v8;
	v8 =	vunpack.i.l.bf16.f32 v8  }
0x26f: {  	v8 =	vadd.f32 v8, v9;
	_ =	sdelay $0x1  }
0x270: {  	(xrf2) =	vadd.scan.msk.f32 $0xffff, v8;
	_ =	sdelay $0x3  }
0x271: {  	s30 =	sadd.s32 $0x2, s29  }
0x272: {  	v8 =	vmov s30  }
0x273: {  	v8 =	vand.u32 $0xFFFFFFFE, v8  }
0x274: {  	v8 =	vbroadcast v8, $0x0;
	_ =	sdelay $0x2  }
0x275: {  	v9, _, _ =	vpop (xrf2)  }
0x276: {  	v9 =	vbroadcast v9, $0xF;
	_ =	sdelay $0x1  }
0x277: {  	[tilespmem:v8+s21+$0x0] =	vst.idx.msk $0x1, v9  }
0x278: {  	v8 =	vld [tilespmem:s28+$0x80]  }
0x279: {  	v9 =	vld [tilespmem:s28+$0x90];
	_ =	sdelay $0x1  }
0x27a: {  	v10 =	vld [tilespmem:s28+$0xA0];
	_ =	sdelay $0x1  }
0x27b: {  	v11 =	vld [tilespmem:s28+$0xB0]  }
0x27c: {  	v8 =	vmul.bf16 v8, v0;
	v9 =	vmul.bf16 v9, v1  }
0x27d: {  	v63 =	vld [tilespmem:s28+$0xC0]  }
0x27e: {  	v10 =	vmul.bf16 v10, v2;
	v8 =	vadd.bf16 v9, v8  }
0x27f: {  	v9 =	vld [tilespmem:s28+$0xD0]  }
0x280: {  	v11 =	vmul.bf16 v11, v3;
	v8 =	vadd.bf16 v10, v8  }
0x281: {  	v10 =	vld [tilespmem:s28+$0xE0]  }
0x282: {  	v12 =	vmul.bf16 v63, v4;
	v8 =	vadd.bf16 v11, v8  }
0x283: {  	v11 =	vld [tilespmem:s28+$0xF0]  }
0x284: {  	v9 =	vmul.bf16 v9, v5;
	v8 =	vadd.bf16 v12, v8;
	_ =	sdelay $0x1  }
0x285: {  	v10 =	vmul.bf16 v10, v6;
	v8 =	vadd.bf16 v9, v8;
	_ =	sdelay $0x1  }
0x286: {  	v9 =	vmul.bf16 v11, v7;
	v8 =	vadd.bf16 v10, v8;
	_ =	sdelay $0x1  }
0x287: {  	v8 =	vadd.bf16 v9, v8;
	_ =	sdelay $0x1  }
0x288: {  	v9 =	vunpack.i.u.bf16.f32 v8;
	v8 =	vunpack.i.l.bf16.f32 v8  }
0x289: {  	v8 =	vadd.f32 v8, v9;
	_ =	sdelay $0x1  }
0x28a: {  	(xrf2) =	vadd.scan.msk.f32 $0xffff, v8;
	_ =	sdelay $0x5  }
0x28b: {  	s31 =	sadd.s32 $0x3, s29  }
0x28c: {  	s29 =	simm.s32 $0x4;
	v8 =	vmov s31  }
.LBB2_9:
0x28d: {  	p0 =	slt.u32 s29, $0x6C  }
0x28e: {  	s28 =	sadd.s32 $0x200, s28;
	s30 =	smov.u32 s29;
	s29 =	sadd.s32 $0x4, s29  }
0x28f: {  	v9, _, _ =	vpop (xrf2)  }
0x290: {  	v9 =	vbroadcast v9, $0xF;
	_ =	sdelay $0x1  }
0x291: {  	[tilespmem:v8+s21+$0x0] =	vst.idx.msk $0x1, v9  }
0x292: {  	v8 =	vld [tilespmem:s28+$0xFFFFFF10]  }
0x293: {  	v9 =	vld [tilespmem:s28+$0xFFFFFF00];
	_ =	sdelay $0x1  }
0x294: {  	v10 =	vld [tilespmem:s28+$0xFFFFFF20];
	_ =	sdelay $0x1  }
0x295: {  	v11 =	vld [tilespmem:s28+$0xFFFFFF30]  }
0x296: {  	v8 =	vmul.bf16 v8, v1;
	v9 =	vmul.bf16 v9, v0  }
0x297: {  	v12 =	vld [tilespmem:s28+$0xFFFFFF40]  }
0x298: {  	v8 =	vadd.bf16 v8, v9;
	v9 =	vmul.bf16 v10, v2  }
0x299: {  	v10 =	vld [tilespmem:s28+$0xFFFFFF50]  }
0x29a: {  	v8 =	vadd.bf16 v9, v8;
	v9 =	vmul.bf16 v11, v3  }
0x29b: {  	v11 =	vld [tilespmem:s28+$0xFFFFFF60]  }
0x29c: {  	v8 =	vadd.bf16 v9, v8;
	v9 =	vmul.bf16 v12, v4  }
0x29d: {  	v12 =	vld [tilespmem:s28+$0xFFFFFF70]  }
0x29e: {  	v8 =	vadd.bf16 v9, v8;
	v9 =	vmul.bf16 v10, v5;
	_ =	sdelay $0x1  }
0x29f: {  	v8 =	vadd.bf16 v9, v8;
	v9 =	vmul.bf16 v11, v6;
	_ =	sdelay $0x1  }
0x2a0: {  	v8 =	vadd.bf16 v9, v8;
	v9 =	vmul.bf16 v12, v7;
	_ =	sdelay $0x1  }
0x2a1: {  	v8 =	vadd.bf16 v9, v8;
	_ =	sdelay $0x1  }
0x2a2: {  	v9 =	vunpack.i.u.bf16.f32 v8;
	v8 =	vunpack.i.l.bf16.f32 v8  }
0x2a3: {  	v8 =	vadd.f32 v8, v9;
	_ =	sdelay $0x1  }
0x2a4: {  	(xrf2) =	vadd.scan.msk.f32 $0xffff, v8;
	_ =	sdelay $0x3  }
0x2a5: {  	s0 =	sadd.s32 s26, s30  }
0x2a6: {  	s31 =	sadd.s32 $0x1, s0;
	s2 =	sadd.s32 $0x2, s0;
	s30 =	sadd.s32 $0x3, s0;
	v8 =	vmov s0  }
0x2a7: {  	v10 =	vmov s2;
	v9 =	vmov s31;
	v8 =	vand.u32 $0xFFFFFFFC, v8  }
0x2a8: {  	v9 =	vand.u32 $0xFFFFFFFD, v9;
	v11 =	vbroadcast v8, $0x0;
	v8 =	vand.u32 $0xFFFFFFFE, v10;
	_ =	sdelay $0x2  }
0x2a9: {  	v10, _, _ =	vpop (xrf2)  }
0x2aa: {  	v10 =	vbroadcast v10, $0xF;
	_ =	sdelay $0x1  }
0x2ab: {  	[tilespmem:v11+s21+$0x0] =	vst.idx.msk $0x1, v10  }
0x2ac: {  	v10 =	vld [tilespmem:s28+$0xFFFFFF80]  }
0x2ad: {  	v11 =	vld [tilespmem:s28+$0xFFFFFF90];
	_ =	sdelay $0x1  }
0x2ae: {  	v12 =	vld [tilespmem:s28+$0xFFFFFFA0];
	_ =	sdelay $0x1  }
0x2af: {  	v13 =	vld [tilespmem:s28+$0xFFFFFFB0]  }
0x2b0: {  	v10 =	vmul.bf16 v10, v0;
	v11 =	vmul.bf16 v11, v1  }
0x2b1: {  	v14 =	vld [tilespmem:s28+$0xFFFFFFC0]  }
0x2b2: {  	v10 =	vadd.bf16 v11, v10;
	v11 =	vmul.bf16 v12, v2  }
0x2b3: {  	v12 =	vld [tilespmem:s28+$0xFFFFFFD0]  }
0x2b4: {  	v10 =	vadd.bf16 v11, v10;
	v11 =	vmul.bf16 v13, v3  }
0x2b5: {  	v13 =	vld [tilespmem:s28+$0xFFFFFFE0]  }
0x2b6: {  	v10 =	vadd.bf16 v11, v10;
	v11 =	vmul.bf16 v14, v4  }
0x2b7: {  	v14 =	vld [tilespmem:s28+$0xFFFFFFF0]  }
0x2b8: {  	v10 =	vadd.bf16 v11, v10;
	v11 =	vmul.bf16 v12, v5;
	_ =	sdelay $0x1  }
0x2b9: {  	v10 =	vadd.bf16 v11, v10;
	v11 =	vmul.bf16 v13, v6;
	_ =	sdelay $0x1  }
0x2ba: {  	v10 =	vadd.bf16 v11, v10;
	v11 =	vmul.bf16 v14, v7;
	_ =	sdelay $0x1  }
0x2bb: {  	v10 =	vadd.bf16 v11, v10;
	_ =	sdelay $0x1  }
0x2bc: {  	v11 =	vunpack.i.u.bf16.f32 v10;
	v10 =	vunpack.i.l.bf16.f32 v10  }
0x2bd: {  	v10 =	vadd.f32 v10, v11;
	_ =	sdelay $0x1  }
0x2be: {  	(xrf2) =	vadd.scan.msk.f32 $0xffff, v10;
	_ =	sdelay $0x6  }
0x2bf: {  	v9 =	vbroadcast v9, $0x0;
	_ =	sdelay $0x2  }
0x2c0: {  	v10, _, _ =	vpop (xrf2)  }
0x2c1: {  	v10 =	vbroadcast v10, $0xF;
	_ =	sdelay $0x1  }
0x2c2: {  	[tilespmem:v9+s21+$0x0] =	vst.idx.msk $0x1, v10  }
0x2c3: {  	v9 =	vld [tilespmem:s28+$0x0]  }
0x2c4: {  	v10 =	vld [tilespmem:s28+$0x10];
	_ =	sdelay $0x1  }
0x2c5: {  	v11 =	vld [tilespmem:s28+$0x20];
	_ =	sdelay $0x1  }
0x2c6: {  	v9 =	vmul.bf16 v9, v0;
	v12 =	vld [tilespmem:s28+$0x30]  }
0x2c7: {  	v10 =	vmul.bf16 v10, v1  }
0x2c8: {  	v13 =	vld [tilespmem:s28+$0x40]  }
0x2c9: {  	v9 =	vadd.bf16 v10, v9;
	v10 =	vmul.bf16 v11, v2  }
0x2ca: {  	v11 =	vld [tilespmem:s28+$0x50]  }
0x2cb: {  	v9 =	vadd.bf16 v10, v9;
	v10 =	vmul.bf16 v12, v3  }
0x2cc: {  	v12 =	vld [tilespmem:s28+$0x60]  }
0x2cd: {  	v9 =	vadd.bf16 v10, v9;
	v10 =	vmul.bf16 v13, v4  }
0x2ce: {  	v13 =	vld [tilespmem:s28+$0x70]  }
0x2cf: {  	v9 =	vadd.bf16 v10, v9;
	v10 =	vmul.bf16 v11, v5;
	_ =	sdelay $0x1  }
0x2d0: {  	v9 =	vadd.bf16 v10, v9;
	v10 =	vmul.bf16 v12, v6;
	_ =	sdelay $0x1  }
0x2d1: {  	v9 =	vadd.bf16 v10, v9;
	v10 =	vmul.bf16 v13, v7;
	_ =	sdelay $0x1  }
0x2d2: {  	v9 =	vadd.bf16 v10, v9;
	_ =	sdelay $0x1  }
0x2d3: {  	v10 =	vunpack.i.u.bf16.f32 v9;
	v9 =	vunpack.i.l.bf16.f32 v9  }
0x2d4: {  	v9 =	vadd.f32 v9, v10;
	_ =	sdelay $0x1  }
0x2d5: {  	(xrf2) =	vadd.scan.msk.f32 $0xffff, v9;
	_ =	sdelay $0x6  }
0x2d6: {  	v8 =	vbroadcast v8, $0x0;
	_ =	sdelay $0x2  }
0x2d7: {  	v9, _, _ =	vpop (xrf2)  }
0x2d8: {  	v9 =	vbroadcast v9, $0xF;
	_ =	sdelay $0x1  }
0x2d9: {  	[tilespmem:v8+s21+$0x0] =	vst.idx.msk $0x1, v9  }
0x2da: {  	v8 =	vld [tilespmem:s28+$0x80]  }
0x2db: {  	v9 =	vld [tilespmem:s28+$0x90]  }
0x2dc: {  	v10 =	vld [tilespmem:s28+$0xA0]  }
0x2dd: {  	v11 =	vld [tilespmem:s28+$0xB0]  }
0x2de: {  	v12 =	vld [tilespmem:s28+$0xC0]  }
0x2df: {  	v8 =	vmul.bf16 v8, v0;
	v13 =	vld [tilespmem:s28+$0xD0]  }
0x2e0: {  	v9 =	vmul.bf16 v9, v1;
	v14 =	vld [tilespmem:s28+$0xE0]  }
0x2e1: {  	v10 =	vmul.bf16 v10, v2;
	v15 =	vld [tilespmem:s28+$0xF0]  }
0x2e2: {  	v8 =	vadd.bf16 v9, v8  }
0x2e3: {  	v9 =	vmul.bf16 v11, v3  }
0x2e4: {  	v8 =	vadd.bf16 v10, v8  }
0x2e5: {  	v10 =	vmul.bf16 v12, v4  }
0x2e6: {  	v8 =	vadd.bf16 v9, v8  }
0x2e7: {  	v9 =	vmul.bf16 v13, v5  }
0x2e8: {  	v8 =	vadd.bf16 v10, v8  }
0x2e9: {  	v10 =	vmul.bf16 v14, v6  }
0x2ea: {  	v8 =	vadd.bf16 v9, v8  }
0x2eb: {  	v9 =	vmul.bf16 v15, v7  }
0x2ec: {  	v8 =	vadd.bf16 v10, v8;
	_ =	sdelay $0x1  }
0x2ed: {  	v8 =	vadd.bf16 v9, v8;
	_ =	sdelay $0x1  }
0x2ee: {  	v9 =	vunpack.i.u.bf16.f32 v8;
	v8 =	vunpack.i.l.bf16.f32 v8  }
0x2ef: {  	v8 =	vadd.f32 v8, v9;
	_ =	sdelay $0x1  }
0x2f0: {  	(xrf2) =	vadd.scan.msk.f32 $0xffff, v8;
	_ =	sdelay $0x2  }
.Ltmp3:
0x2f1: {  	(pc) =	sbr.rel @p0 .LBB2_9-.Ltmp3, $2  }
0x2f2: {  	_ =	sdelay $0x2  }
0x2f3: {  	v8 =	vmov s30  }
0x2f4: {  	_ = 	snop  }
0x2f5: {  	p0 =	seq.s32 s24, $0x3F  }
0x2f6: {  	s0 =	sadd.s32 @!p0 $0x1, s24;
	v0, _, _ =	vpop (xrf2)  }
0x2f7: {  	s2 =	sshll.u32 @!p0 s0, $0x8;
	s0 =	sshll.u32 @!p0 s0, $0x7;
	v0 =	vbroadcast v0, $0xF  }
0x2f8: {  	s2 =	sand.u32 @!p0 $0x7800, s2;
	s0 =	sand.u32 @!p0 $0x380, s0  }
0x2f9: {  	s0 =	sor.u32 @!p0 s0, s2;
	[tilespmem:v8+s21+$0x0] =	vst.idx.msk $0x1, v0  }
0x2fa: {  	v0 =	vld @!p0 [tilespmem:s0+$0x4080];
	_ =	sdelay $0x4  }
0x2fb: {  	[tilespmem:$0x8080] =	vst @!p0 v0  }
0x2fc: {  	v0 =	vld @!p0 [tilespmem:s0+$0x4090];
	_ =	sdelay $0x4  }
0x2fd: {  	[tilespmem:$0x8090] =	vst @!p0 v0  }
0x2fe: {  	v0 =	vld @!p0 [tilespmem:s0+$0x40A0];
	_ =	sdelay $0x4  }
0x2ff: {  	[tilespmem:$0x80A0] =	vst @!p0 v0  }
0x300: {  	v0 =	vld @!p0 [tilespmem:s0+$0x40B0];
	_ =	sdelay $0x4  }
0x301: {  	[tilespmem:$0x80B0] =	vst @!p0 v0  }
0x302: {  	v0 =	vld @!p0 [tilespmem:s0+$0x40C0];
	_ =	sdelay $0x4  }
0x303: {  	[tilespmem:$0x80C0] =	vst @!p0 v0  }
0x304: {  	v0 =	vld @!p0 [tilespmem:s0+$0x40D0];
	_ =	sdelay $0x4  }
0x305: {  	[tilespmem:$0x80D0] =	vst @!p0 v0  }
0x306: {  	v0 =	vld @!p0 [tilespmem:s0+$0x40E0];
	_ =	sdelay $0x4  }
0x307: {  	s28 =	simm.s32 @!p0 $0x8180;
	s2 =	simm.s32 @!p0 $0x8080;
	s0 =	simm.s32 @!p0 $0x70;
	[tilespmem:$0x80E0] =	vst @!p0 v0  }
0x308: {  	[tilespmem:s28], [sflag:$0x1] =	stream.indirect.gather @!p0 [hbm4b:s4+s0], $0x80, s2, s0, $0xb8;
	[tilespmem:$0x12980] =	vst v63  }
0x309: {  	_ =	swait.ge [sflag:s22], $0x3800  }
0x30a: {  	[sflag:s22] =	ssyncset.done $0x0  }
0x30b: {  	[sflag:s22] =	ssyncadd.s32 $0xFFFFC800  }
0x30c: {  	v0 =	vld [tilespmem:s25+$0x2080]  }
0x30d: {  	s28 =	simm.s32 $0xBB70;
	v1 =	vld [tilespmem:s25+$0x2090]  }
0x30e: {  	v5 =	vld [tilespmem:s28+$0xFFFFFE20]  }
0x30f: {  	v6 =	vld [tilespmem:s28+$0xFFFFFE10]  }
0x310: {  	v2 =	vld [tilespmem:s25+$0x20A0]  }
0x311: {  	v7 =	vld [tilespmem:s28+$0xFFFFFE30]  }
0x312: {  	v3 =	vld [tilespmem:s25+$0x20B0]  }
0x313: {  	v8 =	vld [tilespmem:s28+$0xFFFFFE40]  }
0x314: {  	v4 =	vld [tilespmem:s25+$0x20C0];
	v6 =	vmul.bf16 v6, v0;
	v9 =	vmul.bf16 v5, v1  }
0x315: {  	v10 =	vld [tilespmem:s28+$0xFFFFFE50]  }
0x316: {  	v11 =	vld [tilespmem:s28+$0xFFFFFE60];
	v7 =	vmul.bf16 v7, v2;
	v9 =	vadd.bf16 v9, v6  }
0x317: {  	v5 =	vld [tilespmem:s25+$0x20D0]  }
0x318: {  	v12 =	vld [tilespmem:s28+$0xFFFFFE70];
	v8 =	vmul.bf16 v8, v3;
	v9 =	vadd.bf16 v7, v9  }
0x319: {  	v6 =	vld [tilespmem:s25+$0x20E0]  }
0x31a: {  	v7 =	vld [tilespmem:s25+$0x20F0];
	v8 =	vadd.bf16 v8, v9;
	v9 =	vmul.bf16 v10, v4  }
0x31b: {  	v10 =	vld [tilespmem:s28+$0xFFFFFE80]  }
0x31c: {  	v8 =	vadd.bf16 v9, v8;
	v9 =	vmul.bf16 v11, v5;
	_ =	sdelay $0x1  }
0x31d: {  	v8 =	vadd.bf16 v9, v8;
	v9 =	vmul.bf16 v12, v6;
	_ =	sdelay $0x1  }
0x31e: {  	v8 =	vadd.bf16 v9, v8;
	v9 =	vmul.bf16 v10, v7;
	_ =	sdelay $0x1  }
0x31f: {  	v8 =	vadd.bf16 v9, v8;
	_ =	sdelay $0x1  }
0x320: {  	v9 =	vunpack.i.u.bf16.f32 v8;
	v8 =	vunpack.i.l.bf16.f32 v8  }
0x321: {  	v8 =	vadd.f32 v8, v9;
	_ =	sdelay $0x1  }
0x322: {  	(xrf2) =	vadd.scan.msk.f32 $0xffff, v8;
	_ =	sdelay $0x2  }
0x323: {  	s25 =	sadd.s32 $0x70, s26  }
0x324: {  	s26 =	sadd.s32 $0x0, s25  }
0x325: {  	v8 =	vmov s26  }
0x326: {  	v8 =	vand.u32 $0xFFFFFFFC, v8  }
0x327: {  	v8 =	vbroadcast v8, $0x0;
	_ =	sdelay $0x2  }
0x328: {  	v9, _, _ =	vpop (xrf2)  }
0x329: {  	v9 =	vbroadcast v9, $0xF;
	_ =	sdelay $0x1  }
0x32a: {  	[tilespmem:v8+s21+$0x0] =	vst.idx.msk $0x1, v9  }
0x32b: {  	v8 =	vld [tilespmem:s28+$0xFFFFFE90]  }
0x32c: {  	v9 =	vld [tilespmem:s28+$0xFFFFFEA0];
	_ =	sdelay $0x1  }
0x32d: {  	v10 =	vld [tilespmem:s28+$0xFFFFFEB0];
	_ =	sdelay $0x1  }
0x32e: {  	v11 =	vld [tilespmem:s28+$0xFFFFFEC0]  }
0x32f: {  	v8 =	vmul.bf16 v8, v0;
	v9 =	vmul.bf16 v9, v1  }
0x330: {  	v59 =	vld [tilespmem:s28+$0xFFFFFED0]  }
0x331: {  	v8 =	vadd.bf16 v9, v8;
	v9 =	vmul.bf16 v10, v2  }
0x332: {  	v10 =	vld [tilespmem:s28+$0xFFFFFEE0]  }
0x333: {  	v8 =	vadd.bf16 v9, v8;
	v9 =	vmul.bf16 v11, v3  }
0x334: {  	v11 =	vld [tilespmem:s28+$0xFFFFFEF0]  }
0x335: {  	v8 =	vadd.bf16 v9, v8;
	v9 =	vmul.bf16 v59, v4  }
0x336: {  	v60 =	vld [tilespmem:s28+$0xFFFFFF00]  }
0x337: {  	v8 =	vadd.bf16 v9, v8;
	v9 =	vmul.bf16 v10, v5;
	_ =	sdelay $0x1  }
0x338: {  	v8 =	vadd.bf16 v9, v8;
	v9 =	vmul.bf16 v11, v6;
	_ =	sdelay $0x1  }
0x339: {  	v8 =	vadd.bf16 v9, v8;
	v9 =	vmul.bf16 v60, v7;
	_ =	sdelay $0x1  }
0x33a: {  	v8 =	vadd.bf16 v9, v8;
	_ =	sdelay $0x1  }
0x33b: {  	v9 =	vunpack.i.u.bf16.f32 v8;
	v8 =	vunpack.i.l.bf16.f32 v8  }
0x33c: {  	v8 =	vadd.f32 v8, v9;
	_ =	sdelay $0x1  }
0x33d: {  	(xrf2) =	vadd.scan.msk.f32 $0xffff, v8;
	_ =	sdelay $0x3  }
0x33e: {  	s29 =	sadd.s32 $0x1, s26  }
0x33f: {  	v8 =	vmov s29  }
0x340: {  	v8 =	vand.u32 $0xFFFFFFFD, v8  }
0x341: {  	v8 =	vbroadcast v8, $0x0;
	_ =	sdelay $0x2  }
0x342: {  	v9, _, _ =	vpop (xrf2)  }
0x343: {  	v9 =	vbroadcast v9, $0xF;
	_ =	sdelay $0x1  }
0x344: {  	[tilespmem:v8+s21+$0x0] =	vst.idx.msk $0x1, v9  }
0x345: {  	v8 =	vld [tilespmem:s28+$0xFFFFFF10]  }
0x346: {  	v9 =	vld [tilespmem:s28+$0xFFFFFF20];
	_ =	sdelay $0x1  }
0x347: {  	v10 =	vld [tilespmem:s28+$0xFFFFFF30];
	_ =	sdelay $0x1  }
0x348: {  	v11 =	vld [tilespmem:s28+$0xFFFFFF40]  }
0x349: {  	v8 =	vmul.bf16 v8, v0;
	v9 =	vmul.bf16 v9, v1  }
0x34a: {  	v61 =	vld [tilespmem:s28+$0xFFFFFF50]  }
0x34b: {  	v8 =	vadd.bf16 v9, v8;
	v9 =	vmul.bf16 v10, v2  }
0x34c: {  	v10 =	vld [tilespmem:s28+$0xFFFFFF60]  }
0x34d: {  	v8 =	vadd.bf16 v9, v8;
	v9 =	vmul.bf16 v11, v3  }
0x34e: {  	v11 =	vld [tilespmem:s28+$0xFFFFFF70]  }
0x34f: {  	v8 =	vadd.bf16 v9, v8;
	v9 =	vmul.bf16 v61, v4  }
0x350: {  	v62 =	vld [tilespmem:s28+$0xFFFFFF80]  }
0x351: {  	v8 =	vadd.bf16 v9, v8;
	v9 =	vmul.bf16 v10, v5;
	_ =	sdelay $0x1  }
0x352: {  	v8 =	vadd.bf16 v9, v8;
	v9 =	vmul.bf16 v11, v6;
	_ =	sdelay $0x1  }
0x353: {  	v8 =	vadd.bf16 v9, v8;
	v9 =	vmul.bf16 v62, v7;
	_ =	sdelay $0x1  }
0x354: {  	v8 =	vadd.bf16 v9, v8;
	_ =	sdelay $0x1  }
0x355: {  	v9 =	vunpack.i.u.bf16.f32 v8;
	v8 =	vunpack.i.l.bf16.f32 v8  }
0x356: {  	v8 =	vadd.f32 v8, v9;
	_ =	sdelay $0x1  }
0x357: {  	(xrf2) =	vadd.scan.msk.f32 $0xffff, v8;
	_ =	sdelay $0x3  }
0x358: {  	s30 =	sadd.s32 $0x2, s26  }
0x359: {  	v8 =	vmov s30  }
0x35a: {  	v8 =	vand.u32 $0xFFFFFFFE, v8  }
0x35b: {  	v8 =	vbroadcast v8, $0x0;
	_ =	sdelay $0x2  }
0x35c: {  	v9, _, _ =	vpop (xrf2)  }
0x35d: {  	v9 =	vbroadcast v9, $0xF;
	_ =	sdelay $0x1  }
0x35e: {  	[tilespmem:v8+s21+$0x0] =	vst.idx.msk $0x1, v9  }
0x35f: {  	v8 =	vld [tilespmem:s28+$0xFFFFFF90]  }
0x360: {  	v9 =	vld [tilespmem:s28+$0xFFFFFFA0];
	_ =	sdelay $0x1  }
0x361: {  	v10 =	vld [tilespmem:s28+$0xFFFFFFB0];
	_ =	sdelay $0x1  }
0x362: {  	v11 =	vld [tilespmem:s28+$0xFFFFFFC0]  }
0x363: {  	v8 =	vmul.bf16 v8, v0;
	v9 =	vmul.bf16 v9, v1  }
0x364: {  	v63 =	vld [tilespmem:s28+$0xFFFFFFD0]  }
0x365: {  	v10 =	vmul.bf16 v10, v2;
	v8 =	vadd.bf16 v9, v8  }
0x366: {  	v9 =	vld [tilespmem:s28+$0xFFFFFFE0]  }
0x367: {  	v11 =	vmul.bf16 v11, v3;
	v8 =	vadd.bf16 v10, v8  }
0x368: {  	v10 =	vld [tilespmem:s28+$0xFFFFFFF0]  }
0x369: {  	v12 =	vmul.bf16 v63, v4;
	v8 =	vadd.bf16 v11, v8  }
0x36a: {  	v11 =	vld [tilespmem:s28+$0x0]  }
0x36b: {  	v9 =	vmul.bf16 v9, v5;
	v8 =	vadd.bf16 v12, v8;
	_ =	sdelay $0x1  }
0x36c: {  	v10 =	vmul.bf16 v10, v6;
	v8 =	vadd.bf16 v9, v8;
	_ =	sdelay $0x1  }
0x36d: {  	v9 =	vmul.bf16 v11, v7;
	v8 =	vadd.bf16 v10, v8;
	_ =	sdelay $0x1  }
0x36e: {  	v8 =	vadd.bf16 v9, v8;
	_ =	sdelay $0x1  }
0x36f: {  	v9 =	vunpack.i.u.bf16.f32 v8;
	v8 =	vunpack.i.l.bf16.f32 v8  }
0x370: {  	v8 =	vadd.f32 v8, v9;
	_ =	sdelay $0x1  }
0x371: {  	(xrf2) =	vadd.scan.msk.f32 $0xffff, v8;
	_ =	sdelay $0x5  }
0x372: {  	s31 =	sadd.s32 $0x3, s26  }
0x373: {  	s26 =	simm.s32 $0x4;
	v8 =	vmov s31  }
.LBB2_11:
0x374: {  	p0 =	slt.u32 s26, $0x6C  }
0x375: {  	s28 =	sadd.s32 $0x200, s28;
	s29 =	smov.u32 s26;
	s26 =	sadd.s32 $0x4, s26  }
0x376: {  	v9, _, _ =	vpop (xrf2)  }
0x377: {  	v9 =	vbroadcast v9, $0xF;
	_ =	sdelay $0x1  }
0x378: {  	[tilespmem:v8+s21+$0x0] =	vst.idx.msk $0x1, v9  }
0x379: {  	v8 =	vld [tilespmem:s28+$0xFFFFFE20]  }
0x37a: {  	v9 =	vld [tilespmem:s28+$0xFFFFFE10];
	_ =	sdelay $0x1  }
0x37b: {  	v10 =	vld [tilespmem:s28+$0xFFFFFE30];
	_ =	sdelay $0x1  }
0x37c: {  	v11 =	vld [tilespmem:s28+$0xFFFFFE40]  }
0x37d: {  	v8 =	vmul.bf16 v8, v1;
	v9 =	vmul.bf16 v9, v0  }
0x37e: {  	v12 =	vld [tilespmem:s28+$0xFFFFFE50]  }
0x37f: {  	v8 =	vadd.bf16 v8, v9;
	v9 =	vmul.bf16 v10, v2  }
0x380: {  	v10 =	vld [tilespmem:s28+$0xFFFFFE60]  }
0x381: {  	v8 =	vadd.bf16 v9, v8;
	v9 =	vmul.bf16 v11, v3  }
0x382: {  	v11 =	vld [tilespmem:s28+$0xFFFFFE70]  }
0x383: {  	v8 =	vadd.bf16 v9, v8;
	v9 =	vmul.bf16 v12, v4  }
0x384: {  	v12 =	vld [tilespmem:s28+$0xFFFFFE80]  }
0x385: {  	v8 =	vadd.bf16 v9, v8;
	v9 =	vmul.bf16 v10, v5;
	_ =	sdelay $0x1  }
0x386: {  	v8 =	vadd.bf16 v9, v8;
	v9 =	vmul.bf16 v11, v6;
	_ =	sdelay $0x1  }
0x387: {  	v8 =	vadd.bf16 v9, v8;
	v9 =	vmul.bf16 v12, v7;
	_ =	sdelay $0x1  }
0x388: {  	v8 =	vadd.bf16 v9, v8;
	_ =	sdelay $0x1  }
0x389: {  	v9 =	vunpack.i.u.bf16.f32 v8;
	v8 =	vunpack.i.l.bf16.f32 v8  }
0x38a: {  	v8 =	vadd.f32 v8, v9;
	_ =	sdelay $0x1  }
0x38b: {  	(xrf2) =	vadd.scan.msk.f32 $0xffff, v8;
	_ =	sdelay $0x3  }
0x38c: {  	s0 =	sadd.s32 s25, s29  }
0x38d: {  	s2 =	sadd.s32 $0x1, s0;
	s30 =	sadd.s32 $0x2, s0;
	s29 =	sadd.s32 $0x3, s0;
	v8 =	vmov s0  }
0x38e: {  	v10 =	vmov s30;
	v9 =	vmov s2;
	v8 =	vand.u32 $0xFFFFFFFC, v8  }
0x38f: {  	v9 =	vand.u32 $0xFFFFFFFD, v9;
	v11 =	vbroadcast v8, $0x0;
	v8 =	vand.u32 $0xFFFFFFFE, v10;
	_ =	sdelay $0x2  }
0x390: {  	v10, _, _ =	vpop (xrf2)  }
0x391: {  	v10 =	vbroadcast v10, $0xF;
	_ =	sdelay $0x1  }
0x392: {  	[tilespmem:v11+s21+$0x0] =	vst.idx.msk $0x1, v10  }
0x393: {  	v10 =	vld [tilespmem:s28+$0xFFFFFE90]  }
0x394: {  	v11 =	vld [tilespmem:s28+$0xFFFFFEA0];
	_ =	sdelay $0x1  }
0x395: {  	v12 =	vld [tilespmem:s28+$0xFFFFFEB0];
	_ =	sdelay $0x1  }
0x396: {  	v13 =	vld [tilespmem:s28+$0xFFFFFEC0]  }
0x397: {  	v10 =	vmul.bf16 v10, v0;
	v11 =	vmul.bf16 v11, v1  }
0x398: {  	v14 =	vld [tilespmem:s28+$0xFFFFFED0]  }
0x399: {  	v10 =	vadd.bf16 v11, v10;
	v11 =	vmul.bf16 v12, v2  }
0x39a: {  	v12 =	vld [tilespmem:s28+$0xFFFFFEE0]  }
0x39b: {  	v10 =	vadd.bf16 v11, v10;
	v11 =	vmul.bf16 v13, v3  }
0x39c: {  	v13 =	vld [tilespmem:s28+$0xFFFFFEF0]  }
0x39d: {  	v10 =	vadd.bf16 v11, v10;
	v11 =	vmul.bf16 v14, v4  }
0x39e: {  	v14 =	vld [tilespmem:s28+$0xFFFFFF00]  }
0x39f: {  	v10 =	vadd.bf16 v11, v10;
	v11 =	vmul.bf16 v12, v5;
	_ =	sdelay $0x1  }
0x3a0: {  	v10 =	vadd.bf16 v11, v10;
	v11 =	vmul.bf16 v13, v6;
	_ =	sdelay $0x1  }
0x3a1: {  	v10 =	vadd.bf16 v11, v10;
	v11 =	vmul.bf16 v14, v7;
	_ =	sdelay $0x1  }
0x3a2: {  	v10 =	vadd.bf16 v11, v10;
	_ =	sdelay $0x1  }
0x3a3: {  	v11 =	vunpack.i.u.bf16.f32 v10;
	v10 =	vunpack.i.l.bf16.f32 v10  }
0x3a4: {  	v10 =	vadd.f32 v10, v11;
	_ =	sdelay $0x1  }
0x3a5: {  	(xrf2) =	vadd.scan.msk.f32 $0xffff, v10;
	_ =	sdelay $0x6  }
0x3a6: {  	v9 =	vbroadcast v9, $0x0;
	_ =	sdelay $0x2  }
0x3a7: {  	v10, _, _ =	vpop (xrf2)  }
0x3a8: {  	v10 =	vbroadcast v10, $0xF;
	_ =	sdelay $0x1  }
0x3a9: {  	[tilespmem:v9+s21+$0x0] =	vst.idx.msk $0x1, v10  }
0x3aa: {  	v9 =	vld [tilespmem:s28+$0xFFFFFF10]  }
0x3ab: {  	v10 =	vld [tilespmem:s28+$0xFFFFFF20];
	_ =	sdelay $0x1  }
0x3ac: {  	v11 =	vld [tilespmem:s28+$0xFFFFFF30];
	_ =	sdelay $0x1  }
0x3ad: {  	v9 =	vmul.bf16 v9, v0;
	v12 =	vld [tilespmem:s28+$0xFFFFFF40]  }
0x3ae: {  	v10 =	vmul.bf16 v10, v1  }
0x3af: {  	v13 =	vld [tilespmem:s28+$0xFFFFFF50]  }
0x3b0: {  	v9 =	vadd.bf16 v10, v9;
	v10 =	vmul.bf16 v11, v2  }
0x3b1: {  	v11 =	vld [tilespmem:s28+$0xFFFFFF60]  }
0x3b2: {  	v9 =	vadd.bf16 v10, v9;
	v10 =	vmul.bf16 v12, v3  }
0x3b3: {  	v12 =	vld [tilespmem:s28+$0xFFFFFF70]  }
0x3b4: {  	v9 =	vadd.bf16 v10, v9;
	v10 =	vmul.bf16 v13, v4  }
0x3b5: {  	v13 =	vld [tilespmem:s28+$0xFFFFFF80]  }
0x3b6: {  	v9 =	vadd.bf16 v10, v9;
	v10 =	vmul.bf16 v11, v5;
	_ =	sdelay $0x1  }
0x3b7: {  	v9 =	vadd.bf16 v10, v9;
	v10 =	vmul.bf16 v12, v6;
	_ =	sdelay $0x1  }
0x3b8: {  	v9 =	vadd.bf16 v10, v9;
	v10 =	vmul.bf16 v13, v7;
	_ =	sdelay $0x1  }
0x3b9: {  	v9 =	vadd.bf16 v10, v9;
	_ =	sdelay $0x1  }
0x3ba: {  	v10 =	vunpack.i.u.bf16.f32 v9;
	v9 =	vunpack.i.l.bf16.f32 v9  }
0x3bb: {  	v9 =	vadd.f32 v9, v10;
	_ =	sdelay $0x1  }
0x3bc: {  	(xrf2) =	vadd.scan.msk.f32 $0xffff, v9;
	_ =	sdelay $0x6  }
0x3bd: {  	v8 =	vbroadcast v8, $0x0;
	_ =	sdelay $0x2  }
0x3be: {  	v9, _, _ =	vpop (xrf2)  }
0x3bf: {  	v9 =	vbroadcast v9, $0xF;
	_ =	sdelay $0x1  }
0x3c0: {  	[tilespmem:v8+s21+$0x0] =	vst.idx.msk $0x1, v9  }
0x3c1: {  	v8 =	vld [tilespmem:s28+$0xFFFFFF90]  }
0x3c2: {  	v9 =	vld [tilespmem:s28+$0xFFFFFFA0]  }
0x3c3: {  	v10 =	vld [tilespmem:s28+$0xFFFFFFB0]  }
0x3c4: {  	v11 =	vld [tilespmem:s28+$0xFFFFFFC0]  }
0x3c5: {  	v12 =	vld [tilespmem:s28+$0xFFFFFFD0]  }
0x3c6: {  	v8 =	vmul.bf16 v8, v0;
	v13 =	vld [tilespmem:s28+$0xFFFFFFE0]  }
0x3c7: {  	v9 =	vmul.bf16 v9, v1;
	v14 =	vld [tilespmem:s28+$0xFFFFFFF0]  }
0x3c8: {  	v10 =	vmul.bf16 v10, v2;
	v15 =	vld [tilespmem:s28+$0x0]  }
0x3c9: {  	v8 =	vadd.bf16 v9, v8  }
0x3ca: {  	v9 =	vmul.bf16 v11, v3  }
0x3cb: {  	v8 =	vadd.bf16 v10, v8  }
0x3cc: {  	v10 =	vmul.bf16 v12, v4  }
0x3cd: {  	v8 =	vadd.bf16 v9, v8  }
0x3ce: {  	v9 =	vmul.bf16 v13, v5  }
0x3cf: {  	v8 =	vadd.bf16 v10, v8  }
0x3d0: {  	v10 =	vmul.bf16 v14, v6  }
0x3d1: {  	v8 =	vadd.bf16 v9, v8  }
0x3d2: {  	v9 =	vmul.bf16 v15, v7  }
0x3d3: {  	v8 =	vadd.bf16 v10, v8;
	_ =	sdelay $0x1  }
0x3d4: {  	v8 =	vadd.bf16 v9, v8;
	_ =	sdelay $0x1  }
0x3d5: {  	v9 =	vunpack.i.u.bf16.f32 v8;
	v8 =	vunpack.i.l.bf16.f32 v8  }
0x3d6: {  	v8 =	vadd.f32 v8, v9;
	_ =	sdelay $0x1  }
0x3d7: {  	(xrf2) =	vadd.scan.msk.f32 $0xffff, v8;
	_ =	sdelay $0x2  }
.Ltmp4:
0x3d8: {  	(pc) =	sbr.rel @p0 .LBB2_11-.Ltmp4, $2  }
0x3d9: {  	_ =	sdelay $0x2  }
0x3da: {  	v8 =	vmov s29  }
0x3db: {  	s24 =	sadd.s32 $0x1, s24  }
0x3dc: {  	p0 =	sne.s32 s24, $0x40  }
.Ltmp5:
0x3dd: {  	_ = 	snop;
	(pc) =	sbr.rel @p0 .LBB2_8-.Ltmp5, $3  }
0x3de: {  	v0, _, _ =	vpop (xrf2)  }
0x3df: {  	v0 =	vbroadcast v0, $0xF;
	_ =	sdelay $0x1  }
0x3e0: {  	[tilespmem:v8+s21+$0x0] =	vst.idx.msk $0x1, v0  }
0x3e1: {  	s23 =	sadd.s32 $0x1, s23  }
0x3e2: {  	p0 =	sne.s32 s23, s10  }
.Ltmp6:
0x3e3: {  	_ = 	snop;
	(pc) =	sbr.rel @p0 .LBB2_1-.Ltmp6, $4  }
0x3e4: {  	[hbm4b:s9+s1] =	stream.linear.scatter [tilespmem:s21], [sflag:$0x4], $0x3800, $0x38;
	[tilespmem:$0x12980] =	vst v63  }
0x3e5: {  	_ =	swait.ge [sflag:s11], $0x3800  }
0x3e6: {  	[sflag:s11] =	ssyncset.done $0x0  }
0x3e7: {  	[sflag:s11] =	ssyncadd.s32 $0xFFFFC800  }
0x3e8: {  	_ =	sfence.sel $0x180000  }
0x3e9: {  	[bflag:$0x0] =	sbarrier.arrive $0xFFFF  }
0x3ea: {  	_ =	strace $0x90000047  }
0x3eb: {  	s0 =	stileid.u32;
	[bflag:$0x2] =	sbarrier.arrive $0xFFFF  }
0x3ec: {  	p0 =	sne.s32 s0, $0x0;
	s0 =	rddreg [dreg:$0x2]  }
0x3ed: {  	s0 =	sadd.s32 @!p0 $0x100000, s0  }
0x3ee: {  	[sflag:s0] =	ssyncadd.tile.s32 @!p0 $0x1;
	_ =	shalt  }
.Lfunc_end2:
_tile_overlayer_lowered:
.L_overlay_start_2:
0x3ef: {  	(tag) =	ssettag $0x2  }
0x3f0: {  	s0 =	rddreg [dreg:$0x0];
	s2 =	stileid.u32  }
0x3f1: {  	s1 =	rddreg [dreg:$0x1];
	p0 =	sne.s32 s2, $0x0  }
0x3f2: {  	s3 =	rddreg [dreg:$0x2];
	[bflag:$0x3] =	sbarrier.arrive $0xFFFF;
	s2 =	simm.s32 @!p0 $0x1C04  }
0x3f3: {  	[timem:s3], [sflag:s2] =	dma.local @!p0 [hbm:s0], s1  }
0x3f4: {  	s0 =	simm.s32 @!p0 $0x4  }
0x3f5: {  	_ =	swait.ge @!p0 [sflag:s0], s1  }
0x3f6: {  	s1 =	ssub.s32 @!p0 $0x0, s1;
	[sflag:s0] =	ssyncset.done @!p0 $0x0  }
0x3f7: {  	[sflag:s0] =	ssyncadd.s32 @!p0 s1  }
0x3f8: {  	[bflag:$0x3] =	sbarrier.arrive $0xFFFF  }
0x3f9: {  	_ =	shalt  }

</sc_bundles>
